<compile_context>
chip_gen: v7x
topology: tpu7x:2x2x1
jax: 0.10.2.dev20260603
libtpu: 0.0.44.dev20260713+nightly
codegen_flags: <defaults>
</compile_context>

<pallas_src>
import functools

import jax
import jax.numpy as jnp
from jax import lax
from jax.experimental import pallas as pl
from jax.experimental.pallas import tpu as pltpu
from jax.experimental.pallas import tpu_sc as plsc

N_NODES = 10000
N_PAD = 10240
N_EDGES = 160000
N_TILES = 16
CHUNK = 128
NBUF = 4
N_CHUNKS = 80
E_TILE = N_EDGES // N_TILES
E_TILE_PAD = N_CHUNKS * CHUNK
N_CHUNKS2 = 40
E_TILE2 = N_EDGES // 32
E_TILE2_PAD = N_CHUNKS2 * CHUNK
ROWS_TILE = N_PAD // N_TILES
ROW_BLK = 1024

_f32 = jnp.float32


def _mesh():
    return plsc.VectorSubcoreMesh(core_axis_name="c", subcore_axis_name="s")


NIB1 = 16
NIB2 = 8


@functools.partial(
    pl.kernel,
    out_type=jax.ShapeDtypeStruct((2 * N_PAD, CHUNK), _f32),
    mesh=_mesh(),
    scratch_types=[
        pltpu.VMEM((N_CHUNKS2, CHUNK), jnp.int32),
        pltpu.VMEM((CHUNK, CHUNK), _f32),
        pltpu.VMEM_SHARED((N_PAD, CHUNK), _f32),
        pltpu.SemaphoreType.DMA((NBUF,)),
    ],
)
def _deg_kernel(dst_hbm, ones_hbm, zeros_hbm, deg_hbm, dst_v, ones_v, acc, sem):
    c = lax.axis_index("c")
    s = lax.axis_index("s")
    t = c * N_TILES + s
    r0 = s * ROWS_TILE
    h0 = c * N_PAD

    pltpu.sync_copy(dst_hbm.at[t], dst_v)
    pltpu.sync_copy(ones_hbm, ones_v)
    for k in range(ROWS_TILE // CHUNK):
        pltpu.sync_copy(zeros_hbm, acc.at[pl.ds(r0 + k * CHUNK, CHUNK)])
    plsc.subcore_barrier()

    def body(i, carry):
        for b in range(NBUF):
            pltpu.async_copy(ones_v, acc.at[dst_v.at[i * NBUF + b]], sem.at[b], add=True)
        for b in range(NBUF):
            pltpu.make_async_copy(ones_v, acc.at[dst_v.at[i * NBUF + b]], sem.at[b]).wait()
        return carry

    lax.fori_loop(0, N_CHUNKS2 // NBUF, body, 0)
    plsc.subcore_barrier()
    pltpu.sync_copy(acc.at[pl.ds(r0, ROWS_TILE)], deg_hbm.at[pl.ds(h0 + r0, ROWS_TILE)])


def _agg_body(src_hbm, dst_hbm, hs_hbm, out_hbm, sblk, dblk, rows, acc,
              sem_i, sem_g, sem_s, n_chunks, nib, init, dst_16way=False):
    c = lax.axis_index("c")
    s = lax.axis_index("s")
    t = c * N_TILES + s
    r0 = s * ROWS_TILE
    h0 = c * N_PAD
    n_blocks = n_chunks // nib

    td = s if dst_16way else t

    def i_start(k, kb):
        pltpu.async_copy(src_hbm.at[t, pl.ds(k * nib, nib)], sblk.at[kb], sem_i.at[kb])
        pltpu.async_copy(dst_hbm.at[td, pl.ds(k * nib, nib)], dblk.at[kb], sem_i.at[kb])

    def i_wait(k, kb):
        pltpu.make_async_copy(src_hbm.at[t, pl.ds(k * nib, nib)], sblk.at[kb], sem_i.at[kb]).wait()
        pltpu.make_async_copy(dst_hbm.at[td, pl.ds(k * nib, nib)], dblk.at[kb], sem_i.at[kb]).wait()

    i_start(0, 0)
    init(c, r0, h0)
    plsc.subcore_barrier()

    def outer(k, carry):
        kb = lax.rem(k, 2)
        kn = lax.rem(k + 1, 2)
        i_wait(k, kb)

        @pl.when(k + 1 < n_blocks)
        def _():
            i_start(k + 1, kn)

        def g_start(q, b):
            pltpu.async_copy(hs_hbm.at[sblk.at[kb, q]], rows.at[b], sem_g.at[b])

        def g_wait(q, b):
            pltpu.make_async_copy(hs_hbm.at[sblk.at[kb, q]], rows.at[b], sem_g.at[b]).wait()

        def s_start(q, b):
            pltpu.async_copy(rows.at[b], acc.at[dblk.at[kb, q]], sem_s.at[b], add=True)

        def s_wait(q, b):
            pltpu.make_async_copy(rows.at[b], acc.at[dblk.at[kb, q]], sem_s.at[b]).wait()

        g_start(0, 0)

        def inner(q, carry2):
            b = lax.rem(q, 2)
            bn = lax.rem(q + 1, 2)

            @pl.when(q >= 1)
            def _():
                s_wait(q - 1, bn)

            @pl.when(q + 1 < nib)
            def _():
                g_start(q + 1, bn)

            g_wait(q, b)
            s_start(q, b)
            return carry2

        lax.fori_loop(0, nib, inner, 0)
        s_wait(nib - 1, (nib - 1) % 2)
        return carry

    lax.fori_loop(0, n_blocks, outer, 0)
    plsc.subcore_barrier()
    pltpu.sync_copy(acc.at[pl.ds(r0, ROWS_TILE)], out_hbm.at[pl.ds(h0 + r0, ROWS_TILE)])


def _agg_scratch(nib):
    return [
        pltpu.VMEM((2, nib, CHUNK), jnp.int32),
        pltpu.VMEM((2, nib, CHUNK), jnp.int32),
        pltpu.VMEM((2, CHUNK, CHUNK), _f32),
        pltpu.VMEM_SHARED((N_PAD, CHUNK), _f32),
        pltpu.SemaphoreType.DMA((2,)),
        pltpu.SemaphoreType.DMA((2,)),
        pltpu.SemaphoreType.DMA((2,)),
    ]


@functools.partial(
    pl.kernel,
    out_type=jax.ShapeDtypeStruct((2 * N_PAD, 128), _f32),
    mesh=_mesh(),
    scratch_types=_agg_scratch(NIB1),
)
def _agg_l1(src_hbm, dst_hbm, hs_hbm, out_hbm,
            sblk, dblk, rows, acc, sem_i, sem_g, sem_s):
    def init(c, r0, h0):
        pltpu.sync_copy(hs_hbm.at[pl.ds(h0 + r0, ROWS_TILE)], acc.at[pl.ds(r0, ROWS_TILE)])

    _agg_body(src_hbm, dst_hbm, hs_hbm, out_hbm, sblk, dblk, rows, acc,
              sem_i, sem_g, sem_s, N_CHUNKS, NIB1, init, dst_16way=True)


@functools.partial(
    pl.kernel,
    out_type=jax.ShapeDtypeStruct((2 * N_PAD, 128), _f32),
    mesh=_mesh(),
    scratch_types=_agg_scratch(NIB2),
)
def _agg_l2(src_hbm, dst_hbm, hs_hbm, zeros_hbm, out_hbm,
            sblk, dblk, rows, acc, sem_i, sem_g, sem_s):
    def init(c, r0, h0):
        for k in range(ROWS_TILE // CHUNK):
            pltpu.sync_copy(zeros_hbm, acc.at[pl.ds(r0 + k * CHUNK, CHUNK)])

    _agg_body(src_hbm, dst_hbm, hs_hbm, out_hbm, sblk, dblk, rows, acc,
              sem_i, sem_g, sem_s, N_CHUNKS2, NIB2, init)


def _tc_a_body(x_ref, w_ref, o_ref):
    h = jnp.dot(x_ref[...], w_ref[...], preferred_element_type=_f32)
    o_ref[...] = jnp.stack([h[:, :128], h[:, 128:]])


def _tc_s_body(h_ref, d0_ref, d1_ref, o_ref):
    dinv = lax.rsqrt(d0_ref[...] + d1_ref[...] + 1.0)
    o_ref[...] = h_ref[...] * dinv


def _tc_b_body(a_ref, b_ref, d0_ref, d1_ref, w_ref, b1_ref, o_ref):
    dinv = lax.rsqrt(d0_ref[...] + d1_ref[...] + 1.0)
    agg = jnp.concatenate([a_ref[...], b_ref[...]], axis=1)
    z = jnp.maximum(agg * dinv + b1_ref[...], 0.0)
    hs2 = jnp.dot(z, w_ref[...], preferred_element_type=_f32) * dinv
    o_ref[...] = jnp.broadcast_to(hs2[None], (2,) + hs2.shape)


def _tc_c_body(p0_ref, p1_ref, hs2_ref, d0_ref, d1_ref, b2_ref, o_ref):
    dinv = lax.rsqrt(d0_ref[...] + d1_ref[...] + 1.0)
    agg = p0_ref[...] + p1_ref[...] + hs2_ref[...]
    o_ref[...] = agg * dinv + b2_ref[...]


def _row_spec(cols):
    return pl.BlockSpec((ROW_BLK, cols), lambda i: (i, 0))


def _full_spec(rows, cols):
    return pl.BlockSpec((rows, cols), lambda i: (0, 0))


_GRID = (N_PAD // ROW_BLK,)

_tc_a = pl.pallas_call(
    _tc_a_body,
    grid=(N_PAD // ROW_BLK,),
    in_specs=[pl.BlockSpec((ROW_BLK, 256), lambda i: (i, 0)),
              pl.BlockSpec((256, 256), lambda i: (0, 0))],
    out_specs=pl.BlockSpec((2, ROW_BLK, 128), lambda i: (0, i, 0)),
    out_shape=jax.ShapeDtypeStruct((2, N_PAD, 128), _f32),
)

_NBF = N_PAD // ROW_BLK
_SBLK = 2048
_NSB = N_PAD // _SBLK

_tc_s = pl.pallas_call(
    _tc_s_body,
    grid=(2 * _NSB,),
    in_specs=[pl.BlockSpec((_SBLK, 128), lambda i: (i, 0)),
              pl.BlockSpec((_SBLK, 1), lambda i: (lax.rem(i, _NSB), 0)),
              pl.BlockSpec((_SBLK, 1), lambda i: (lax.rem(i, _NSB) + _NSB, 0))],
    out_specs=pl.BlockSpec((_SBLK, 128), lambda i: (i, 0)),
    out_shape=jax.ShapeDtypeStruct((2 * N_PAD, 128), _f32),
)

_NB = N_PAD // ROW_BLK

_tc_b = pl.pallas_call(
    _tc_b_body,
    grid=_GRID,
    in_specs=[pl.BlockSpec((ROW_BLK, 128), lambda i: (i, 0)),
              pl.BlockSpec((ROW_BLK, 128), lambda i: (i + _NB, 0)),
              pl.BlockSpec((ROW_BLK, 1), lambda i: (i, 0)),
              pl.BlockSpec((ROW_BLK, 1), lambda i: (i + _NB, 0)),
              _full_spec(256, 128), _full_spec(1, 256)],
    out_specs=pl.BlockSpec((2, ROW_BLK, 128), lambda i: (0, i, 0)),
    out_shape=jax.ShapeDtypeStruct((2, N_PAD, 128), _f32),
)

_tc_c = pl.pallas_call(
    _tc_c_body,
    grid=_GRID,
    in_specs=[pl.BlockSpec((ROW_BLK, 128), lambda i: (i, 0)),
              pl.BlockSpec((ROW_BLK, 128), lambda i: (i + _NB, 0)),
              pl.BlockSpec((ROW_BLK, 128), lambda i: (i, 0)),
              pl.BlockSpec((ROW_BLK, 1), lambda i: (i, 0)),
              pl.BlockSpec((ROW_BLK, 1), lambda i: (i + _NB, 0)),
              _full_spec(1, 128)],
    out_specs=_row_spec(128),
    out_shape=jax.ShapeDtypeStruct((N_NODES, 128), _f32),
)


def _pad_edges(v, n_split, e_tile, e_pad, n_chunks):
    return jnp.pad(v.reshape(n_split, e_tile), ((0, 0), (0, e_pad - e_tile)),
                   constant_values=N_NODES).reshape(n_split, n_chunks, CHUNK)


def kernel(x, edge_index, W1, b1, W2, b2):
    src = edge_index[0].astype(jnp.int32)
    dst = edge_index[1].astype(jnp.int32)
    src3 = _pad_edges(src, N_TILES, E_TILE, E_TILE_PAD, N_CHUNKS)
    dst3 = _pad_edges(dst, N_TILES, E_TILE, E_TILE_PAD, N_CHUNKS)
    srcl1 = jnp.concatenate([src3, src3 + N_PAD], axis=0)
    src32 = _pad_edges(src, 32, E_TILE2, E_TILE2_PAD, N_CHUNKS2)
    dst32 = _pad_edges(dst, 32, E_TILE2, E_TILE2_PAD, N_CHUNKS2)
    src32o = jnp.concatenate([src32[:N_TILES], src32[N_TILES:] + N_PAD], axis=0)

    ones128 = jnp.ones((CHUNK, CHUNK), _f32)
    zeros128 = jnp.zeros((CHUNK, CHUNK), _f32)
    degc = _deg_kernel(dst32, ones128, zeros128)[:, :1]

    h1 = _tc_a(x, W1).reshape(2 * N_PAD, 128)
    hs1 = _tc_s(h1, degc, degc)
    agg1 = _agg_l1(srcl1, dst3, hs1)
    hs2cat = _tc_b(agg1, agg1, degc, degc, W2, b1.reshape(1, 256)).reshape(2 * N_PAD, 128)
    p = _agg_l2(src32o, dst32, hs2cat, zeros128)
    return _tc_c(p, p, hs2cat, degc, degc, b2.reshape(1, 128))

# --- scband reference (transcript-rebuilt; emitter-appended) ---
"""Pipeline reference for scband-gcnencoder-51264729645704 (READ-ONLY COPY).

The authoritative reference and input builder live on the scoring server;
editing this copy changes nothing except your own understanding.
"""

import jax, jax.numpy as jnp
import numpy as np

N_NODES = 10000
D_IN = 256
D_HID = 256
D_LAT = 128
N_EDGES = 160000


def gcn_conv(x, edge_index, W, b, num_nodes):
    # PyG GCNConv semantics: add self-loops, symmetric normalization, linear transform, bias
    src = edge_index[0]
    dst = edge_index[1]
    loop = jnp.arange(num_nodes, dtype=edge_index.dtype)
    src = jnp.concatenate([src, loop])
    dst = jnp.concatenate([dst, loop])
    deg = jnp.zeros((num_nodes,), dtype=x.dtype).at[dst].add(1.0)
    dinv = jnp.where(deg > 0, deg ** -0.5, 0.0)
    norm = dinv[src] * dinv[dst]
    h = x @ W
    msg = h[src] * norm[:, None]
    out = jnp.zeros((num_nodes, W.shape[1]), dtype=x.dtype).at[dst].add(msg)
    return out + b


def setup_inputs(seed: int = 0) -> dict:
    key = jax.random.key(seed)
    k1, k2, k3, k4, k5, k6 = jax.random.split(key, 6)
    x = jax.random.normal(k1, (N_NODES, D_IN), dtype=jnp.float32)
    edge_index = jax.random.randint(k2, (2, N_EDGES), 0, N_NODES, dtype=jnp.int64)
    # Glorot-style init for GCN weights
    W1 = jax.random.normal(k3, (D_IN, D_HID), dtype=jnp.float32) * (2.0 / (D_IN + D_HID)) ** 0.5
    b1 = jnp.zeros((D_HID,), dtype=jnp.float32)
    W2 = jax.random.normal(k4, (D_HID, D_LAT), dtype=jnp.float32) * (2.0 / (D_HID + D_LAT)) ** 0.5
    b2 = jnp.zeros((D_LAT,), dtype=jnp.float32)
    return {"x": x, "edge_index": edge_index, "W1": W1, "b1": b1, "W2": W2, "b2": b2}


def reference(x, edge_index, W1, b1, W2, b2):
    num_nodes = x.shape[0]
    z = gcn_conv(x, edge_index, W1, b1, num_nodes)
    z = jax.nn.relu(z)
    z = gcn_conv(z, edge_index, W2, b2, num_nodes)
    return z

if __name__ == "__main__":
    import jax
    _d = setup_inputs()
    print(jax.jit(kernel)(*tuple(_d.values())))

</pallas_src>

<mosaic_0001>
#map = affine_map<(d0, d1) -> (0, 0, 0)>
#map1 = affine_map<(d0, d1) -> (0, 0)>
module attributes {stable_mosaic.version = 14 : i64} {
  func.func @_agg_l2(%arg0: i32, %arg1: i32, %arg2: memref<32x40x128xi32, #tpu.memory_space<hbm>>, %arg3: memref<32x40x128xi32, #tpu.memory_space<hbm>>, %arg4: memref<20480x128xf32, #tpu.memory_space<hbm>>, %arg5: memref<128x128xf32, #tpu.memory_space<hbm>>, %arg6: memref<20480x128xf32, #tpu.memory_space<hbm>>, %arg7: memref<2x8x128xi32, #tpu.memory_space<vmem>>, %arg8: memref<2x8x128xi32, #tpu.memory_space<vmem>>, %arg9: memref<2x128x128xf32, #tpu.memory_space<vmem>>, %arg10: memref<10240x128xf32, #tpu.memory_space<vmem_shared>>, %arg11: memref<2x!tpu.dma_semaphore, #tpu.memory_space<semaphore_mem>>, %arg12: memref<2x!tpu.dma_semaphore, #tpu.memory_space<semaphore_mem>>, %arg13: memref<2x!tpu.dma_semaphore, #tpu.memory_space<semaphore_mem>>) attributes {dimension_semantics = [#tpu.dimension_semantics<core_parallel>, #tpu.dimension_semantics<subcore_parallel>], iteration_bounds = array<i64: 2, 16>, scalar_prefetch = 0 : i64, scratch_operands = 7 : i64, tpu.core_type = #tpu.core_type<sc_vector_subcore>, window_params = [{transform_indices = #map}, {transform_indices = #map}, {transform_indices = #map1}, {transform_indices = #map1}, {transform_indices = #map1}]} {
    %mul3A = arith.constant 16 : i32
    %mul3A_0 = arith.muli %arg0, %mul3A : i32
    %add3A = arith.addi %mul3A_0, %arg1 : i32
    %mul3A_1 = arith.constant 640 : i32
    %mul3A_2 = arith.muli %arg1, %mul3A_1 : i32
    %mul3A_3 = arith.constant 10240 : i32
    %mul3A_4 = arith.muli %arg0, %mul3A_3 : i32
    %dma_start3A = arith.constant 0 : i32
    %dma_start3A_5 = arith.constant 0 : i32
    %dma_start3A_6 = arith.constant 0 : i32
    %dma_start3A_7 = arith.constant 0 : i32
    %dma_start3A_8 = tpu.memref_slice %arg7[%dma_start3A, %dma_start3A_6, %dma_start3A_7] : memref<2x8x128xi32, #tpu.memory_space<vmem>> -> memref<1x8x128xi32, #tpu.memory_space<vmem>>
    %dma_start3A_9 = tpu.memref_squeeze %dma_start3A_8 : memref<1x8x128xi32, #tpu.memory_space<vmem>> -> memref<8x128xi32, #tpu.memory_space<vmem>>
    %dma_start3A_10 = arith.constant 0 : i32
    %dma_start3A_11 = arith.constant 0 : i32
    %dma_start3A_12 = tpu.memref_slice %arg2[%add3A, %dma_start3A_10, %dma_start3A_11] : memref<32x40x128xi32, #tpu.memory_space<hbm>> -> memref<1x8x128xi32, #tpu.memory_space<hbm>>
    %dma_start3A_13 = tpu.memref_squeeze %dma_start3A_12 : memref<1x8x128xi32, #tpu.memory_space<hbm>> -> memref<8x128xi32, #tpu.memory_space<hbm>>
    %dma_start3A_14 = tpu.memref_slice %arg11[%dma_start3A_5] : memref<2x!tpu.dma_semaphore, #tpu.memory_space<semaphore_mem>> -> memref<1x!tpu.dma_semaphore, #tpu.memory_space<semaphore_mem>>
    %dma_start3A_15 = tpu.memref_squeeze %dma_start3A_14 : memref<1x!tpu.dma_semaphore, #tpu.memory_space<semaphore_mem>> -> memref<!tpu.dma_semaphore, #tpu.memory_space<semaphore_mem>>
    %dma_start3A_16 = arith.constant 0 : i32
    %dma_start3A_17 = arith.constant 0 : i32
    %dma_start3A_18 = tpu.memref_slice %arg7[%dma_start3A, %dma_start3A_16, %dma_start3A_17] : memref<2x8x128xi32, #tpu.memory_space<vmem>> -> memref<1x8x128xi32, #tpu.memory_space<vmem>>
    %dma_start3A_19 = tpu.memref_squeeze %dma_start3A_18 : memref<1x8x128xi32, #tpu.memory_space<vmem>> -> memref<8x128xi32, #tpu.memory_space<vmem>>
    %dma_start3A_20 = arith.constant 0 : i32
    %dma_start3A_21 = arith.constant 0 : i32
    %dma_start3A_22 = tpu.memref_slice %arg2[%add3A, %dma_start3A_20, %dma_start3A_21] : memref<32x40x128xi32, #tpu.memory_space<hbm>> -> memref<1x8x128xi32, #tpu.memory_space<hbm>>
    %dma_start3A_23 = tpu.memref_squeeze %dma_start3A_22 : memref<1x8x128xi32, #tpu.memory_space<hbm>> -> memref<8x128xi32, #tpu.memory_space<hbm>>
    tpu.enqueue_dma source(%dma_start3A_23 : memref<8x128xi32, #tpu.memory_space<hbm>>) target(%dma_start3A_19 : memref<8x128xi32, #tpu.memory_space<vmem>>) target_semaphore(%dma_start3A_15 : memref<!tpu.dma_semaphore, #tpu.memory_space<semaphore_mem>>)
    %dma_start3A_24 = arith.constant 0 : i32
    %dma_start3A_25 = arith.constant 0 : i32
    %dma_start3A_26 = arith.constant 0 : i32
    %dma_start3A_27 = arith.constant 0 : i32
    %dma_start3A_28 = tpu.memref_slice %arg8[%dma_start3A_24, %dma_start3A_26, %dma_start3A_27] : memref<2x8x128xi32, #tpu.memory_space<vmem>> -> memref<1x8x128xi32, #tpu.memory_space<vmem>>
    %dma_start3A_29 = tpu.memref_squeeze %dma_start3A_28 : memref<1x8x128xi32, #tpu.memory_space<vmem>> -> memref<8x128xi32, #tpu.memory_space<vmem>>
    %dma_start3A_30 = arith.constant 0 : i32
    %dma_start3A_31 = arith.constant 0 : i32
    %dma_start3A_32 = tpu.memref_slice %arg3[%add3A, %dma_start3A_30, %dma_start3A_31] : memref<32x40x128xi32, #tpu.memory_space<hbm>> -> memref<1x8x128xi32, #tpu.memory_space<hbm>>
    %dma_start3A_33 = tpu.memref_squeeze %dma_start3A_32 : memref<1x8x128xi32, #tpu.memory_space<hbm>> -> memref<8x128xi32, #tpu.memory_space<hbm>>
    %dma_start3A_34 = tpu.memref_slice %arg11[%dma_start3A_25] : memref<2x!tpu.dma_semaphore, #tpu.memory_space<semaphore_mem>> -> memref<1x!tpu.dma_semaphore, #tpu.memory_space<semaphore_mem>>
    %dma_start3A_35 = tpu.memref_squeeze %dma_start3A_34 : memref<1x!tpu.dma_semaphore, #tpu.memory_space<semaphore_mem>> -> memref<!tpu.dma_semaphore, #tpu.memory_space<semaphore_mem>>
    %dma_start3A_36 = arith.constant 0 : i32
    %dma_start3A_37 = arith.constant 0 : i32
    %dma_start3A_38 = tpu.memref_slice %arg8[%dma_start3A_24, %dma_start3A_36, %dma_start3A_37] : memref<2x8x128xi32, #tpu.memory_space<vmem>> -> memref<1x8x128xi32, #tpu.memory_space<vmem>>
    %dma_start3A_39 = tpu.memref_squeeze %dma_start3A_38 : memref<1x8x128xi32, #tpu.memory_space<vmem>> -> memref<8x128xi32, #tpu.memory_space<vmem>>
    %dma_start3A_40 = arith.constant 0 : i32
    %dma_start3A_41 = arith.constant 0 : i32
    %dma_start3A_42 = tpu.memref_slice %arg3[%add3A, %dma_start3A_40, %dma_start3A_41] : memref<32x40x128xi32, #tpu.memory_space<hbm>> -> memref<1x8x128xi32, #tpu.memory_space<hbm>>
    %dma_start3A_43 = tpu.memref_squeeze %dma_start3A_42 : memref<1x8x128xi32, #tpu.memory_space<hbm>> -> memref<8x128xi32, #tpu.memory_space<hbm>>
    tpu.enqueue_dma source(%dma_start3A_43 : memref<8x128xi32, #tpu.memory_space<hbm>>) target(%dma_start3A_39 : memref<8x128xi32, #tpu.memory_space<vmem>>) target_semaphore(%dma_start3A_35 : memref<!tpu.dma_semaphore, #tpu.memory_space<semaphore_mem>>)
    %add3A_44 = arith.constant 0 : i32
    %add3A_45 = arith.addi %mul3A_2, %add3A_44 : i32
    "tpu.region"() ({
      %run_scoped3A = tpu.sem_alloc : memref<!tpu.dma_semaphore, #tpu.memory_space<semaphore_mem>>
      %dma_start3A_61 = arith.constant 0 : i32
      %dma_start3A_62 = tpu.memref_slice %arg10[%add3A_45, %dma_start3A_61] : memref<10240x128xf32, #tpu.memory_space<vmem_shared>> -> memref<128x128xf32, #tpu.memory_space<vmem_shared>>
      tpu.enqueue_dma source(%arg5 : memref<128x128xf32, #tpu.memory_space<hbm>>) target(%dma_start3A_62 : memref<128x128xf32, #tpu.memory_space<vmem_shared>>) target_semaphore(%run_scoped3A : memref<!tpu.dma_semaphore, #tpu.memory_space<semaphore_mem>>)
      %dma_wait3A = arith.constant 0 : i32
      %dma_wait3A_63 = tpu.memref_slice %arg10[%add3A_45, %dma_wait3A] : memref<10240x128xf32, #tpu.memory_space<vmem_shared>> -> memref<128x128xf32, #tpu.memory_space<vmem_shared>>
      tpu.wait_dma2 semaphore(%run_scoped3A : memref<!tpu.dma_semaphore, #tpu.memory_space<semaphore_mem>>) src(%arg5 : memref<128x128xf32, #tpu.memory_space<hbm>>) dst(%dma_wait3A_63 : memref<128x128xf32, #tpu.memory_space<vmem_shared>>)
      tpu.yield
    }) : () -> ()
    %add3A_46 = arith.constant 128 : i32
    %add3A_47 = arith.addi %mul3A_2, %add3A_46 : i32
    "tpu.region"() ({
      %run_scoped3A = tpu.sem_alloc : memref<!tpu.dma_semaphore, #tpu.memory_space<semaphore_mem>>
      %dma_start3A_61 = arith.constant 0 : i32
      %dma_start3A_62 = tpu.memref_slice %arg10[%add3A_47, %dma_start3A_61] : memref<10240x128xf32, #tpu.memory_space<vmem_shared>> -> memref<128x128xf32, #tpu.memory_space<vmem_shared>>
      tpu.enqueue_dma source(%arg5 : memref<128x128xf32, #tpu.memory_space<hbm>>) target(%dma_start3A_62 : memref<128x128xf32, #tpu.memory_space<vmem_shared>>) target_semaphore(%run_scoped3A : memref<!tpu.dma_semaphore, #tpu.memory_space<semaphore_mem>>)
      %dma_wait3A = arith.constant 0 : i32
      %dma_wait3A_63 = tpu.memref_slice %arg10[%add3A_47, %dma_wait3A] : memref<10240x128xf32, #tpu.memory_space<vmem_shared>> -> memref<128x128xf32, #tpu.memory_space<vmem_shared>>
      tpu.wait_dma2 semaphore(%run_scoped3A : memref<!tpu.dma_semaphore, #tpu.memory_space<semaphore_mem>>) src(%arg5 : memref<128x128xf32, #tpu.memory_space<hbm>>) dst(%dma_wait3A_63 : memref<128x128xf32, #tpu.memory_space<vmem_shared>>)
      tpu.yield
    }) : () -> ()
    %add3A_48 = arith.constant 256 : i32
    %add3A_49 = arith.addi %mul3A_2, %add3A_48 : i32
    "tpu.region"() ({
      %run_scoped3A = tpu.sem_alloc : memref<!tpu.dma_semaphore, #tpu.memory_space<semaphore_mem>>
      %dma_start3A_61 = arith.constant 0 : i32
      %dma_start3A_62 = tpu.memref_slice %arg10[%add3A_49, %dma_start3A_61] : memref<10240x128xf32, #tpu.memory_space<vmem_shared>> -> memref<128x128xf32, #tpu.memory_space<vmem_shared>>
      tpu.enqueue_dma source(%arg5 : memref<128x128xf32, #tpu.memory_space<hbm>>) target(%dma_start3A_62 : memref<128x128xf32, #tpu.memory_space<vmem_shared>>) target_semaphore(%run_scoped3A : memref<!tpu.dma_semaphore, #tpu.memory_space<semaphore_mem>>)
      %dma_wait3A = arith.constant 0 : i32
      %dma_wait3A_63 = tpu.memref_slice %arg10[%add3A_49, %dma_wait3A] : memref<10240x128xf32, #tpu.memory_space<vmem_shared>> -> memref<128x128xf32, #tpu.memory_space<vmem_shared>>
      tpu.wait_dma2 semaphore(%run_scoped3A : memref<!tpu.dma_semaphore, #tpu.memory_space<semaphore_mem>>) src(%arg5 : memref<128x128xf32, #tpu.memory_space<hbm>>) dst(%dma_wait3A_63 : memref<128x128xf32, #tpu.memory_space<vmem_shared>>)
      tpu.yield
    }) : () -> ()
    %add3A_50 = arith.constant 384 : i32
    %add3A_51 = arith.addi %mul3A_2, %add3A_50 : i32
    "tpu.region"() ({
      %run_scoped3A = tpu.sem_alloc : memref<!tpu.dma_semaphore, #tpu.memory_space<semaphore_mem>>
      %dma_start3A_61 = arith.constant 0 : i32
      %dma_start3A_62 = tpu.memref_slice %arg10[%add3A_51, %dma_start3A_61] : memref<10240x128xf32, #tpu.memory_space<vmem_shared>> -> memref<128x128xf32, #tpu.memory_space<vmem_shared>>
      tpu.enqueue_dma source(%arg5 : memref<128x128xf32, #tpu.memory_space<hbm>>) target(%dma_start3A_62 : memref<128x128xf32, #tpu.memory_space<vmem_shared>>) target_semaphore(%run_scoped3A : memref<!tpu.dma_semaphore, #tpu.memory_space<semaphore_mem>>)
      %dma_wait3A = arith.constant 0 : i32
      %dma_wait3A_63 = tpu.memref_slice %arg10[%add3A_51, %dma_wait3A] : memref<10240x128xf32, #tpu.memory_space<vmem_shared>> -> memref<128x128xf32, #tpu.memory_space<vmem_shared>>
      tpu.wait_dma2 semaphore(%run_scoped3A : memref<!tpu.dma_semaphore, #tpu.memory_space<semaphore_mem>>) src(%arg5 : memref<128x128xf32, #tpu.memory_space<hbm>>) dst(%dma_wait3A_63 : memref<128x128xf32, #tpu.memory_space<vmem_shared>>)
      tpu.yield
    }) : () -> ()
    %add3A_52 = arith.constant 512 : i32
    %add3A_53 = arith.addi %mul3A_2, %add3A_52 : i32
    "tpu.region"() ({
      %run_scoped3A = tpu.sem_alloc : memref<!tpu.dma_semaphore, #tpu.memory_space<semaphore_mem>>
      %dma_start3A_61 = arith.constant 0 : i32
      %dma_start3A_62 = tpu.memref_slice %arg10[%add3A_53, %dma_start3A_61] : memref<10240x128xf32, #tpu.memory_space<vmem_shared>> -> memref<128x128xf32, #tpu.memory_space<vmem_shared>>
      tpu.enqueue_dma source(%arg5 : memref<128x128xf32, #tpu.memory_space<hbm>>) target(%dma_start3A_62 : memref<128x128xf32, #tpu.memory_space<vmem_shared>>) target_semaphore(%run_scoped3A : memref<!tpu.dma_semaphore, #tpu.memory_space<semaphore_mem>>)
      %dma_wait3A = arith.constant 0 : i32
      %dma_wait3A_63 = tpu.memref_slice %arg10[%add3A_53, %dma_wait3A] : memref<10240x128xf32, #tpu.memory_space<vmem_shared>> -> memref<128x128xf32, #tpu.memory_space<vmem_shared>>
      tpu.wait_dma2 semaphore(%run_scoped3A : memref<!tpu.dma_semaphore, #tpu.memory_space<semaphore_mem>>) src(%arg5 : memref<128x128xf32, #tpu.memory_space<hbm>>) dst(%dma_wait3A_63 : memref<128x128xf32, #tpu.memory_space<vmem_shared>>)
      tpu.yield
    }) : () -> ()
    %barrier3A = arith.constant 0 : index
    tpu.barrier barrier_id(%barrier3A)
    %scan3A = arith.constant 0 : i32
    %scan3A_54 = arith.constant 0 : i32
    %scan3A_55 = arith.constant 5 : i32
    %scan3A_56 = arith.addi %scan3A_54, %scan3A_55 : i32
    %scan3A_57 = arith.constant 1 : i32
    scf.for %scan3A_61 = %scan3A_54 to %scan3A_56 step %scan3A_57  : i32 {
      %rem3A = arith.constant 2 : i32
      %rem3A_62 = arith.remsi %scan3A_61, %rem3A : i32
      %add3A_63 = arith.constant 1 : i32
      %add3A_64 = arith.addi %scan3A_61, %add3A_63 : i32
      %rem3A_65 = arith.constant 2 : i32
      %rem3A_66 = arith.remsi %add3A_64, %rem3A_65 : i32
      %mul3A_67 = arith.constant 8 : i32
      %mul3A_68 = arith.muli %scan3A_61, %mul3A_67 : i32
      %dma_wait3A = arith.constant 0 : i32
      %dma_wait3A_69 = arith.constant 0 : i32
      %dma_wait3A_70 = tpu.memref_slice %arg7[%rem3A_62, %dma_wait3A, %dma_wait3A_69] : memref<2x8x128xi32, #tpu.memory_space<vmem>> -> memref<1x8x128xi32, #tpu.memory_space<vmem>>
      %dma_wait3A_71 = tpu.memref_squeeze %dma_wait3A_70 : memref<1x8x128xi32, #tpu.memory_space<vmem>> -> memref<8x128xi32, #tpu.memory_space<vmem>>
      %dma_wait3A_72 = arith.constant 0 : i32
      %dma_wait3A_73 = tpu.memref_slice %arg2[%add3A, %mul3A_68, %dma_wait3A_72] : memref<32x40x128xi32, #tpu.memory_space<hbm>> -> memref<1x8x128xi32, #tpu.memory_space<hbm>>
      %dma_wait3A_74 = tpu.memref_squeeze %dma_wait3A_73 : memref<1x8x128xi32, #tpu.memory_space<hbm>> -> memref<8x128xi32, #tpu.memory_space<hbm>>
      %dma_wait3A_75 = tpu.memref_slice %arg11[%rem3A_62] : memref<2x!tpu.dma_semaphore, #tpu.memory_space<semaphore_mem>> -> memref<1x!tpu.dma_semaphore, #tpu.memory_space<semaphore_mem>>
      %dma_wait3A_76 = tpu.memref_squeeze %dma_wait3A_75 : memref<1x!tpu.dma_semaphore, #tpu.memory_space<semaphore_mem>> -> memref<!tpu.dma_semaphore, #tpu.memory_space<semaphore_mem>>
      %dma_wait3A_77 = arith.constant 0 : i32
      %dma_wait3A_78 = arith.constant 0 : i32
      %dma_wait3A_79 = tpu.memref_slice %arg7[%rem3A_62, %dma_wait3A_77, %dma_wait3A_78] : memref<2x8x128xi32, #tpu.memory_space<vmem>> -> memref<1x8x128xi32, #tpu.memory_space<vmem>>
      %dma_wait3A_80 = tpu.memref_squeeze %dma_wait3A_79 : memref<1x8x128xi32, #tpu.memory_space<vmem>> -> memref<8x128xi32, #tpu.memory_space<vmem>>
      %dma_wait3A_81 = arith.constant 0 : i32
      %dma_wait3A_82 = tpu.memref_slice %arg2[%add3A, %mul3A_68, %dma_wait3A_81] : memref<32x40x128xi32, #tpu.memory_space<hbm>> -> memref<1x8x128xi32, #tpu.memory_space<hbm>>
      %dma_wait3A_83 = tpu.memref_squeeze %dma_wait3A_82 : memref<1x8x128xi32, #tpu.memory_space<hbm>> -> memref<8x128xi32, #tpu.memory_space<hbm>>
      tpu.wait_dma2 semaphore(%dma_wait3A_76 : memref<!tpu.dma_semaphore, #tpu.memory_space<semaphore_mem>>) src(%dma_wait3A_83 : memref<8x128xi32, #tpu.memory_space<hbm>>) dst(%dma_wait3A_80 : memref<8x128xi32, #tpu.memory_space<vmem>>)
      %mul3A_84 = arith.constant 8 : i32
      %mul3A_85 = arith.muli %scan3A_61, %mul3A_84 : i32
      %dma_wait3A_86 = arith.constant 0 : i32
      %dma_wait3A_87 = arith.constant 0 : i32
      %dma_wait3A_88 = tpu.memref_slice %arg8[%rem3A_62, %dma_wait3A_86, %dma_wait3A_87] : memref<2x8x128xi32, #tpu.memory_space<vmem>> -> memref<1x8x128xi32, #tpu.memory_space<vmem>>
      %dma_wait3A_89 = tpu.memref_squeeze %dma_wait3A_88 : memref<1x8x128xi32, #tpu.memory_space<vmem>> -> memref<8x128xi32, #tpu.memory_space<vmem>>
      %dma_wait3A_90 = arith.constant 0 : i32
      %dma_wait3A_91 = tpu.memref_slice %arg3[%add3A, %mul3A_85, %dma_wait3A_90] : memref<32x40x128xi32, #tpu.memory_space<hbm>> -> memref<1x8x128xi32, #tpu.memory_space<hbm>>
      %dma_wait3A_92 = tpu.memref_squeeze %dma_wait3A_91 : memref<1x8x128xi32, #tpu.memory_space<hbm>> -> memref<8x128xi32, #tpu.memory_space<hbm>>
      %dma_wait3A_93 = tpu.memref_slice %arg11[%rem3A_62] : memref<2x!tpu.dma_semaphore, #tpu.memory_space<semaphore_mem>> -> memref<1x!tpu.dma_semaphore, #tpu.memory_space<semaphore_mem>>
      %dma_wait3A_94 = tpu.memref_squeeze %dma_wait3A_93 : memref<1x!tpu.dma_semaphore, #tpu.memory_space<semaphore_mem>> -> memref<!tpu.dma_semaphore, #tpu.memory_space<semaphore_mem>>
      %dma_wait3A_95 = arith.constant 0 : i32
      %dma_wait3A_96 = arith.constant 0 : i32
      %dma_wait3A_97 = tpu.memref_slice %arg8[%rem3A_62, %dma_wait3A_95, %dma_wait3A_96] : memref<2x8x128xi32, #tpu.memory_space<vmem>> -> memref<1x8x128xi32, #tpu.memory_space<vmem>>
      %dma_wait3A_98 = tpu.memref_squeeze %dma_wait3A_97 : memref<1x8x128xi32, #tpu.memory_space<vmem>> -> memref<8x128xi32, #tpu.memory_space<vmem>>
      %dma_wait3A_99 = arith.constant 0 : i32
      %dma_wait3A_100 = tpu.memref_slice %arg3[%add3A, %mul3A_85, %dma_wait3A_99] : memref<32x40x128xi32, #tpu.memory_space<hbm>> -> memref<1x8x128xi32, #tpu.memory_space<hbm>>
      %dma_wait3A_101 = tpu.memref_squeeze %dma_wait3A_100 : memref<1x8x128xi32, #tpu.memory_space<hbm>> -> memref<8x128xi32, #tpu.memory_space<hbm>>
      tpu.wait_dma2 semaphore(%dma_wait3A_94 : memref<!tpu.dma_semaphore, #tpu.memory_space<semaphore_mem>>) src(%dma_wait3A_101 : memref<8x128xi32, #tpu.memory_space<hbm>>) dst(%dma_wait3A_98 : memref<8x128xi32, #tpu.memory_space<vmem>>)
      %add3A_102 = arith.constant 1 : i32
      %add3A_103 = arith.addi %scan3A_61, %add3A_102 : i32
      %lt3A = arith.constant 5 : i32
      %lt3A_104 = arith.cmpi slt, %add3A_103, %lt3A : i32
      %convert_element_type3A = arith.extui %lt3A_104 : i1 to i32
      %cond3A = arith.constant 0 : i32
      %cond3A_105 = arith.cmpi ne, %convert_element_type3A, %cond3A : i32
      scf.if %cond3A_105 {
        %add3A_142 = arith.constant 1 : i32
        %add3A_143 = arith.addi %scan3A_61, %add3A_142 : i32
        %mul3A_144 = arith.constant 8 : i32
        %mul3A_145 = arith.muli %add3A_143, %mul3A_144 : i32
        %dma_start3A_146 = arith.constant 0 : i32
        %dma_start3A_147 = arith.constant 0 : i32
        %dma_start3A_148 = tpu.memref_slice %arg7[%rem3A_66, %dma_start3A_146, %dma_start3A_147] : memref<2x8x128xi32, #tpu.memory_space<vmem>> -> memref<1x8x128xi32, #tpu.memory_space<vmem>>
        %dma_start3A_149 = tpu.memref_squeeze %dma_start3A_148 : memref<1x8x128xi32, #tpu.memory_space<vmem>> -> memref<8x128xi32, #tpu.memory_space<vmem>>
        %dma_start3A_150 = arith.constant 0 : i32
        %dma_start3A_151 = tpu.memref_slice %arg2[%add3A, %mul3A_145, %dma_start3A_150] : memref<32x40x128xi32, #tpu.memory_space<hbm>> -> memref<1x8x128xi32, #tpu.memory_space<hbm>>
        %dma_start3A_152 = tpu.memref_squeeze %dma_start3A_151 : memref<1x8x128xi32, #tpu.memory_space<hbm>> -> memref<8x128xi32, #tpu.memory_space<hbm>>
        %dma_start3A_153 = tpu.memref_slice %arg11[%rem3A_66] : memref<2x!tpu.dma_semaphore, #tpu.memory_space<semaphore_mem>> -> memref<1x!tpu.dma_semaphore, #tpu.memory_space<semaphore_mem>>
        %dma_start3A_154 = tpu.memref_squeeze %dma_start3A_153 : memref<1x!tpu.dma_semaphore, #tpu.memory_space<semaphore_mem>> -> memref<!tpu.dma_semaphore, #tpu.memory_space<semaphore_mem>>
        %dma_start3A_155 = arith.constant 0 : i32
        %dma_start3A_156 = arith.constant 0 : i32
        %dma_start3A_157 = tpu.memref_slice %arg7[%rem3A_66, %dma_start3A_155, %dma_start3A_156] : memref<2x8x128xi32, #tpu.memory_space<vmem>> -> memref<1x8x128xi32, #tpu.memory_space<vmem>>
        %dma_start3A_158 = tpu.memref_squeeze %dma_start3A_157 : memref<1x8x128xi32, #tpu.memory_space<vmem>> -> memref<8x128xi32, #tpu.memory_space<vmem>>
        %dma_start3A_159 = arith.constant 0 : i32
        %dma_start3A_160 = tpu.memref_slice %arg2[%add3A, %mul3A_145, %dma_start3A_159] : memref<32x40x128xi32, #tpu.memory_space<hbm>> -> memref<1x8x128xi32, #tpu.memory_space<hbm>>
        %dma_start3A_161 = tpu.memref_squeeze %dma_start3A_160 : memref<1x8x128xi32, #tpu.memory_space<hbm>> -> memref<8x128xi32, #tpu.memory_space<hbm>>
        tpu.enqueue_dma source(%dma_start3A_161 : memref<8x128xi32, #tpu.memory_space<hbm>>) target(%dma_start3A_158 : memref<8x128xi32, #tpu.memory_space<vmem>>) target_semaphore(%dma_start3A_154 : memref<!tpu.dma_semaphore, #tpu.memory_space<semaphore_mem>>)
        %mul3A_162 = arith.constant 8 : i32
        %mul3A_163 = arith.muli %add3A_143, %mul3A_162 : i32
        %dma_start3A_164 = arith.constant 0 : i32
        %dma_start3A_165 = arith.constant 0 : i32
        %dma_start3A_166 = tpu.memref_slice %arg8[%rem3A_66, %dma_start3A_164, %dma_start3A_165] : memref<2x8x128xi32, #tpu.memory_space<vmem>> -> memref<1x8x128xi32, #tpu.memory_space<vmem>>
        %dma_start3A_167 = tpu.memref_squeeze %dma_start3A_166 : memref<1x8x128xi32, #tpu.memory_space<vmem>> -> memref<8x128xi32, #tpu.memory_space<vmem>>
        %dma_start3A_168 = arith.constant 0 : i32
        %dma_start3A_169 = tpu.memref_slice %arg3[%add3A, %mul3A_163, %dma_start3A_168] : memref<32x40x128xi32, #tpu.memory_space<hbm>> -> memref<1x8x128xi32, #tpu.memory_space<hbm>>
        %dma_start3A_170 = tpu.memref_squeeze %dma_start3A_169 : memref<1x8x128xi32, #tpu.memory_space<hbm>> -> memref<8x128xi32, #tpu.memory_space<hbm>>
        %dma_start3A_171 = tpu.memref_slice %arg11[%rem3A_66] : memref<2x!tpu.dma_semaphore, #tpu.memory_space<semaphore_mem>> -> memref<1x!tpu.dma_semaphore, #tpu.memory_space<semaphore_mem>>
        %dma_start3A_172 = tpu.memref_squeeze %dma_start3A_171 : memref<1x!tpu.dma_semaphore, #tpu.memory_space<semaphore_mem>> -> memref<!tpu.dma_semaphore, #tpu.memory_space<semaphore_mem>>
        %dma_start3A_173 = arith.constant 0 : i32
        %dma_start3A_174 = arith.constant 0 : i32
        %dma_start3A_175 = tpu.memref_slice %arg8[%rem3A_66, %dma_start3A_173, %dma_start3A_174] : memref<2x8x128xi32, #tpu.memory_space<vmem>> -> memref<1x8x128xi32, #tpu.memory_space<vmem>>
        %dma_start3A_176 = tpu.memref_squeeze %dma_start3A_175 : memref<1x8x128xi32, #tpu.memory_space<vmem>> -> memref<8x128xi32, #tpu.memory_space<vmem>>
        %dma_start3A_177 = arith.constant 0 : i32
        %dma_start3A_178 = tpu.memref_slice %arg3[%add3A, %mul3A_163, %dma_start3A_177] : memref<32x40x128xi32, #tpu.memory_space<hbm>> -> memref<1x8x128xi32, #tpu.memory_space<hbm>>
        %dma_start3A_179 = tpu.memref_squeeze %dma_start3A_178 : memref<1x8x128xi32, #tpu.memory_space<hbm>> -> memref<8x128xi32, #tpu.memory_space<hbm>>
        tpu.enqueue_dma source(%dma_start3A_179 : memref<8x128xi32, #tpu.memory_space<hbm>>) target(%dma_start3A_176 : memref<8x128xi32, #tpu.memory_space<vmem>>) target_semaphore(%dma_start3A_172 : memref<!tpu.dma_semaphore, #tpu.memory_space<semaphore_mem>>)
      } else {
      }
      %dma_start3A_106 = arith.constant 0 : i32
      %dma_start3A_107 = arith.constant 0 : i32
      %dma_start3A_108 = arith.constant 0 : i32
      %dma_start3A_109 = arith.constant 0 : i32
      %dma_start3A_110 = arith.constant 0 : i32
      %dma_start3A_111 = tpu.memref_slice %arg9[%dma_start3A_107, %dma_start3A_109, %dma_start3A_110] : memref<2x128x128xf32, #tpu.memory_space<vmem>> -> memref<1x128x128xf32, #tpu.memory_space<vmem>>
      %dma_start3A_112 = tpu.memref_squeeze %dma_start3A_111 : memref<1x128x128xf32, #tpu.memory_space<vmem>> -> memref<128x128xf32, #tpu.memory_space<vmem>>
      %dma_start3A_113 = arith.constant 0 : i32
      %dma_start3A_114 = tpu.memref_slice %arg7[%rem3A_62, %dma_start3A_106, %dma_start3A_113] : memref<2x8x128xi32, #tpu.memory_space<vmem>> -> memref<1x1x128xi32, #tpu.memory_space<vmem>>
      %dma_start3A_115 = tpu.memref_squeeze %dma_start3A_114 : memref<1x1x128xi32, #tpu.memory_space<vmem>> -> memref<128xi32, #tpu.memory_space<vmem>>
      %dma_start3A_116 = arith.constant 0 : i32
      %dma_start3A_117 = arith.constant 0 : i32
      %dma_start3A_118 = tpu.memref_slice %arg4[%dma_start3A_116, %dma_start3A_117] : memref<20480x128xf32, #tpu.memory_space<hbm>> -> memref<20480x128xf32, #tpu.memory_space<hbm>>
      %dma_start3A_119 = tpu.memref_slice %arg12[%dma_start3A_108] : memref<2x!tpu.dma_semaphore, #tpu.memory_space<semaphore_mem>> -> memref<1x!tpu.dma_semaphore, #tpu.memory_space<semaphore_mem>>
      %dma_start3A_120 = tpu.memref_squeeze %dma_start3A_119 : memref<1x!tpu.dma_semaphore, #tpu.memory_space<semaphore_mem>> -> memref<!tpu.dma_semaphore, #tpu.memory_space<semaphore_mem>>
      tpu.enqueue_indirect_dma source(%dma_start3A_118 : memref<20480x128xf32, #tpu.memory_space<hbm>>) target(%dma_start3A_112 : memref<128x128xf32, #tpu.memory_space<vmem>>) offsets(%dma_start3A_115 : memref<128xi32, #tpu.memory_space<vmem>>) semaphore(%dma_start3A_120 : memref<!tpu.dma_semaphore, #tpu.memory_space<semaphore_mem>>)
      %scan3A_121 = arith.constant 0 : i32
      %scan3A_122 = arith.constant 0 : i32
      %scan3A_123 = arith.constant 8 : i32
      %scan3A_124 = arith.addi %scan3A_122, %scan3A_123 : i32
      %scan3A_125 = arith.constant 1 : i32
      scf.for %scan3A_142 = %scan3A_122 to %scan3A_124 step %scan3A_125  : i32 {
        %rem3A_143 = arith.constant 2 : i32
        %rem3A_144 = arith.remsi %scan3A_142, %rem3A_143 : i32
        %add3A_145 = arith.constant 1 : i32
        %add3A_146 = arith.addi %scan3A_142, %add3A_145 : i32
        %rem3A_147 = arith.constant 2 : i32
        %rem3A_148 = arith.remsi %add3A_146, %rem3A_147 : i32
        %ge3A = arith.constant 1 : i32
        %ge3A_149 = arith.cmpi sge, %scan3A_142, %ge3A : i32
        %convert_element_type3A_150 = arith.extui %ge3A_149 : i1 to i32
        %cond3A_151 = arith.constant 0 : i32
        %cond3A_152 = arith.cmpi ne, %convert_element_type3A_150, %cond3A_151 : i32
        scf.if %cond3A_152 {
          %sub3A = arith.constant 1 : i32
          %sub3A_184 = arith.subi %scan3A_142, %sub3A : i32
          %dma_wait3A_185 = arith.constant 0 : i32
          %dma_wait3A_186 = arith.constant 0 : i32
          %dma_wait3A_187 = tpu.memref_slice %arg9[%rem3A_148, %dma_wait3A_185, %dma_wait3A_186] : memref<2x128x128xf32, #tpu.memory_space<vmem>> -> memref<1x128x128xf32, #tpu.memory_space<vmem>>
          %dma_wait3A_188 = tpu.memref_squeeze %dma_wait3A_187 : memref<1x128x128xf32, #tpu.memory_space<vmem>> -> memref<128x128xf32, #tpu.memory_space<vmem>>
          %dma_wait3A_189 = arith.constant 0 : i32
          %dma_wait3A_190 = tpu.memref_slice %arg8[%rem3A_62, %sub3A_184, %dma_wait3A_189] : memref<2x8x128xi32, #tpu.memory_space<vmem>> -> memref<1x1x128xi32, #tpu.memory_space<vmem>>
          %dma_wait3A_191 = tpu.memref_squeeze %dma_wait3A_190 : memref<1x1x128xi32, #tpu.memory_space<vmem>> -> memref<128xi32, #tpu.memory_space<vmem>>
          %dma_wait3A_192 = arith.constant 0 : i32
          %dma_wait3A_193 = arith.constant 0 : i32
          %dma_wait3A_194 = tpu.memref_slice %arg10[%dma_wait3A_192, %dma_wait3A_193] : memref<10240x128xf32, #tpu.memory_space<vmem_shared>> -> memref<10240x128xf32, #tpu.memory_space<vmem_shared>>
          %dma_wait3A_195 = tpu.memref_slice %arg13[%rem3A_148] : memref<2x!tpu.dma_semaphore, #tpu.memory_space<semaphore_mem>> -> memref<1x!tpu.dma_semaphore, #tpu.memory_space<semaphore_mem>>
          %dma_wait3A_196 = tpu.memref_squeeze %dma_wait3A_195 : memref<1x!tpu.dma_semaphore, #tpu.memory_space<semaphore_mem>> -> memref<!tpu.dma_semaphore, #tpu.memory_space<semaphore_mem>>
          tpu.wait_indirect_dma semaphore(%dma_wait3A_196 : memref<!tpu.dma_semaphore, #tpu.memory_space<semaphore_mem>>) src(%dma_wait3A_188 : memref<128x128xf32, #tpu.memory_space<vmem>>) dst(%dma_wait3A_194 : memref<10240x128xf32, #tpu.memory_space<vmem_shared>>)
        } else {
        }
        %add3A_153 = arith.constant 1 : i32
        %add3A_154 = arith.addi %scan3A_142, %add3A_153 : i32
        %lt3A_155 = arith.constant 8 : i32
        %lt3A_156 = arith.cmpi slt, %add3A_154, %lt3A_155 : i32
        %convert_element_type3A_157 = arith.extui %lt3A_156 : i1 to i32
        %cond3A_158 = arith.constant 0 : i32
        %cond3A_159 = arith.cmpi ne, %convert_element_type3A_157, %cond3A_158 : i32
        scf.if %cond3A_159 {
          %add3A_184 = arith.constant 1 : i32
          %add3A_185 = arith.addi %scan3A_142, %add3A_184 : i32
          %dma_start3A_186 = arith.constant 0 : i32
          %dma_start3A_187 = arith.constant 0 : i32
          %dma_start3A_188 = tpu.memref_slice %arg9[%rem3A_148, %dma_start3A_186, %dma_start3A_187] : memref<2x128x128xf32, #tpu.memory_space<vmem>> -> memref<1x128x128xf32, #tpu.memory_space<vmem>>
          %dma_start3A_189 = tpu.memref_squeeze %dma_start3A_188 : memref<1x128x128xf32, #tpu.memory_space<vmem>> -> memref<128x128xf32, #tpu.memory_space<vmem>>
          %dma_start3A_190 = arith.constant 0 : i32
          %dma_start3A_191 = tpu.memref_slice %arg7[%rem3A_62, %add3A_185, %dma_start3A_190] : memref<2x8x128xi32, #tpu.memory_space<vmem>> -> memref<1x1x128xi32, #tpu.memory_space<vmem>>
          %dma_start3A_192 = tpu.memref_squeeze %dma_start3A_191 : memref<1x1x128xi32, #tpu.memory_space<vmem>> -> memref<128xi32, #tpu.memory_space<vmem>>
          %dma_start3A_193 = arith.constant 0 : i32
          %dma_start3A_194 = arith.constant 0 : i32
          %dma_start3A_195 = tpu.memref_slice %arg4[%dma_start3A_193, %dma_start3A_194] : memref<20480x128xf32, #tpu.memory_space<hbm>> -> memref<20480x128xf32, #tpu.memory_space<hbm>>
          %dma_start3A_196 = tpu.memref_slice %arg12[%rem3A_148] : memref<2x!tpu.dma_semaphore, #tpu.memory_space<semaphore_mem>> -> memref<1x!tpu.dma_semaphore, #tpu.memory_space<semaphore_mem>>
          %dma_start3A_197 = tpu.memref_squeeze %dma_start3A_196 : memref<1x!tpu.dma_semaphore, #tpu.memory_space<semaphore_mem>> -> memref<!tpu.dma_semaphore, #tpu.memory_space<semaphore_mem>>
          tpu.enqueue_indirect_dma source(%dma_start3A_195 : memref<20480x128xf32, #tpu.memory_space<hbm>>) target(%dma_start3A_189 : memref<128x128xf32, #tpu.memory_space<vmem>>) offsets(%dma_start3A_192 : memref<128xi32, #tpu.memory_space<vmem>>) semaphore(%dma_start3A_197 : memref<!tpu.dma_semaphore, #tpu.memory_space<semaphore_mem>>)
        } else {
        }
        %dma_wait3A_160 = arith.constant 0 : i32
        %dma_wait3A_161 = arith.constant 0 : i32
        %dma_wait3A_162 = tpu.memref_slice %arg9[%rem3A_144, %dma_wait3A_160, %dma_wait3A_161] : memref<2x128x128xf32, #tpu.memory_space<vmem>> -> memref<1x128x128xf32, #tpu.memory_space<vmem>>
        %dma_wait3A_163 = tpu.memref_squeeze %dma_wait3A_162 : memref<1x128x128xf32, #tpu.memory_space<vmem>> -> memref<128x128xf32, #tpu.memory_space<vmem>>
        %dma_wait3A_164 = arith.constant 0 : i32
        %dma_wait3A_165 = tpu.memref_slice %arg7[%rem3A_62, %scan3A_142, %dma_wait3A_164] : memref<2x8x128xi32, #tpu.memory_space<vmem>> -> memref<1x1x128xi32, #tpu.memory_space<vmem>>
        %dma_wait3A_166 = tpu.memref_squeeze %dma_wait3A_165 : memref<1x1x128xi32, #tpu.memory_space<vmem>> -> memref<128xi32, #tpu.memory_space<vmem>>
        %dma_wait3A_167 = arith.constant 0 : i32
        %dma_wait3A_168 = arith.constant 0 : i32
        %dma_wait3A_169 = tpu.memref_slice %arg4[%dma_wait3A_167, %dma_wait3A_168] : memref<20480x128xf32, #tpu.memory_space<hbm>> -> memref<20480x128xf32, #tpu.memory_space<hbm>>
        %dma_wait3A_170 = tpu.memref_slice %arg12[%rem3A_144] : memref<2x!tpu.dma_semaphore, #tpu.memory_space<semaphore_mem>> -> memref<1x!tpu.dma_semaphore, #tpu.memory_space<semaphore_mem>>
        %dma_wait3A_171 = tpu.memref_squeeze %dma_wait3A_170 : memref<1x!tpu.dma_semaphore, #tpu.memory_space<semaphore_mem>> -> memref<!tpu.dma_semaphore, #tpu.memory_space<semaphore_mem>>
        tpu.wait_indirect_dma semaphore(%dma_wait3A_171 : memref<!tpu.dma_semaphore, #tpu.memory_space<semaphore_mem>>) src(%dma_wait3A_169 : memref<20480x128xf32, #tpu.memory_space<hbm>>) dst(%dma_wait3A_163 : memref<128x128xf32, #tpu.memory_space<vmem>>)
        %dma_start3A_172 = arith.constant 0 : i32
        %dma_start3A_173 = arith.constant 0 : i32
        %dma_start3A_174 = tpu.memref_slice %arg9[%rem3A_144, %dma_start3A_172, %dma_start3A_173] : memref<2x128x128xf32, #tpu.memory_space<vmem>> -> memref<1x128x128xf32, #tpu.memory_space<vmem>>
        %dma_start3A_175 = tpu.memref_squeeze %dma_start3A_174 : memref<1x128x128xf32, #tpu.memory_space<vmem>> -> memref<128x128xf32, #tpu.memory_space<vmem>>
        %dma_start3A_176 = arith.constant 0 : i32
        %dma_start3A_177 = tpu.memref_slice %arg8[%rem3A_62, %scan3A_142, %dma_start3A_176] : memref<2x8x128xi32, #tpu.memory_space<vmem>> -> memref<1x1x128xi32, #tpu.memory_space<vmem>>
        %dma_start3A_178 = tpu.memref_squeeze %dma_start3A_177 : memref<1x1x128xi32, #tpu.memory_space<vmem>> -> memref<128xi32, #tpu.memory_space<vmem>>
        %dma_start3A_179 = arith.constant 0 : i32
        %dma_start3A_180 = arith.constant 0 : i32
        %dma_start3A_181 = tpu.memref_slice %arg10[%dma_start3A_179, %dma_start3A_180] : memref<10240x128xf32, #tpu.memory_space<vmem_shared>> -> memref<10240x128xf32, #tpu.memory_space<vmem_shared>>
        %dma_start3A_182 = tpu.memref_slice %arg13[%rem3A_144] : memref<2x!tpu.dma_semaphore, #tpu.memory_space<semaphore_mem>> -> memref<1x!tpu.dma_semaphore, #tpu.memory_space<semaphore_mem>>
        %dma_start3A_183 = tpu.memref_squeeze %dma_start3A_182 : memref<1x!tpu.dma_semaphore, #tpu.memory_space<semaphore_mem>> -> memref<!tpu.dma_semaphore, #tpu.memory_space<semaphore_mem>>
        tpu.enqueue_indirect_dma source(%dma_start3A_175 : memref<128x128xf32, #tpu.memory_space<vmem>>) target(%dma_start3A_181 : memref<10240x128xf32, #tpu.memory_space<vmem_shared>>) offsets(%dma_start3A_178 : memref<128xi32, #tpu.memory_space<vmem>>) semaphore(%dma_start3A_183 : memref<!tpu.dma_semaphore, #tpu.memory_space<semaphore_mem>>) {add = true}
      }
      %scan3A_126 = arith.constant 8 : i32
      %dma_wait3A_127 = arith.constant 1 : i32
      %dma_wait3A_128 = arith.constant 7 : i32
      %dma_wait3A_129 = arith.constant 1 : i32
      %dma_wait3A_130 = arith.constant 0 : i32
      %dma_wait3A_131 = arith.constant 0 : i32
      %dma_wait3A_132 = tpu.memref_slice %arg9[%dma_wait3A_127, %dma_wait3A_130, %dma_wait3A_131] : memref<2x128x128xf32, #tpu.memory_space<vmem>> -> memref<1x128x128xf32, #tpu.memory_space<vmem>>
      %dma_wait3A_133 = tpu.memref_squeeze %dma_wait3A_132 : memref<1x128x128xf32, #tpu.memory_space<vmem>> -> memref<128x128xf32, #tpu.memory_space<vmem>>
      %dma_wait3A_134 = arith.constant 0 : i32
      %dma_wait3A_135 = tpu.memref_slice %arg8[%rem3A_62, %dma_wait3A_128, %dma_wait3A_134] : memref<2x8x128xi32, #tpu.memory_space<vmem>> -> memref<1x1x128xi32, #tpu.memory_space<vmem>>
      %dma_wait3A_136 = tpu.memref_squeeze %dma_wait3A_135 : memref<1x1x128xi32, #tpu.memory_space<vmem>> -> memref<128xi32, #tpu.memory_space<vmem>>
      %dma_wait3A_137 = arith.constant 0 : i32
      %dma_wait3A_138 = arith.constant 0 : i32
      %dma_wait3A_139 = tpu.memref_slice %arg10[%dma_wait3A_137, %dma_wait3A_138] : memref<10240x128xf32, #tpu.memory_space<vmem_shared>> -> memref<10240x128xf32, #tpu.memory_space<vmem_shared>>
      %dma_wait3A_140 = tpu.memref_slice %arg13[%dma_wait3A_129] : memref<2x!tpu.dma_semaphore, #tpu.memory_space<semaphore_mem>> -> memref<1x!tpu.dma_semaphore, #tpu.memory_space<semaphore_mem>>
      %dma_wait3A_141 = tpu.memref_squeeze %dma_wait3A_140 : memref<1x!tpu.dma_semaphore, #tpu.memory_space<semaphore_mem>> -> memref<!tpu.dma_semaphore, #tpu.memory_space<semaphore_mem>>
      tpu.wait_indirect_dma semaphore(%dma_wait3A_141 : memref<!tpu.dma_semaphore, #tpu.memory_space<semaphore_mem>>) src(%dma_wait3A_133 : memref<128x128xf32, #tpu.memory_space<vmem>>) dst(%dma_wait3A_139 : memref<10240x128xf32, #tpu.memory_space<vmem_shared>>)
    }
    %scan3A_58 = arith.constant 5 : i32
    %barrier3A_59 = arith.constant 0 : index
    tpu.barrier barrier_id(%barrier3A_59)
    %add3A_60 = arith.addi %mul3A_4, %mul3A_2 : i32
    "tpu.region"() ({
      %run_scoped3A = tpu.sem_alloc : memref<!tpu.dma_semaphore, #tpu.memory_space<semaphore_mem>>
      %dma_start3A_61 = arith.constant 0 : i32
      %dma_start3A_62 = tpu.memref_slice %arg6[%add3A_60, %dma_start3A_61] : memref<20480x128xf32, #tpu.memory_space<hbm>> -> memref<640x128xf32, #tpu.memory_space<hbm>>
      %dma_start3A_63 = arith.constant 0 : i32
      %dma_start3A_64 = tpu.memref_slice %arg10[%mul3A_2, %dma_start3A_63] : memref<10240x128xf32, #tpu.memory_space<vmem_shared>> -> memref<640x128xf32, #tpu.memory_space<vmem_shared>>
      tpu.enqueue_dma source(%dma_start3A_64 : memref<640x128xf32, #tpu.memory_space<vmem_shared>>) target(%dma_start3A_62 : memref<640x128xf32, #tpu.memory_space<hbm>>) target_semaphore(%run_scoped3A : memref<!tpu.dma_semaphore, #tpu.memory_space<semaphore_mem>>)
      %dma_wait3A = arith.constant 0 : i32
      %dma_wait3A_65 = tpu.memref_slice %arg6[%add3A_60, %dma_wait3A] : memref<20480x128xf32, #tpu.memory_space<hbm>> -> memref<640x128xf32, #tpu.memory_space<hbm>>
      %dma_wait3A_66 = arith.constant 0 : i32
      %dma_wait3A_67 = tpu.memref_slice %arg10[%mul3A_2, %dma_wait3A_66] : memref<10240x128xf32, #tpu.memory_space<vmem_shared>> -> memref<640x128xf32, #tpu.memory_space<vmem_shared>>
      tpu.wait_dma2 semaphore(%run_scoped3A : memref<!tpu.dma_semaphore, #tpu.memory_space<semaphore_mem>>) src(%dma_wait3A_67 : memref<640x128xf32, #tpu.memory_space<vmem_shared>>) dst(%dma_wait3A_65 : memref<640x128xf32, #tpu.memory_space<hbm>>)
      tpu.yield
    }) : () -> ()
    return
  }
}

#map = affine_map<(d0, d1) -> (0, 0, 0)>
#map1 = affine_map<(d0, d1) -> (0, 0)>
module attributes {stable_mosaic.version = 14 : i64} {
  func.func @_agg_l1(%arg0: i32, %arg1: i32, %arg2: memref<32x80x128xi32, #tpu.memory_space<hbm>>, %arg3: memref<16x80x128xi32, #tpu.memory_space<hbm>>, %arg4: memref<20480x128xf32, #tpu.memory_space<hbm>>, %arg5: memref<20480x128xf32, #tpu.memory_space<hbm>>, %arg6: memref<2x16x128xi32, #tpu.memory_space<vmem>>, %arg7: memref<2x16x128xi32, #tpu.memory_space<vmem>>, %arg8: memref<2x128x128xf32, #tpu.memory_space<vmem>>, %arg9: memref<10240x128xf32, #tpu.memory_space<vmem_shared>>, %arg10: memref<2x!tpu.dma_semaphore, #tpu.memory_space<semaphore_mem>>, %arg11: memref<2x!tpu.dma_semaphore, #tpu.memory_space<semaphore_mem>>, %arg12: memref<2x!tpu.dma_semaphore, #tpu.memory_space<semaphore_mem>>) attributes {dimension_semantics = [#tpu.dimension_semantics<core_parallel>, #tpu.dimension_semantics<subcore_parallel>], iteration_bounds = array<i64: 2, 16>, scalar_prefetch = 0 : i64, scratch_operands = 7 : i64, tpu.core_type = #tpu.core_type<sc_vector_subcore>, window_params = [{transform_indices = #map}, {transform_indices = #map}, {transform_indices = #map1}, {transform_indices = #map1}]} {
    %mul3A = arith.constant 16 : i32
    %mul3A_0 = arith.muli %arg0, %mul3A : i32
    %add3A = arith.addi %mul3A_0, %arg1 : i32
    %mul3A_1 = arith.constant 640 : i32
    %mul3A_2 = arith.muli %arg1, %mul3A_1 : i32
    %mul3A_3 = arith.constant 10240 : i32
    %mul3A_4 = arith.muli %arg0, %mul3A_3 : i32
    %dma_start3A = arith.constant 0 : i32
    %dma_start3A_5 = arith.constant 0 : i32
    %dma_start3A_6 = arith.constant 0 : i32
    %dma_start3A_7 = arith.constant 0 : i32
    %dma_start3A_8 = tpu.memref_slice %arg6[%dma_start3A, %dma_start3A_6, %dma_start3A_7] : memref<2x16x128xi32, #tpu.memory_space<vmem>> -> memref<1x16x128xi32, #tpu.memory_space<vmem>>
    %dma_start3A_9 = tpu.memref_squeeze %dma_start3A_8 : memref<1x16x128xi32, #tpu.memory_space<vmem>> -> memref<16x128xi32, #tpu.memory_space<vmem>>
    %dma_start3A_10 = arith.constant 0 : i32
    %dma_start3A_11 = arith.constant 0 : i32
    %dma_start3A_12 = tpu.memref_slice %arg2[%add3A, %dma_start3A_10, %dma_start3A_11] : memref<32x80x128xi32, #tpu.memory_space<hbm>> -> memref<1x16x128xi32, #tpu.memory_space<hbm>>
    %dma_start3A_13 = tpu.memref_squeeze %dma_start3A_12 : memref<1x16x128xi32, #tpu.memory_space<hbm>> -> memref<16x128xi32, #tpu.memory_space<hbm>>
    %dma_start3A_14 = tpu.memref_slice %arg10[%dma_start3A_5] : memref<2x!tpu.dma_semaphore, #tpu.memory_space<semaphore_mem>> -> memref<1x!tpu.dma_semaphore, #tpu.memory_space<semaphore_mem>>
    %dma_start3A_15 = tpu.memref_squeeze %dma_start3A_14 : memref<1x!tpu.dma_semaphore, #tpu.memory_space<semaphore_mem>> -> memref<!tpu.dma_semaphore, #tpu.memory_space<semaphore_mem>>
    %dma_start3A_16 = arith.constant 0 : i32
    %dma_start3A_17 = arith.constant 0 : i32
    %dma_start3A_18 = tpu.memref_slice %arg6[%dma_start3A, %dma_start3A_16, %dma_start3A_17] : memref<2x16x128xi32, #tpu.memory_space<vmem>> -> memref<1x16x128xi32, #tpu.memory_space<vmem>>
    %dma_start3A_19 = tpu.memref_squeeze %dma_start3A_18 : memref<1x16x128xi32, #tpu.memory_space<vmem>> -> memref<16x128xi32, #tpu.memory_space<vmem>>
    %dma_start3A_20 = arith.constant 0 : i32
    %dma_start3A_21 = arith.constant 0 : i32
    %dma_start3A_22 = tpu.memref_slice %arg2[%add3A, %dma_start3A_20, %dma_start3A_21] : memref<32x80x128xi32, #tpu.memory_space<hbm>> -> memref<1x16x128xi32, #tpu.memory_space<hbm>>
    %dma_start3A_23 = tpu.memref_squeeze %dma_start3A_22 : memref<1x16x128xi32, #tpu.memory_space<hbm>> -> memref<16x128xi32, #tpu.memory_space<hbm>>
    tpu.enqueue_dma source(%dma_start3A_23 : memref<16x128xi32, #tpu.memory_space<hbm>>) target(%dma_start3A_19 : memref<16x128xi32, #tpu.memory_space<vmem>>) target_semaphore(%dma_start3A_15 : memref<!tpu.dma_semaphore, #tpu.memory_space<semaphore_mem>>)
    %dma_start3A_24 = arith.constant 0 : i32
    %dma_start3A_25 = arith.constant 0 : i32
    %dma_start3A_26 = arith.constant 0 : i32
    %dma_start3A_27 = arith.constant 0 : i32
    %dma_start3A_28 = tpu.memref_slice %arg7[%dma_start3A_24, %dma_start3A_26, %dma_start3A_27] : memref<2x16x128xi32, #tpu.memory_space<vmem>> -> memref<1x16x128xi32, #tpu.memory_space<vmem>>
    %dma_start3A_29 = tpu.memref_squeeze %dma_start3A_28 : memref<1x16x128xi32, #tpu.memory_space<vmem>> -> memref<16x128xi32, #tpu.memory_space<vmem>>
    %dma_start3A_30 = arith.constant 0 : i32
    %dma_start3A_31 = arith.constant 0 : i32
    %dma_start3A_32 = tpu.memref_slice %arg3[%arg1, %dma_start3A_30, %dma_start3A_31] : memref<16x80x128xi32, #tpu.memory_space<hbm>> -> memref<1x16x128xi32, #tpu.memory_space<hbm>>
    %dma_start3A_33 = tpu.memref_squeeze %dma_start3A_32 : memref<1x16x128xi32, #tpu.memory_space<hbm>> -> memref<16x128xi32, #tpu.memory_space<hbm>>
    %dma_start3A_34 = tpu.memref_slice %arg10[%dma_start3A_25] : memref<2x!tpu.dma_semaphore, #tpu.memory_space<semaphore_mem>> -> memref<1x!tpu.dma_semaphore, #tpu.memory_space<semaphore_mem>>
    %dma_start3A_35 = tpu.memref_squeeze %dma_start3A_34 : memref<1x!tpu.dma_semaphore, #tpu.memory_space<semaphore_mem>> -> memref<!tpu.dma_semaphore, #tpu.memory_space<semaphore_mem>>
    %dma_start3A_36 = arith.constant 0 : i32
    %dma_start3A_37 = arith.constant 0 : i32
    %dma_start3A_38 = tpu.memref_slice %arg7[%dma_start3A_24, %dma_start3A_36, %dma_start3A_37] : memref<2x16x128xi32, #tpu.memory_space<vmem>> -> memref<1x16x128xi32, #tpu.memory_space<vmem>>
    %dma_start3A_39 = tpu.memref_squeeze %dma_start3A_38 : memref<1x16x128xi32, #tpu.memory_space<vmem>> -> memref<16x128xi32, #tpu.memory_space<vmem>>
    %dma_start3A_40 = arith.constant 0 : i32
    %dma_start3A_41 = arith.constant 0 : i32
    %dma_start3A_42 = tpu.memref_slice %arg3[%arg1, %dma_start3A_40, %dma_start3A_41] : memref<16x80x128xi32, #tpu.memory_space<hbm>> -> memref<1x16x128xi32, #tpu.memory_space<hbm>>
    %dma_start3A_43 = tpu.memref_squeeze %dma_start3A_42 : memref<1x16x128xi32, #tpu.memory_space<hbm>> -> memref<16x128xi32, #tpu.memory_space<hbm>>
    tpu.enqueue_dma source(%dma_start3A_43 : memref<16x128xi32, #tpu.memory_space<hbm>>) target(%dma_start3A_39 : memref<16x128xi32, #tpu.memory_space<vmem>>) target_semaphore(%dma_start3A_35 : memref<!tpu.dma_semaphore, #tpu.memory_space<semaphore_mem>>)
    %add3A_44 = arith.addi %mul3A_4, %mul3A_2 : i32
    "tpu.region"() ({
      %run_scoped3A = tpu.sem_alloc : memref<!tpu.dma_semaphore, #tpu.memory_space<semaphore_mem>>
      %dma_start3A_52 = arith.constant 0 : i32
      %dma_start3A_53 = tpu.memref_slice %arg9[%mul3A_2, %dma_start3A_52] : memref<10240x128xf32, #tpu.memory_space<vmem_shared>> -> memref<640x128xf32, #tpu.memory_space<vmem_shared>>
      %dma_start3A_54 = arith.constant 0 : i32
      %dma_start3A_55 = tpu.memref_slice %arg4[%add3A_44, %dma_start3A_54] : memref<20480x128xf32, #tpu.memory_space<hbm>> -> memref<640x128xf32, #tpu.memory_space<hbm>>
      tpu.enqueue_dma source(%dma_start3A_55 : memref<640x128xf32, #tpu.memory_space<hbm>>) target(%dma_start3A_53 : memref<640x128xf32, #tpu.memory_space<vmem_shared>>) target_semaphore(%run_scoped3A : memref<!tpu.dma_semaphore, #tpu.memory_space<semaphore_mem>>)
      %dma_wait3A = arith.constant 0 : i32
      %dma_wait3A_56 = tpu.memref_slice %arg9[%mul3A_2, %dma_wait3A] : memref<10240x128xf32, #tpu.memory_space<vmem_shared>> -> memref<640x128xf32, #tpu.memory_space<vmem_shared>>
      %dma_wait3A_57 = arith.constant 0 : i32
      %dma_wait3A_58 = tpu.memref_slice %arg4[%add3A_44, %dma_wait3A_57] : memref<20480x128xf32, #tpu.memory_space<hbm>> -> memref<640x128xf32, #tpu.memory_space<hbm>>
      tpu.wait_dma2 semaphore(%run_scoped3A : memref<!tpu.dma_semaphore, #tpu.memory_space<semaphore_mem>>) src(%dma_wait3A_58 : memref<640x128xf32, #tpu.memory_space<hbm>>) dst(%dma_wait3A_56 : memref<640x128xf32, #tpu.memory_space<vmem_shared>>)
      tpu.yield
    }) : () -> ()
    %barrier3A = arith.constant 0 : index
    tpu.barrier barrier_id(%barrier3A)
    %scan3A = arith.constant 0 : i32
    %scan3A_45 = arith.constant 0 : i32
    %scan3A_46 = arith.constant 5 : i32
    %scan3A_47 = arith.addi %scan3A_45, %scan3A_46 : i32
    %scan3A_48 = arith.constant 1 : i32
    scf.for %scan3A_52 = %scan3A_45 to %scan3A_47 step %scan3A_48  : i32 {
      %rem3A = arith.constant 2 : i32
      %rem3A_53 = arith.remsi %scan3A_52, %rem3A : i32
      %add3A_54 = arith.constant 1 : i32
      %add3A_55 = arith.addi %scan3A_52, %add3A_54 : i32
      %rem3A_56 = arith.constant 2 : i32
      %rem3A_57 = arith.remsi %add3A_55, %rem3A_56 : i32
      %mul3A_58 = arith.constant 16 : i32
      %mul3A_59 = arith.muli %scan3A_52, %mul3A_58 : i32
      %dma_wait3A = arith.constant 0 : i32
      %dma_wait3A_60 = arith.constant 0 : i32
      %dma_wait3A_61 = tpu.memref_slice %arg6[%rem3A_53, %dma_wait3A, %dma_wait3A_60] : memref<2x16x128xi32, #tpu.memory_space<vmem>> -> memref<1x16x128xi32, #tpu.memory_space<vmem>>
      %dma_wait3A_62 = tpu.memref_squeeze %dma_wait3A_61 : memref<1x16x128xi32, #tpu.memory_space<vmem>> -> memref<16x128xi32, #tpu.memory_space<vmem>>
      %dma_wait3A_63 = arith.constant 0 : i32
      %dma_wait3A_64 = tpu.memref_slice %arg2[%add3A, %mul3A_59, %dma_wait3A_63] : memref<32x80x128xi32, #tpu.memory_space<hbm>> -> memref<1x16x128xi32, #tpu.memory_space<hbm>>
      %dma_wait3A_65 = tpu.memref_squeeze %dma_wait3A_64 : memref<1x16x128xi32, #tpu.memory_space<hbm>> -> memref<16x128xi32, #tpu.memory_space<hbm>>
      %dma_wait3A_66 = tpu.memref_slice %arg10[%rem3A_53] : memref<2x!tpu.dma_semaphore, #tpu.memory_space<semaphore_mem>> -> memref<1x!tpu.dma_semaphore, #tpu.memory_space<semaphore_mem>>
      %dma_wait3A_67 = tpu.memref_squeeze %dma_wait3A_66 : memref<1x!tpu.dma_semaphore, #tpu.memory_space<semaphore_mem>> -> memref<!tpu.dma_semaphore, #tpu.memory_space<semaphore_mem>>
      %dma_wait3A_68 = arith.constant 0 : i32
      %dma_wait3A_69 = arith.constant 0 : i32
      %dma_wait3A_70 = tpu.memref_slice %arg6[%rem3A_53, %dma_wait3A_68, %dma_wait3A_69] : memref<2x16x128xi32, #tpu.memory_space<vmem>> -> memref<1x16x128xi32, #tpu.memory_space<vmem>>
      %dma_wait3A_71 = tpu.memref_squeeze %dma_wait3A_70 : memref<1x16x128xi32, #tpu.memory_space<vmem>> -> memref<16x128xi32, #tpu.memory_space<vmem>>
      %dma_wait3A_72 = arith.constant 0 : i32
      %dma_wait3A_73 = tpu.memref_slice %arg2[%add3A, %mul3A_59, %dma_wait3A_72] : memref<32x80x128xi32, #tpu.memory_space<hbm>> -> memref<1x16x128xi32, #tpu.memory_space<hbm>>
      %dma_wait3A_74 = tpu.memref_squeeze %dma_wait3A_73 : memref<1x16x128xi32, #tpu.memory_space<hbm>> -> memref<16x128xi32, #tpu.memory_space<hbm>>
      tpu.wait_dma2 semaphore(%dma_wait3A_67 : memref<!tpu.dma_semaphore, #tpu.memory_space<semaphore_mem>>) src(%dma_wait3A_74 : memref<16x128xi32, #tpu.memory_space<hbm>>) dst(%dma_wait3A_71 : memref<16x128xi32, #tpu.memory_space<vmem>>)
      %mul3A_75 = arith.constant 16 : i32
      %mul3A_76 = arith.muli %scan3A_52, %mul3A_75 : i32
      %dma_wait3A_77 = arith.constant 0 : i32
      %dma_wait3A_78 = arith.constant 0 : i32
      %dma_wait3A_79 = tpu.memref_slice %arg7[%rem3A_53, %dma_wait3A_77, %dma_wait3A_78] : memref<2x16x128xi32, #tpu.memory_space<vmem>> -> memref<1x16x128xi32, #tpu.memory_space<vmem>>
      %dma_wait3A_80 = tpu.memref_squeeze %dma_wait3A_79 : memref<1x16x128xi32, #tpu.memory_space<vmem>> -> memref<16x128xi32, #tpu.memory_space<vmem>>
      %dma_wait3A_81 = arith.constant 0 : i32
      %dma_wait3A_82 = tpu.memref_slice %arg3[%arg1, %mul3A_76, %dma_wait3A_81] : memref<16x80x128xi32, #tpu.memory_space<hbm>> -> memref<1x16x128xi32, #tpu.memory_space<hbm>>
      %dma_wait3A_83 = tpu.memref_squeeze %dma_wait3A_82 : memref<1x16x128xi32, #tpu.memory_space<hbm>> -> memref<16x128xi32, #tpu.memory_space<hbm>>
      %dma_wait3A_84 = tpu.memref_slice %arg10[%rem3A_53] : memref<2x!tpu.dma_semaphore, #tpu.memory_space<semaphore_mem>> -> memref<1x!tpu.dma_semaphore, #tpu.memory_space<semaphore_mem>>
      %dma_wait3A_85 = tpu.memref_squeeze %dma_wait3A_84 : memref<1x!tpu.dma_semaphore, #tpu.memory_space<semaphore_mem>> -> memref<!tpu.dma_semaphore, #tpu.memory_space<semaphore_mem>>
      %dma_wait3A_86 = arith.constant 0 : i32
      %dma_wait3A_87 = arith.constant 0 : i32
      %dma_wait3A_88 = tpu.memref_slice %arg7[%rem3A_53, %dma_wait3A_86, %dma_wait3A_87] : memref<2x16x128xi32, #tpu.memory_space<vmem>> -> memref<1x16x128xi32, #tpu.memory_space<vmem>>
      %dma_wait3A_89 = tpu.memref_squeeze %dma_wait3A_88 : memref<1x16x128xi32, #tpu.memory_space<vmem>> -> memref<16x128xi32, #tpu.memory_space<vmem>>
      %dma_wait3A_90 = arith.constant 0 : i32
      %dma_wait3A_91 = tpu.memref_slice %arg3[%arg1, %mul3A_76, %dma_wait3A_90] : memref<16x80x128xi32, #tpu.memory_space<hbm>> -> memref<1x16x128xi32, #tpu.memory_space<hbm>>
      %dma_wait3A_92 = tpu.memref_squeeze %dma_wait3A_91 : memref<1x16x128xi32, #tpu.memory_space<hbm>> -> memref<16x128xi32, #tpu.memory_space<hbm>>
      tpu.wait_dma2 semaphore(%dma_wait3A_85 : memref<!tpu.dma_semaphore, #tpu.memory_space<semaphore_mem>>) src(%dma_wait3A_92 : memref<16x128xi32, #tpu.memory_space<hbm>>) dst(%dma_wait3A_89 : memref<16x128xi32, #tpu.memory_space<vmem>>)
      %add3A_93 = arith.constant 1 : i32
      %add3A_94 = arith.addi %scan3A_52, %add3A_93 : i32
      %lt3A = arith.constant 5 : i32
      %lt3A_95 = arith.cmpi slt, %add3A_94, %lt3A : i32
      %convert_element_type3A = arith.extui %lt3A_95 : i1 to i32
      %cond3A = arith.constant 0 : i32
      %cond3A_96 = arith.cmpi ne, %convert_element_type3A, %cond3A : i32
      scf.if %cond3A_96 {
        %add3A_133 = arith.constant 1 : i32
        %add3A_134 = arith.addi %scan3A_52, %add3A_133 : i32
        %mul3A_135 = arith.constant 16 : i32
        %mul3A_136 = arith.muli %add3A_134, %mul3A_135 : i32
        %dma_start3A_137 = arith.constant 0 : i32
        %dma_start3A_138 = arith.constant 0 : i32
        %dma_start3A_139 = tpu.memref_slice %arg6[%rem3A_57, %dma_start3A_137, %dma_start3A_138] : memref<2x16x128xi32, #tpu.memory_space<vmem>> -> memref<1x16x128xi32, #tpu.memory_space<vmem>>
        %dma_start3A_140 = tpu.memref_squeeze %dma_start3A_139 : memref<1x16x128xi32, #tpu.memory_space<vmem>> -> memref<16x128xi32, #tpu.memory_space<vmem>>
        %dma_start3A_141 = arith.constant 0 : i32
        %dma_start3A_142 = tpu.memref_slice %arg2[%add3A, %mul3A_136, %dma_start3A_141] : memref<32x80x128xi32, #tpu.memory_space<hbm>> -> memref<1x16x128xi32, #tpu.memory_space<hbm>>
        %dma_start3A_143 = tpu.memref_squeeze %dma_start3A_142 : memref<1x16x128xi32, #tpu.memory_space<hbm>> -> memref<16x128xi32, #tpu.memory_space<hbm>>
        %dma_start3A_144 = tpu.memref_slice %arg10[%rem3A_57] : memref<2x!tpu.dma_semaphore, #tpu.memory_space<semaphore_mem>> -> memref<1x!tpu.dma_semaphore, #tpu.memory_space<semaphore_mem>>
        %dma_start3A_145 = tpu.memref_squeeze %dma_start3A_144 : memref<1x!tpu.dma_semaphore, #tpu.memory_space<semaphore_mem>> -> memref<!tpu.dma_semaphore, #tpu.memory_space<semaphore_mem>>
        %dma_start3A_146 = arith.constant 0 : i32
        %dma_start3A_147 = arith.constant 0 : i32
        %dma_start3A_148 = tpu.memref_slice %arg6[%rem3A_57, %dma_start3A_146, %dma_start3A_147] : memref<2x16x128xi32, #tpu.memory_space<vmem>> -> memref<1x16x128xi32, #tpu.memory_space<vmem>>
        %dma_start3A_149 = tpu.memref_squeeze %dma_start3A_148 : memref<1x16x128xi32, #tpu.memory_space<vmem>> -> memref<16x128xi32, #tpu.memory_space<vmem>>
        %dma_start3A_150 = arith.constant 0 : i32
        %dma_start3A_151 = tpu.memref_slice %arg2[%add3A, %mul3A_136, %dma_start3A_150] : memref<32x80x128xi32, #tpu.memory_space<hbm>> -> memref<1x16x128xi32, #tpu.memory_space<hbm>>
        %dma_start3A_152 = tpu.memref_squeeze %dma_start3A_151 : memref<1x16x128xi32, #tpu.memory_space<hbm>> -> memref<16x128xi32, #tpu.memory_space<hbm>>
        tpu.enqueue_dma source(%dma_start3A_152 : memref<16x128xi32, #tpu.memory_space<hbm>>) target(%dma_start3A_149 : memref<16x128xi32, #tpu.memory_space<vmem>>) target_semaphore(%dma_start3A_145 : memref<!tpu.dma_semaphore, #tpu.memory_space<semaphore_mem>>)
        %mul3A_153 = arith.constant 16 : i32
        %mul3A_154 = arith.muli %add3A_134, %mul3A_153 : i32
        %dma_start3A_155 = arith.constant 0 : i32
        %dma_start3A_156 = arith.constant 0 : i32
        %dma_start3A_157 = tpu.memref_slice %arg7[%rem3A_57, %dma_start3A_155, %dma_start3A_156] : memref<2x16x128xi32, #tpu.memory_space<vmem>> -> memref<1x16x128xi32, #tpu.memory_space<vmem>>
        %dma_start3A_158 = tpu.memref_squeeze %dma_start3A_157 : memref<1x16x128xi32, #tpu.memory_space<vmem>> -> memref<16x128xi32, #tpu.memory_space<vmem>>
        %dma_start3A_159 = arith.constant 0 : i32
        %dma_start3A_160 = tpu.memref_slice %arg3[%arg1, %mul3A_154, %dma_start3A_159] : memref<16x80x128xi32, #tpu.memory_space<hbm>> -> memref<1x16x128xi32, #tpu.memory_space<hbm>>
        %dma_start3A_161 = tpu.memref_squeeze %dma_start3A_160 : memref<1x16x128xi32, #tpu.memory_space<hbm>> -> memref<16x128xi32, #tpu.memory_space<hbm>>
        %dma_start3A_162 = tpu.memref_slice %arg10[%rem3A_57] : memref<2x!tpu.dma_semaphore, #tpu.memory_space<semaphore_mem>> -> memref<1x!tpu.dma_semaphore, #tpu.memory_space<semaphore_mem>>
        %dma_start3A_163 = tpu.memref_squeeze %dma_start3A_162 : memref<1x!tpu.dma_semaphore, #tpu.memory_space<semaphore_mem>> -> memref<!tpu.dma_semaphore, #tpu.memory_space<semaphore_mem>>
        %dma_start3A_164 = arith.constant 0 : i32
        %dma_start3A_165 = arith.constant 0 : i32
        %dma_start3A_166 = tpu.memref_slice %arg7[%rem3A_57, %dma_start3A_164, %dma_start3A_165] : memref<2x16x128xi32, #tpu.memory_space<vmem>> -> memref<1x16x128xi32, #tpu.memory_space<vmem>>
        %dma_start3A_167 = tpu.memref_squeeze %dma_start3A_166 : memref<1x16x128xi32, #tpu.memory_space<vmem>> -> memref<16x128xi32, #tpu.memory_space<vmem>>
        %dma_start3A_168 = arith.constant 0 : i32
        %dma_start3A_169 = tpu.memref_slice %arg3[%arg1, %mul3A_154, %dma_start3A_168] : memref<16x80x128xi32, #tpu.memory_space<hbm>> -> memref<1x16x128xi32, #tpu.memory_space<hbm>>
        %dma_start3A_170 = tpu.memref_squeeze %dma_start3A_169 : memref<1x16x128xi32, #tpu.memory_space<hbm>> -> memref<16x128xi32, #tpu.memory_space<hbm>>
        tpu.enqueue_dma source(%dma_start3A_170 : memref<16x128xi32, #tpu.memory_space<hbm>>) target(%dma_start3A_167 : memref<16x128xi32, #tpu.memory_space<vmem>>) target_semaphore(%dma_start3A_163 : memref<!tpu.dma_semaphore, #tpu.memory_space<semaphore_mem>>)
      } else {
      }
      %dma_start3A_97 = arith.constant 0 : i32
      %dma_start3A_98 = arith.constant 0 : i32
      %dma_start3A_99 = arith.constant 0 : i32
      %dma_start3A_100 = arith.constant 0 : i32
      %dma_start3A_101 = arith.constant 0 : i32
      %dma_start3A_102 = tpu.memref_slice %arg8[%dma_start3A_98, %dma_start3A_100, %dma_start3A_101] : memref<2x128x128xf32, #tpu.memory_space<vmem>> -> memref<1x128x128xf32, #tpu.memory_space<vmem>>
      %dma_start3A_103 = tpu.memref_squeeze %dma_start3A_102 : memref<1x128x128xf32, #tpu.memory_space<vmem>> -> memref<128x128xf32, #tpu.memory_space<vmem>>
      %dma_start3A_104 = arith.constant 0 : i32
      %dma_start3A_105 = tpu.memref_slice %arg6[%rem3A_53, %dma_start3A_97, %dma_start3A_104] : memref<2x16x128xi32, #tpu.memory_space<vmem>> -> memref<1x1x128xi32, #tpu.memory_space<vmem>>
      %dma_start3A_106 = tpu.memref_squeeze %dma_start3A_105 : memref<1x1x128xi32, #tpu.memory_space<vmem>> -> memref<128xi32, #tpu.memory_space<vmem>>
      %dma_start3A_107 = arith.constant 0 : i32
      %dma_start3A_108 = arith.constant 0 : i32
      %dma_start3A_109 = tpu.memref_slice %arg4[%dma_start3A_107, %dma_start3A_108] : memref<20480x128xf32, #tpu.memory_space<hbm>> -> memref<20480x128xf32, #tpu.memory_space<hbm>>
      %dma_start3A_110 = tpu.memref_slice %arg11[%dma_start3A_99] : memref<2x!tpu.dma_semaphore, #tpu.memory_space<semaphore_mem>> -> memref<1x!tpu.dma_semaphore, #tpu.memory_space<semaphore_mem>>
      %dma_start3A_111 = tpu.memref_squeeze %dma_start3A_110 : memref<1x!tpu.dma_semaphore, #tpu.memory_space<semaphore_mem>> -> memref<!tpu.dma_semaphore, #tpu.memory_space<semaphore_mem>>
      tpu.enqueue_indirect_dma source(%dma_start3A_109 : memref<20480x128xf32, #tpu.memory_space<hbm>>) target(%dma_start3A_103 : memref<128x128xf32, #tpu.memory_space<vmem>>) offsets(%dma_start3A_106 : memref<128xi32, #tpu.memory_space<vmem>>) semaphore(%dma_start3A_111 : memref<!tpu.dma_semaphore, #tpu.memory_space<semaphore_mem>>)
      %scan3A_112 = arith.constant 0 : i32
      %scan3A_113 = arith.constant 0 : i32
      %scan3A_114 = arith.constant 16 : i32
      %scan3A_115 = arith.addi %scan3A_113, %scan3A_114 : i32
      %scan3A_116 = arith.constant 1 : i32
      scf.for %scan3A_133 = %scan3A_113 to %scan3A_115 step %scan3A_116  : i32 {
        %rem3A_134 = arith.constant 2 : i32
        %rem3A_135 = arith.remsi %scan3A_133, %rem3A_134 : i32
        %add3A_136 = arith.constant 1 : i32
        %add3A_137 = arith.addi %scan3A_133, %add3A_136 : i32
        %rem3A_138 = arith.constant 2 : i32
        %rem3A_139 = arith.remsi %add3A_137, %rem3A_138 : i32
        %ge3A = arith.constant 1 : i32
        %ge3A_140 = arith.cmpi sge, %scan3A_133, %ge3A : i32
        %convert_element_type3A_141 = arith.extui %ge3A_140 : i1 to i32
        %cond3A_142 = arith.constant 0 : i32
        %cond3A_143 = arith.cmpi ne, %convert_element_type3A_141, %cond3A_142 : i32
        scf.if %cond3A_143 {
          %sub3A = arith.constant 1 : i32
          %sub3A_175 = arith.subi %scan3A_133, %sub3A : i32
          %dma_wait3A_176 = arith.constant 0 : i32
          %dma_wait3A_177 = arith.constant 0 : i32
          %dma_wait3A_178 = tpu.memref_slice %arg8[%rem3A_139, %dma_wait3A_176, %dma_wait3A_177] : memref<2x128x128xf32, #tpu.memory_space<vmem>> -> memref<1x128x128xf32, #tpu.memory_space<vmem>>
          %dma_wait3A_179 = tpu.memref_squeeze %dma_wait3A_178 : memref<1x128x128xf32, #tpu.memory_space<vmem>> -> memref<128x128xf32, #tpu.memory_space<vmem>>
          %dma_wait3A_180 = arith.constant 0 : i32
          %dma_wait3A_181 = tpu.memref_slice %arg7[%rem3A_53, %sub3A_175, %dma_wait3A_180] : memref<2x16x128xi32, #tpu.memory_space<vmem>> -> memref<1x1x128xi32, #tpu.memory_space<vmem>>
          %dma_wait3A_182 = tpu.memref_squeeze %dma_wait3A_181 : memref<1x1x128xi32, #tpu.memory_space<vmem>> -> memref<128xi32, #tpu.memory_space<vmem>>
          %dma_wait3A_183 = arith.constant 0 : i32
          %dma_wait3A_184 = arith.constant 0 : i32
          %dma_wait3A_185 = tpu.memref_slice %arg9[%dma_wait3A_183, %dma_wait3A_184] : memref<10240x128xf32, #tpu.memory_space<vmem_shared>> -> memref<10240x128xf32, #tpu.memory_space<vmem_shared>>
          %dma_wait3A_186 = tpu.memref_slice %arg12[%rem3A_139] : memref<2x!tpu.dma_semaphore, #tpu.memory_space<semaphore_mem>> -> memref<1x!tpu.dma_semaphore, #tpu.memory_space<semaphore_mem>>
          %dma_wait3A_187 = tpu.memref_squeeze %dma_wait3A_186 : memref<1x!tpu.dma_semaphore, #tpu.memory_space<semaphore_mem>> -> memref<!tpu.dma_semaphore, #tpu.memory_space<semaphore_mem>>
          tpu.wait_indirect_dma semaphore(%dma_wait3A_187 : memref<!tpu.dma_semaphore, #tpu.memory_space<semaphore_mem>>) src(%dma_wait3A_179 : memref<128x128xf32, #tpu.memory_space<vmem>>) dst(%dma_wait3A_185 : memref<10240x128xf32, #tpu.memory_space<vmem_shared>>)
        } else {
        }
        %add3A_144 = arith.constant 1 : i32
        %add3A_145 = arith.addi %scan3A_133, %add3A_144 : i32
        %lt3A_146 = arith.constant 16 : i32
        %lt3A_147 = arith.cmpi slt, %add3A_145, %lt3A_146 : i32
        %convert_element_type3A_148 = arith.extui %lt3A_147 : i1 to i32
        %cond3A_149 = arith.constant 0 : i32
        %cond3A_150 = arith.cmpi ne, %convert_element_type3A_148, %cond3A_149 : i32
        scf.if %cond3A_150 {
          %add3A_175 = arith.constant 1 : i32
          %add3A_176 = arith.addi %scan3A_133, %add3A_175 : i32
          %dma_start3A_177 = arith.constant 0 : i32
          %dma_start3A_178 = arith.constant 0 : i32
          %dma_start3A_179 = tpu.memref_slice %arg8[%rem3A_139, %dma_start3A_177, %dma_start3A_178] : memref<2x128x128xf32, #tpu.memory_space<vmem>> -> memref<1x128x128xf32, #tpu.memory_space<vmem>>
          %dma_start3A_180 = tpu.memref_squeeze %dma_start3A_179 : memref<1x128x128xf32, #tpu.memory_space<vmem>> -> memref<128x128xf32, #tpu.memory_space<vmem>>
          %dma_start3A_181 = arith.constant 0 : i32
          %dma_start3A_182 = tpu.memref_slice %arg6[%rem3A_53, %add3A_176, %dma_start3A_181] : memref<2x16x128xi32, #tpu.memory_space<vmem>> -> memref<1x1x128xi32, #tpu.memory_space<vmem>>
          %dma_start3A_183 = tpu.memref_squeeze %dma_start3A_182 : memref<1x1x128xi32, #tpu.memory_space<vmem>> -> memref<128xi32, #tpu.memory_space<vmem>>
          %dma_start3A_184 = arith.constant 0 : i32
          %dma_start3A_185 = arith.constant 0 : i32
          %dma_start3A_186 = tpu.memref_slice %arg4[%dma_start3A_184, %dma_start3A_185] : memref<20480x128xf32, #tpu.memory_space<hbm>> -> memref<20480x128xf32, #tpu.memory_space<hbm>>
          %dma_start3A_187 = tpu.memref_slice %arg11[%rem3A_139] : memref<2x!tpu.dma_semaphore, #tpu.memory_space<semaphore_mem>> -> memref<1x!tpu.dma_semaphore, #tpu.memory_space<semaphore_mem>>
          %dma_start3A_188 = tpu.memref_squeeze %dma_start3A_187 : memref<1x!tpu.dma_semaphore, #tpu.memory_space<semaphore_mem>> -> memref<!tpu.dma_semaphore, #tpu.memory_space<semaphore_mem>>
          tpu.enqueue_indirect_dma source(%dma_start3A_186 : memref<20480x128xf32, #tpu.memory_space<hbm>>) target(%dma_start3A_180 : memref<128x128xf32, #tpu.memory_space<vmem>>) offsets(%dma_start3A_183 : memref<128xi32, #tpu.memory_space<vmem>>) semaphore(%dma_start3A_188 : memref<!tpu.dma_semaphore, #tpu.memory_space<semaphore_mem>>)
        } else {
        }
        %dma_wait3A_151 = arith.constant 0 : i32
        %dma_wait3A_152 = arith.constant 0 : i32
        %dma_wait3A_153 = tpu.memref_slice %arg8[%rem3A_135, %dma_wait3A_151, %dma_wait3A_152] : memref<2x128x128xf32, #tpu.memory_space<vmem>> -> memref<1x128x128xf32, #tpu.memory_space<vmem>>
        %dma_wait3A_154 = tpu.memref_squeeze %dma_wait3A_153 : memref<1x128x128xf32, #tpu.memory_space<vmem>> -> memref<128x128xf32, #tpu.memory_space<vmem>>
        %dma_wait3A_155 = arith.constant 0 : i32
        %dma_wait3A_156 = tpu.memref_slice %arg6[%rem3A_53, %scan3A_133, %dma_wait3A_155] : memref<2x16x128xi32, #tpu.memory_space<vmem>> -> memref<1x1x128xi32, #tpu.memory_space<vmem>>
        %dma_wait3A_157 = tpu.memref_squeeze %dma_wait3A_156 : memref<1x1x128xi32, #tpu.memory_space<vmem>> -> memref<128xi32, #tpu.memory_space<vmem>>
        %dma_wait3A_158 = arith.constant 0 : i32
        %dma_wait3A_159 = arith.constant 0 : i32
        %dma_wait3A_160 = tpu.memref_slice %arg4[%dma_wait3A_158, %dma_wait3A_159] : memref<20480x128xf32, #tpu.memory_space<hbm>> -> memref<20480x128xf32, #tpu.memory_space<hbm>>
        %dma_wait3A_161 = tpu.memref_slice %arg11[%rem3A_135] : memref<2x!tpu.dma_semaphore, #tpu.memory_space<semaphore_mem>> -> memref<1x!tpu.dma_semaphore, #tpu.memory_space<semaphore_mem>>
        %dma_wait3A_162 = tpu.memref_squeeze %dma_wait3A_161 : memref<1x!tpu.dma_semaphore, #tpu.memory_space<semaphore_mem>> -> memref<!tpu.dma_semaphore, #tpu.memory_space<semaphore_mem>>
        tpu.wait_indirect_dma semaphore(%dma_wait3A_162 : memref<!tpu.dma_semaphore, #tpu.memory_space<semaphore_mem>>) src(%dma_wait3A_160 : memref<20480x128xf32, #tpu.memory_space<hbm>>) dst(%dma_wait3A_154 : memref<128x128xf32, #tpu.memory_space<vmem>>)
        %dma_start3A_163 = arith.constant 0 : i32
        %dma_start3A_164 = arith.constant 0 : i32
        %dma_start3A_165 = tpu.memref_slice %arg8[%rem3A_135, %dma_start3A_163, %dma_start3A_164] : memref<2x128x128xf32, #tpu.memory_space<vmem>> -> memref<1x128x128xf32, #tpu.memory_space<vmem>>
        %dma_start3A_166 = tpu.memref_squeeze %dma_start3A_165 : memref<1x128x128xf32, #tpu.memory_space<vmem>> -> memref<128x128xf32, #tpu.memory_space<vmem>>
        %dma_start3A_167 = arith.constant 0 : i32
        %dma_start3A_168 = tpu.memref_slice %arg7[%rem3A_53, %scan3A_133, %dma_start3A_167] : memref<2x16x128xi32, #tpu.memory_space<vmem>> -> memref<1x1x128xi32, #tpu.memory_space<vmem>>
        %dma_start3A_169 = tpu.memref_squeeze %dma_start3A_168 : memref<1x1x128xi32, #tpu.memory_space<vmem>> -> memref<128xi32, #tpu.memory_space<vmem>>
        %dma_start3A_170 = arith.constant 0 : i32
        %dma_start3A_171 = arith.constant 0 : i32
        %dma_start3A_172 = tpu.memref_slice %arg9[%dma_start3A_170, %dma_start3A_171] : memref<10240x128xf32, #tpu.memory_space<vmem_shared>> -> memref<10240x128xf32, #tpu.memory_space<vmem_shared>>
        %dma_start3A_173 = tpu.memref_slice %arg12[%rem3A_135] : memref<2x!tpu.dma_semaphore, #tpu.memory_space<semaphore_mem>> -> memref<1x!tpu.dma_semaphore, #tpu.memory_space<semaphore_mem>>
        %dma_start3A_174 = tpu.memref_squeeze %dma_start3A_173 : memref<1x!tpu.dma_semaphore, #tpu.memory_space<semaphore_mem>> -> memref<!tpu.dma_semaphore, #tpu.memory_space<semaphore_mem>>
        tpu.enqueue_indirect_dma source(%dma_start3A_166 : memref<128x128xf32, #tpu.memory_space<vmem>>) target(%dma_start3A_172 : memref<10240x128xf32, #tpu.memory_space<vmem_shared>>) offsets(%dma_start3A_169 : memref<128xi32, #tpu.memory_space<vmem>>) semaphore(%dma_start3A_174 : memref<!tpu.dma_semaphore, #tpu.memory_space<semaphore_mem>>) {add = true}
      }
      %scan3A_117 = arith.constant 16 : i32
      %dma_wait3A_118 = arith.constant 1 : i32
      %dma_wait3A_119 = arith.constant 15 : i32
      %dma_wait3A_120 = arith.constant 1 : i32
      %dma_wait3A_121 = arith.constant 0 : i32
      %dma_wait3A_122 = arith.constant 0 : i32
      %dma_wait3A_123 = tpu.memref_slice %arg8[%dma_wait3A_118, %dma_wait3A_121, %dma_wait3A_122] : memref<2x128x128xf32, #tpu.memory_space<vmem>> -> memref<1x128x128xf32, #tpu.memory_space<vmem>>
      %dma_wait3A_124 = tpu.memref_squeeze %dma_wait3A_123 : memref<1x128x128xf32, #tpu.memory_space<vmem>> -> memref<128x128xf32, #tpu.memory_space<vmem>>
      %dma_wait3A_125 = arith.constant 0 : i32
      %dma_wait3A_126 = tpu.memref_slice %arg7[%rem3A_53, %dma_wait3A_119, %dma_wait3A_125] : memref<2x16x128xi32, #tpu.memory_space<vmem>> -> memref<1x1x128xi32, #tpu.memory_space<vmem>>
      %dma_wait3A_127 = tpu.memref_squeeze %dma_wait3A_126 : memref<1x1x128xi32, #tpu.memory_space<vmem>> -> memref<128xi32, #tpu.memory_space<vmem>>
      %dma_wait3A_128 = arith.constant 0 : i32
      %dma_wait3A_129 = arith.constant 0 : i32
      %dma_wait3A_130 = tpu.memref_slice %arg9[%dma_wait3A_128, %dma_wait3A_129] : memref<10240x128xf32, #tpu.memory_space<vmem_shared>> -> memref<10240x128xf32, #tpu.memory_space<vmem_shared>>
      %dma_wait3A_131 = tpu.memref_slice %arg12[%dma_wait3A_120] : memref<2x!tpu.dma_semaphore, #tpu.memory_space<semaphore_mem>> -> memref<1x!tpu.dma_semaphore, #tpu.memory_space<semaphore_mem>>
      %dma_wait3A_132 = tpu.memref_squeeze %dma_wait3A_131 : memref<1x!tpu.dma_semaphore, #tpu.memory_space<semaphore_mem>> -> memref<!tpu.dma_semaphore, #tpu.memory_space<semaphore_mem>>
      tpu.wait_indirect_dma semaphore(%dma_wait3A_132 : memref<!tpu.dma_semaphore, #tpu.memory_space<semaphore_mem>>) src(%dma_wait3A_124 : memref<128x128xf32, #tpu.memory_space<vmem>>) dst(%dma_wait3A_130 : memref<10240x128xf32, #tpu.memory_space<vmem_shared>>)
    }
    %scan3A_49 = arith.constant 5 : i32
    %barrier3A_50 = arith.constant 0 : index
    tpu.barrier barrier_id(%barrier3A_50)
    %add3A_51 = arith.addi %mul3A_4, %mul3A_2 : i32
    "tpu.region"() ({
      %run_scoped3A = tpu.sem_alloc : memref<!tpu.dma_semaphore, #tpu.memory_space<semaphore_mem>>
      %dma_start3A_52 = arith.constant 0 : i32
      %dma_start3A_53 = tpu.memref_slice %arg5[%add3A_51, %dma_start3A_52] : memref<20480x128xf32, #tpu.memory_space<hbm>> -> memref<640x128xf32, #tpu.memory_space<hbm>>
      %dma_start3A_54 = arith.constant 0 : i32
      %dma_start3A_55 = tpu.memref_slice %arg9[%mul3A_2, %dma_start3A_54] : memref<10240x128xf32, #tpu.memory_space<vmem_shared>> -> memref<640x128xf32, #tpu.memory_space<vmem_shared>>
      tpu.enqueue_dma source(%dma_start3A_55 : memref<640x128xf32, #tpu.memory_space<vmem_shared>>) target(%dma_start3A_53 : memref<640x128xf32, #tpu.memory_space<hbm>>) target_semaphore(%run_scoped3A : memref<!tpu.dma_semaphore, #tpu.memory_space<semaphore_mem>>)
      %dma_wait3A = arith.constant 0 : i32
      %dma_wait3A_56 = tpu.memref_slice %arg5[%add3A_51, %dma_wait3A] : memref<20480x128xf32, #tpu.memory_space<hbm>> -> memref<640x128xf32, #tpu.memory_space<hbm>>
      %dma_wait3A_57 = arith.constant 0 : i32
      %dma_wait3A_58 = tpu.memref_slice %arg9[%mul3A_2, %dma_wait3A_57] : memref<10240x128xf32, #tpu.memory_space<vmem_shared>> -> memref<640x128xf32, #tpu.memory_space<vmem_shared>>
      tpu.wait_dma2 semaphore(%run_scoped3A : memref<!tpu.dma_semaphore, #tpu.memory_space<semaphore_mem>>) src(%dma_wait3A_58 : memref<640x128xf32, #tpu.memory_space<vmem_shared>>) dst(%dma_wait3A_56 : memref<640x128xf32, #tpu.memory_space<hbm>>)
      tpu.yield
    }) : () -> ()
    return
  }
}

#map = affine_map<(d0, d1) -> (0, 0, 0)>
#map1 = affine_map<(d0, d1) -> (0, 0)>
module attributes {stable_mosaic.version = 14 : i64} {
  func.func @_deg_kernel(%arg0: i32, %arg1: i32, %arg2: memref<32x40x128xi32, #tpu.memory_space<hbm>>, %arg3: memref<128x128xf32, #tpu.memory_space<hbm>>, %arg4: memref<128x128xf32, #tpu.memory_space<hbm>>, %arg5: memref<20480x128xf32, #tpu.memory_space<hbm>>, %arg6: memref<40x128xi32, #tpu.memory_space<vmem>>, %arg7: memref<128x128xf32, #tpu.memory_space<vmem>>, %arg8: memref<10240x128xf32, #tpu.memory_space<vmem_shared>>, %arg9: memref<4x!tpu.dma_semaphore, #tpu.memory_space<semaphore_mem>>) attributes {dimension_semantics = [#tpu.dimension_semantics<core_parallel>, #tpu.dimension_semantics<subcore_parallel>], iteration_bounds = array<i64: 2, 16>, scalar_prefetch = 0 : i64, scratch_operands = 4 : i64, tpu.core_type = #tpu.core_type<sc_vector_subcore>, window_params = [{transform_indices = #map}, {transform_indices = #map1}, {transform_indices = #map1}, {transform_indices = #map1}]} {
    %mul3A = arith.constant 16 : i32
    %mul3A_0 = arith.muli %arg0, %mul3A : i32
    %add3A = arith.addi %mul3A_0, %arg1 : i32
    %mul3A_1 = arith.constant 640 : i32
    %mul3A_2 = arith.muli %arg1, %mul3A_1 : i32
    %mul3A_3 = arith.constant 10240 : i32
    %mul3A_4 = arith.muli %arg0, %mul3A_3 : i32
    "tpu.region"() ({
      %run_scoped3A = tpu.sem_alloc : memref<!tpu.dma_semaphore, #tpu.memory_space<semaphore_mem>>
      %dma_start3A = arith.constant 0 : i32
      %dma_start3A_22 = arith.constant 0 : i32
      %dma_start3A_23 = tpu.memref_slice %arg2[%add3A, %dma_start3A, %dma_start3A_22] : memref<32x40x128xi32, #tpu.memory_space<hbm>> -> memref<1x40x128xi32, #tpu.memory_space<hbm>>
      %dma_start3A_24 = tpu.memref_squeeze %dma_start3A_23 : memref<1x40x128xi32, #tpu.memory_space<hbm>> -> memref<40x128xi32, #tpu.memory_space<hbm>>
      %dma_start3A_25 = arith.constant 0 : i32
      %dma_start3A_26 = arith.constant 0 : i32
      %dma_start3A_27 = tpu.memref_slice %arg2[%add3A, %dma_start3A_25, %dma_start3A_26] : memref<32x40x128xi32, #tpu.memory_space<hbm>> -> memref<1x40x128xi32, #tpu.memory_space<hbm>>
      %dma_start3A_28 = tpu.memref_squeeze %dma_start3A_27 : memref<1x40x128xi32, #tpu.memory_space<hbm>> -> memref<40x128xi32, #tpu.memory_space<hbm>>
      tpu.enqueue_dma source(%dma_start3A_28 : memref<40x128xi32, #tpu.memory_space<hbm>>) target(%arg6 : memref<40x128xi32, #tpu.memory_space<vmem>>) target_semaphore(%run_scoped3A : memref<!tpu.dma_semaphore, #tpu.memory_space<semaphore_mem>>)
      %dma_wait3A = arith.constant 0 : i32
      %dma_wait3A_29 = arith.constant 0 : i32
      %dma_wait3A_30 = tpu.memref_slice %arg2[%add3A, %dma_wait3A, %dma_wait3A_29] : memref<32x40x128xi32, #tpu.memory_space<hbm>> -> memref<1x40x128xi32, #tpu.memory_space<hbm>>
      %dma_wait3A_31 = tpu.memref_squeeze %dma_wait3A_30 : memref<1x40x128xi32, #tpu.memory_space<hbm>> -> memref<40x128xi32, #tpu.memory_space<hbm>>
      %dma_wait3A_32 = arith.constant 0 : i32
      %dma_wait3A_33 = arith.constant 0 : i32
      %dma_wait3A_34 = tpu.memref_slice %arg2[%add3A, %dma_wait3A_32, %dma_wait3A_33] : memref<32x40x128xi32, #tpu.memory_space<hbm>> -> memref<1x40x128xi32, #tpu.memory_space<hbm>>
      %dma_wait3A_35 = tpu.memref_squeeze %dma_wait3A_34 : memref<1x40x128xi32, #tpu.memory_space<hbm>> -> memref<40x128xi32, #tpu.memory_space<hbm>>
      tpu.wait_dma2 semaphore(%run_scoped3A : memref<!tpu.dma_semaphore, #tpu.memory_space<semaphore_mem>>) src(%dma_wait3A_35 : memref<40x128xi32, #tpu.memory_space<hbm>>) dst(%arg6 : memref<40x128xi32, #tpu.memory_space<vmem>>)
      tpu.yield
    }) : () -> ()
    "tpu.region"() ({
      %run_scoped3A = tpu.sem_alloc : memref<!tpu.dma_semaphore, #tpu.memory_space<semaphore_mem>>
      tpu.enqueue_dma source(%arg3 : memref<128x128xf32, #tpu.memory_space<hbm>>) target(%arg7 : memref<128x128xf32, #tpu.memory_space<vmem>>) target_semaphore(%run_scoped3A : memref<!tpu.dma_semaphore, #tpu.memory_space<semaphore_mem>>)
      tpu.wait_dma2 semaphore(%run_scoped3A : memref<!tpu.dma_semaphore, #tpu.memory_space<semaphore_mem>>) src(%arg3 : memref<128x128xf32, #tpu.memory_space<hbm>>) dst(%arg7 : memref<128x128xf32, #tpu.memory_space<vmem>>)
      tpu.yield
    }) : () -> ()
    %add3A_5 = arith.constant 0 : i32
    %add3A_6 = arith.addi %mul3A_2, %add3A_5 : i32
    "tpu.region"() ({
      %run_scoped3A = tpu.sem_alloc : memref<!tpu.dma_semaphore, #tpu.memory_space<semaphore_mem>>
      %dma_start3A = arith.constant 0 : i32
      %dma_start3A_22 = tpu.memref_slice %arg8[%add3A_6, %dma_start3A] : memref<10240x128xf32, #tpu.memory_space<vmem_shared>> -> memref<128x128xf32, #tpu.memory_space<vmem_shared>>
      tpu.enqueue_dma source(%arg4 : memref<128x128xf32, #tpu.memory_space<hbm>>) target(%dma_start3A_22 : memref<128x128xf32, #tpu.memory_space<vmem_shared>>) target_semaphore(%run_scoped3A : memref<!tpu.dma_semaphore, #tpu.memory_space<semaphore_mem>>)
      %dma_wait3A = arith.constant 0 : i32
      %dma_wait3A_23 = tpu.memref_slice %arg8[%add3A_6, %dma_wait3A] : memref<10240x128xf32, #tpu.memory_space<vmem_shared>> -> memref<128x128xf32, #tpu.memory_space<vmem_shared>>
      tpu.wait_dma2 semaphore(%run_scoped3A : memref<!tpu.dma_semaphore, #tpu.memory_space<semaphore_mem>>) src(%arg4 : memref<128x128xf32, #tpu.memory_space<hbm>>) dst(%dma_wait3A_23 : memref<128x128xf32, #tpu.memory_space<vmem_shared>>)
      tpu.yield
    }) : () -> ()
    %add3A_7 = arith.constant 128 : i32
    %add3A_8 = arith.addi %mul3A_2, %add3A_7 : i32
    "tpu.region"() ({
      %run_scoped3A = tpu.sem_alloc : memref<!tpu.dma_semaphore, #tpu.memory_space<semaphore_mem>>
      %dma_start3A = arith.constant 0 : i32
      %dma_start3A_22 = tpu.memref_slice %arg8[%add3A_8, %dma_start3A] : memref<10240x128xf32, #tpu.memory_space<vmem_shared>> -> memref<128x128xf32, #tpu.memory_space<vmem_shared>>
      tpu.enqueue_dma source(%arg4 : memref<128x128xf32, #tpu.memory_space<hbm>>) target(%dma_start3A_22 : memref<128x128xf32, #tpu.memory_space<vmem_shared>>) target_semaphore(%run_scoped3A : memref<!tpu.dma_semaphore, #tpu.memory_space<semaphore_mem>>)
      %dma_wait3A = arith.constant 0 : i32
      %dma_wait3A_23 = tpu.memref_slice %arg8[%add3A_8, %dma_wait3A] : memref<10240x128xf32, #tpu.memory_space<vmem_shared>> -> memref<128x128xf32, #tpu.memory_space<vmem_shared>>
      tpu.wait_dma2 semaphore(%run_scoped3A : memref<!tpu.dma_semaphore, #tpu.memory_space<semaphore_mem>>) src(%arg4 : memref<128x128xf32, #tpu.memory_space<hbm>>) dst(%dma_wait3A_23 : memref<128x128xf32, #tpu.memory_space<vmem_shared>>)
      tpu.yield
    }) : () -> ()
    %add3A_9 = arith.constant 256 : i32
    %add3A_10 = arith.addi %mul3A_2, %add3A_9 : i32
    "tpu.region"() ({
      %run_scoped3A = tpu.sem_alloc : memref<!tpu.dma_semaphore, #tpu.memory_space<semaphore_mem>>
      %dma_start3A = arith.constant 0 : i32
      %dma_start3A_22 = tpu.memref_slice %arg8[%add3A_10, %dma_start3A] : memref<10240x128xf32, #tpu.memory_space<vmem_shared>> -> memref<128x128xf32, #tpu.memory_space<vmem_shared>>
      tpu.enqueue_dma source(%arg4 : memref<128x128xf32, #tpu.memory_space<hbm>>) target(%dma_start3A_22 : memref<128x128xf32, #tpu.memory_space<vmem_shared>>) target_semaphore(%run_scoped3A : memref<!tpu.dma_semaphore, #tpu.memory_space<semaphore_mem>>)
      %dma_wait3A = arith.constant 0 : i32
      %dma_wait3A_23 = tpu.memref_slice %arg8[%add3A_10, %dma_wait3A] : memref<10240x128xf32, #tpu.memory_space<vmem_shared>> -> memref<128x128xf32, #tpu.memory_space<vmem_shared>>
      tpu.wait_dma2 semaphore(%run_scoped3A : memref<!tpu.dma_semaphore, #tpu.memory_space<semaphore_mem>>) src(%arg4 : memref<128x128xf32, #tpu.memory_space<hbm>>) dst(%dma_wait3A_23 : memref<128x128xf32, #tpu.memory_space<vmem_shared>>)
      tpu.yield
    }) : () -> ()
    %add3A_11 = arith.constant 384 : i32
    %add3A_12 = arith.addi %mul3A_2, %add3A_11 : i32
    "tpu.region"() ({
      %run_scoped3A = tpu.sem_alloc : memref<!tpu.dma_semaphore, #tpu.memory_space<semaphore_mem>>
      %dma_start3A = arith.constant 0 : i32
      %dma_start3A_22 = tpu.memref_slice %arg8[%add3A_12, %dma_start3A] : memref<10240x128xf32, #tpu.memory_space<vmem_shared>> -> memref<128x128xf32, #tpu.memory_space<vmem_shared>>
      tpu.enqueue_dma source(%arg4 : memref<128x128xf32, #tpu.memory_space<hbm>>) target(%dma_start3A_22 : memref<128x128xf32, #tpu.memory_space<vmem_shared>>) target_semaphore(%run_scoped3A : memref<!tpu.dma_semaphore, #tpu.memory_space<semaphore_mem>>)
      %dma_wait3A = arith.constant 0 : i32
      %dma_wait3A_23 = tpu.memref_slice %arg8[%add3A_12, %dma_wait3A] : memref<10240x128xf32, #tpu.memory_space<vmem_shared>> -> memref<128x128xf32, #tpu.memory_space<vmem_shared>>
      tpu.wait_dma2 semaphore(%run_scoped3A : memref<!tpu.dma_semaphore, #tpu.memory_space<semaphore_mem>>) src(%arg4 : memref<128x128xf32, #tpu.memory_space<hbm>>) dst(%dma_wait3A_23 : memref<128x128xf32, #tpu.memory_space<vmem_shared>>)
      tpu.yield
    }) : () -> ()
    %add3A_13 = arith.constant 512 : i32
    %add3A_14 = arith.addi %mul3A_2, %add3A_13 : i32
    "tpu.region"() ({
      %run_scoped3A = tpu.sem_alloc : memref<!tpu.dma_semaphore, #tpu.memory_space<semaphore_mem>>
      %dma_start3A = arith.constant 0 : i32
      %dma_start3A_22 = tpu.memref_slice %arg8[%add3A_14, %dma_start3A] : memref<10240x128xf32, #tpu.memory_space<vmem_shared>> -> memref<128x128xf32, #tpu.memory_space<vmem_shared>>
      tpu.enqueue_dma source(%arg4 : memref<128x128xf32, #tpu.memory_space<hbm>>) target(%dma_start3A_22 : memref<128x128xf32, #tpu.memory_space<vmem_shared>>) target_semaphore(%run_scoped3A : memref<!tpu.dma_semaphore, #tpu.memory_space<semaphore_mem>>)
      %dma_wait3A = arith.constant 0 : i32
      %dma_wait3A_23 = tpu.memref_slice %arg8[%add3A_14, %dma_wait3A] : memref<10240x128xf32, #tpu.memory_space<vmem_shared>> -> memref<128x128xf32, #tpu.memory_space<vmem_shared>>
      tpu.wait_dma2 semaphore(%run_scoped3A : memref<!tpu.dma_semaphore, #tpu.memory_space<semaphore_mem>>) src(%arg4 : memref<128x128xf32, #tpu.memory_space<hbm>>) dst(%dma_wait3A_23 : memref<128x128xf32, #tpu.memory_space<vmem_shared>>)
      tpu.yield
    }) : () -> ()
    %barrier3A = arith.constant 0 : index
    tpu.barrier barrier_id(%barrier3A)
    %scan3A = arith.constant 0 : i32
    %scan3A_15 = arith.constant 0 : i32
    %scan3A_16 = arith.constant 10 : i32
    %scan3A_17 = arith.addi %scan3A_15, %scan3A_16 : i32
    %scan3A_18 = arith.constant 1 : i32
    scf.for %scan3A_22 = %scan3A_15 to %scan3A_17 step %scan3A_18  : i32 {
      %mul3A_23 = arith.constant 4 : i32
      %mul3A_24 = arith.muli %scan3A_22, %mul3A_23 : i32
      %add3A_25 = arith.constant 0 : i32
      %add3A_26 = arith.addi %mul3A_24, %add3A_25 : i32
      %dma_start3A = arith.constant 0 : i32
      %dma_start3A_27 = arith.constant 0 : i32
      %dma_start3A_28 = tpu.memref_slice %arg6[%add3A_26, %dma_start3A_27] : memref<40x128xi32, #tpu.memory_space<vmem>> -> memref<1x128xi32, #tpu.memory_space<vmem>>
      %dma_start3A_29 = tpu.memref_squeeze %dma_start3A_28 : memref<1x128xi32, #tpu.memory_space<vmem>> -> memref<128xi32, #tpu.memory_space<vmem>>
      %dma_start3A_30 = arith.constant 0 : i32
      %dma_start3A_31 = arith.constant 0 : i32
      %dma_start3A_32 = tpu.memref_slice %arg8[%dma_start3A_30, %dma_start3A_31] : memref<10240x128xf32, #tpu.memory_space<vmem_shared>> -> memref<10240x128xf32, #tpu.memory_space<vmem_shared>>
      %dma_start3A_33 = tpu.memref_slice %arg9[%dma_start3A] : memref<4x!tpu.dma_semaphore, #tpu.memory_space<semaphore_mem>> -> memref<1x!tpu.dma_semaphore, #tpu.memory_space<semaphore_mem>>
      %dma_start3A_34 = tpu.memref_squeeze %dma_start3A_33 : memref<1x!tpu.dma_semaphore, #tpu.memory_space<semaphore_mem>> -> memref<!tpu.dma_semaphore, #tpu.memory_space<semaphore_mem>>
      tpu.enqueue_indirect_dma source(%arg7 : memref<128x128xf32, #tpu.memory_space<vmem>>) target(%dma_start3A_32 : memref<10240x128xf32, #tpu.memory_space<vmem_shared>>) offsets(%dma_start3A_29 : memref<128xi32, #tpu.memory_space<vmem>>) semaphore(%dma_start3A_34 : memref<!tpu.dma_semaphore, #tpu.memory_space<semaphore_mem>>) {add = true}
      %mul3A_35 = arith.constant 4 : i32
      %mul3A_36 = arith.muli %scan3A_22, %mul3A_35 : i32
      %add3A_37 = arith.constant 1 : i32
      %add3A_38 = arith.addi %mul3A_36, %add3A_37 : i32
      %dma_start3A_39 = arith.constant 1 : i32
      %dma_start3A_40 = arith.constant 0 : i32
      %dma_start3A_41 = tpu.memref_slice %arg6[%add3A_38, %dma_start3A_40] : memref<40x128xi32, #tpu.memory_space<vmem>> -> memref<1x128xi32, #tpu.memory_space<vmem>>
      %dma_start3A_42 = tpu.memref_squeeze %dma_start3A_41 : memref<1x128xi32, #tpu.memory_space<vmem>> -> memref<128xi32, #tpu.memory_space<vmem>>
      %dma_start3A_43 = arith.constant 0 : i32
      %dma_start3A_44 = arith.constant 0 : i32
      %dma_start3A_45 = tpu.memref_slice %arg8[%dma_start3A_43, %dma_start3A_44] : memref<10240x128xf32, #tpu.memory_space<vmem_shared>> -> memref<10240x128xf32, #tpu.memory_space<vmem_shared>>
      %dma_start3A_46 = tpu.memref_slice %arg9[%dma_start3A_39] : memref<4x!tpu.dma_semaphore, #tpu.memory_space<semaphore_mem>> -> memref<1x!tpu.dma_semaphore, #tpu.memory_space<semaphore_mem>>
      %dma_start3A_47 = tpu.memref_squeeze %dma_start3A_46 : memref<1x!tpu.dma_semaphore, #tpu.memory_space<semaphore_mem>> -> memref<!tpu.dma_semaphore, #tpu.memory_space<semaphore_mem>>
      tpu.enqueue_indirect_dma source(%arg7 : memref<128x128xf32, #tpu.memory_space<vmem>>) target(%dma_start3A_45 : memref<10240x128xf32, #tpu.memory_space<vmem_shared>>) offsets(%dma_start3A_42 : memref<128xi32, #tpu.memory_space<vmem>>) semaphore(%dma_start3A_47 : memref<!tpu.dma_semaphore, #tpu.memory_space<semaphore_mem>>) {add = true}
      %mul3A_48 = arith.constant 4 : i32
      %mul3A_49 = arith.muli %scan3A_22, %mul3A_48 : i32
      %add3A_50 = arith.constant 2 : i32
      %add3A_51 = arith.addi %mul3A_49, %add3A_50 : i32
      %dma_start3A_52 = arith.constant 2 : i32
      %dma_start3A_53 = arith.constant 0 : i32
      %dma_start3A_54 = tpu.memref_slice %arg6[%add3A_51, %dma_start3A_53] : memref<40x128xi32, #tpu.memory_space<vmem>> -> memref<1x128xi32, #tpu.memory_space<vmem>>
      %dma_start3A_55 = tpu.memref_squeeze %dma_start3A_54 : memref<1x128xi32, #tpu.memory_space<vmem>> -> memref<128xi32, #tpu.memory_space<vmem>>
      %dma_start3A_56 = arith.constant 0 : i32
      %dma_start3A_57 = arith.constant 0 : i32
      %dma_start3A_58 = tpu.memref_slice %arg8[%dma_start3A_56, %dma_start3A_57] : memref<10240x128xf32, #tpu.memory_space<vmem_shared>> -> memref<10240x128xf32, #tpu.memory_space<vmem_shared>>
      %dma_start3A_59 = tpu.memref_slice %arg9[%dma_start3A_52] : memref<4x!tpu.dma_semaphore, #tpu.memory_space<semaphore_mem>> -> memref<1x!tpu.dma_semaphore, #tpu.memory_space<semaphore_mem>>
      %dma_start3A_60 = tpu.memref_squeeze %dma_start3A_59 : memref<1x!tpu.dma_semaphore, #tpu.memory_space<semaphore_mem>> -> memref<!tpu.dma_semaphore, #tpu.memory_space<semaphore_mem>>
      tpu.enqueue_indirect_dma source(%arg7 : memref<128x128xf32, #tpu.memory_space<vmem>>) target(%dma_start3A_58 : memref<10240x128xf32, #tpu.memory_space<vmem_shared>>) offsets(%dma_start3A_55 : memref<128xi32, #tpu.memory_space<vmem>>) semaphore(%dma_start3A_60 : memref<!tpu.dma_semaphore, #tpu.memory_space<semaphore_mem>>) {add = true}
      %mul3A_61 = arith.constant 4 : i32
      %mul3A_62 = arith.muli %scan3A_22, %mul3A_61 : i32
      %add3A_63 = arith.constant 3 : i32
      %add3A_64 = arith.addi %mul3A_62, %add3A_63 : i32
      %dma_start3A_65 = arith.constant 3 : i32
      %dma_start3A_66 = arith.constant 0 : i32
      %dma_start3A_67 = tpu.memref_slice %arg6[%add3A_64, %dma_start3A_66] : memref<40x128xi32, #tpu.memory_space<vmem>> -> memref<1x128xi32, #tpu.memory_space<vmem>>
      %dma_start3A_68 = tpu.memref_squeeze %dma_start3A_67 : memref<1x128xi32, #tpu.memory_space<vmem>> -> memref<128xi32, #tpu.memory_space<vmem>>
      %dma_start3A_69 = arith.constant 0 : i32
      %dma_start3A_70 = arith.constant 0 : i32
      %dma_start3A_71 = tpu.memref_slice %arg8[%dma_start3A_69, %dma_start3A_70] : memref<10240x128xf32, #tpu.memory_space<vmem_shared>> -> memref<10240x128xf32, #tpu.memory_space<vmem_shared>>
      %dma_start3A_72 = tpu.memref_slice %arg9[%dma_start3A_65] : memref<4x!tpu.dma_semaphore, #tpu.memory_space<semaphore_mem>> -> memref<1x!tpu.dma_semaphore, #tpu.memory_space<semaphore_mem>>
      %dma_start3A_73 = tpu.memref_squeeze %dma_start3A_72 : memref<1x!tpu.dma_semaphore, #tpu.memory_space<semaphore_mem>> -> memref<!tpu.dma_semaphore, #tpu.memory_space<semaphore_mem>>
      tpu.enqueue_indirect_dma source(%arg7 : memref<128x128xf32, #tpu.memory_space<vmem>>) target(%dma_start3A_71 : memref<10240x128xf32, #tpu.memory_space<vmem_shared>>) offsets(%dma_start3A_68 : memref<128xi32, #tpu.memory_space<vmem>>) semaphore(%dma_start3A_73 : memref<!tpu.dma_semaphore, #tpu.memory_space<semaphore_mem>>) {add = true}
      %mul3A_74 = arith.constant 4 : i32
      %mul3A_75 = arith.muli %scan3A_22, %mul3A_74 : i32
      %add3A_76 = arith.constant 0 : i32
      %add3A_77 = arith.addi %mul3A_75, %add3A_76 : i32
      %dma_wait3A = arith.constant 0 : i32
      %dma_wait3A_78 = arith.constant 0 : i32
      %dma_wait3A_79 = tpu.memref_slice %arg6[%add3A_77, %dma_wait3A_78] : memref<40x128xi32, #tpu.memory_space<vmem>> -> memref<1x128xi32, #tpu.memory_space<vmem>>
      %dma_wait3A_80 = tpu.memref_squeeze %dma_wait3A_79 : memref<1x128xi32, #tpu.memory_space<vmem>> -> memref<128xi32, #tpu.memory_space<vmem>>
      %dma_wait3A_81 = arith.constant 0 : i32
      %dma_wait3A_82 = arith.constant 0 : i32
      %dma_wait3A_83 = tpu.memref_slice %arg8[%dma_wait3A_81, %dma_wait3A_82] : memref<10240x128xf32, #tpu.memory_space<vmem_shared>> -> memref<10240x128xf32, #tpu.memory_space<vmem_shared>>
      %dma_wait3A_84 = tpu.memref_slice %arg9[%dma_wait3A] : memref<4x!tpu.dma_semaphore, #tpu.memory_space<semaphore_mem>> -> memref<1x!tpu.dma_semaphore, #tpu.memory_space<semaphore_mem>>
      %dma_wait3A_85 = tpu.memref_squeeze %dma_wait3A_84 : memref<1x!tpu.dma_semaphore, #tpu.memory_space<semaphore_mem>> -> memref<!tpu.dma_semaphore, #tpu.memory_space<semaphore_mem>>
      tpu.wait_indirect_dma semaphore(%dma_wait3A_85 : memref<!tpu.dma_semaphore, #tpu.memory_space<semaphore_mem>>) src(%arg7 : memref<128x128xf32, #tpu.memory_space<vmem>>) dst(%dma_wait3A_83 : memref<10240x128xf32, #tpu.memory_space<vmem_shared>>)
      %mul3A_86 = arith.constant 4 : i32
      %mul3A_87 = arith.muli %scan3A_22, %mul3A_86 : i32
      %add3A_88 = arith.constant 1 : i32
      %add3A_89 = arith.addi %mul3A_87, %add3A_88 : i32
      %dma_wait3A_90 = arith.constant 1 : i32
      %dma_wait3A_91 = arith.constant 0 : i32
      %dma_wait3A_92 = tpu.memref_slice %arg6[%add3A_89, %dma_wait3A_91] : memref<40x128xi32, #tpu.memory_space<vmem>> -> memref<1x128xi32, #tpu.memory_space<vmem>>
      %dma_wait3A_93 = tpu.memref_squeeze %dma_wait3A_92 : memref<1x128xi32, #tpu.memory_space<vmem>> -> memref<128xi32, #tpu.memory_space<vmem>>
      %dma_wait3A_94 = arith.constant 0 : i32
      %dma_wait3A_95 = arith.constant 0 : i32
      %dma_wait3A_96 = tpu.memref_slice %arg8[%dma_wait3A_94, %dma_wait3A_95] : memref<10240x128xf32, #tpu.memory_space<vmem_shared>> -> memref<10240x128xf32, #tpu.memory_space<vmem_shared>>
      %dma_wait3A_97 = tpu.memref_slice %arg9[%dma_wait3A_90] : memref<4x!tpu.dma_semaphore, #tpu.memory_space<semaphore_mem>> -> memref<1x!tpu.dma_semaphore, #tpu.memory_space<semaphore_mem>>
      %dma_wait3A_98 = tpu.memref_squeeze %dma_wait3A_97 : memref<1x!tpu.dma_semaphore, #tpu.memory_space<semaphore_mem>> -> memref<!tpu.dma_semaphore, #tpu.memory_space<semaphore_mem>>
      tpu.wait_indirect_dma semaphore(%dma_wait3A_98 : memref<!tpu.dma_semaphore, #tpu.memory_space<semaphore_mem>>) src(%arg7 : memref<128x128xf32, #tpu.memory_space<vmem>>) dst(%dma_wait3A_96 : memref<10240x128xf32, #tpu.memory_space<vmem_shared>>)
      %mul3A_99 = arith.constant 4 : i32
      %mul3A_100 = arith.muli %scan3A_22, %mul3A_99 : i32
      %add3A_101 = arith.constant 2 : i32
      %add3A_102 = arith.addi %mul3A_100, %add3A_101 : i32
      %dma_wait3A_103 = arith.constant 2 : i32
      %dma_wait3A_104 = arith.constant 0 : i32
      %dma_wait3A_105 = tpu.memref_slice %arg6[%add3A_102, %dma_wait3A_104] : memref<40x128xi32, #tpu.memory_space<vmem>> -> memref<1x128xi32, #tpu.memory_space<vmem>>
      %dma_wait3A_106 = tpu.memref_squeeze %dma_wait3A_105 : memref<1x128xi32, #tpu.memory_space<vmem>> -> memref<128xi32, #tpu.memory_space<vmem>>
      %dma_wait3A_107 = arith.constant 0 : i32
      %dma_wait3A_108 = arith.constant 0 : i32
      %dma_wait3A_109 = tpu.memref_slice %arg8[%dma_wait3A_107, %dma_wait3A_108] : memref<10240x128xf32, #tpu.memory_space<vmem_shared>> -> memref<10240x128xf32, #tpu.memory_space<vmem_shared>>
      %dma_wait3A_110 = tpu.memref_slice %arg9[%dma_wait3A_103] : memref<4x!tpu.dma_semaphore, #tpu.memory_space<semaphore_mem>> -> memref<1x!tpu.dma_semaphore, #tpu.memory_space<semaphore_mem>>
      %dma_wait3A_111 = tpu.memref_squeeze %dma_wait3A_110 : memref<1x!tpu.dma_semaphore, #tpu.memory_space<semaphore_mem>> -> memref<!tpu.dma_semaphore, #tpu.memory_space<semaphore_mem>>
      tpu.wait_indirect_dma semaphore(%dma_wait3A_111 : memref<!tpu.dma_semaphore, #tpu.memory_space<semaphore_mem>>) src(%arg7 : memref<128x128xf32, #tpu.memory_space<vmem>>) dst(%dma_wait3A_109 : memref<10240x128xf32, #tpu.memory_space<vmem_shared>>)
      %mul3A_112 = arith.constant 4 : i32
      %mul3A_113 = arith.muli %scan3A_22, %mul3A_112 : i32
      %add3A_114 = arith.constant 3 : i32
      %add3A_115 = arith.addi %mul3A_113, %add3A_114 : i32
      %dma_wait3A_116 = arith.constant 3 : i32
      %dma_wait3A_117 = arith.constant 0 : i32
      %dma_wait3A_118 = tpu.memref_slice %arg6[%add3A_115, %dma_wait3A_117] : memref<40x128xi32, #tpu.memory_space<vmem>> -> memref<1x128xi32, #tpu.memory_space<vmem>>
      %dma_wait3A_119 = tpu.memref_squeeze %dma_wait3A_118 : memref<1x128xi32, #tpu.memory_space<vmem>> -> memref<128xi32, #tpu.memory_space<vmem>>
      %dma_wait3A_120 = arith.constant 0 : i32
      %dma_wait3A_121 = arith.constant 0 : i32
      %dma_wait3A_122 = tpu.memref_slice %arg8[%dma_wait3A_120, %dma_wait3A_121] : memref<10240x128xf32, #tpu.memory_space<vmem_shared>> -> memref<10240x128xf32, #tpu.memory_space<vmem_shared>>
      %dma_wait3A_123 = tpu.memref_slice %arg9[%dma_wait3A_116] : memref<4x!tpu.dma_semaphore, #tpu.memory_space<semaphore_mem>> -> memref<1x!tpu.dma_semaphore, #tpu.memory_space<semaphore_mem>>
      %dma_wait3A_124 = tpu.memref_squeeze %dma_wait3A_123 : memref<1x!tpu.dma_semaphore, #tpu.memory_space<semaphore_mem>> -> memref<!tpu.dma_semaphore, #tpu.memory_space<semaphore_mem>>
      tpu.wait_indirect_dma semaphore(%dma_wait3A_124 : memref<!tpu.dma_semaphore, #tpu.memory_space<semaphore_mem>>) src(%arg7 : memref<128x128xf32, #tpu.memory_space<vmem>>) dst(%dma_wait3A_122 : memref<10240x128xf32, #tpu.memory_space<vmem_shared>>)
    }
    %scan3A_19 = arith.constant 10 : i32
    %barrier3A_20 = arith.constant 0 : index
    tpu.barrier barrier_id(%barrier3A_20)
    %add3A_21 = arith.addi %mul3A_4, %mul3A_2 : i32
    "tpu.region"() ({
      %run_scoped3A = tpu.sem_alloc : memref<!tpu.dma_semaphore, #tpu.memory_space<semaphore_mem>>
      %dma_start3A = arith.constant 0 : i32
      %dma_start3A_22 = tpu.memref_slice %arg5[%add3A_21, %dma_start3A] : memref<20480x128xf32, #tpu.memory_space<hbm>> -> memref<640x128xf32, #tpu.memory_space<hbm>>
      %dma_start3A_23 = arith.constant 0 : i32
      %dma_start3A_24 = tpu.memref_slice %arg8[%mul3A_2, %dma_start3A_23] : memref<10240x128xf32, #tpu.memory_space<vmem_shared>> -> memref<640x128xf32, #tpu.memory_space<vmem_shared>>
      tpu.enqueue_dma source(%dma_start3A_24 : memref<640x128xf32, #tpu.memory_space<vmem_shared>>) target(%dma_start3A_22 : memref<640x128xf32, #tpu.memory_space<hbm>>) target_semaphore(%run_scoped3A : memref<!tpu.dma_semaphore, #tpu.memory_space<semaphore_mem>>)
      %dma_wait3A = arith.constant 0 : i32
      %dma_wait3A_25 = tpu.memref_slice %arg5[%add3A_21, %dma_wait3A] : memref<20480x128xf32, #tpu.memory_space<hbm>> -> memref<640x128xf32, #tpu.memory_space<hbm>>
      %dma_wait3A_26 = arith.constant 0 : i32
      %dma_wait3A_27 = tpu.memref_slice %arg8[%mul3A_2, %dma_wait3A_26] : memref<10240x128xf32, #tpu.memory_space<vmem_shared>> -> memref<640x128xf32, #tpu.memory_space<vmem_shared>>
      tpu.wait_dma2 semaphore(%run_scoped3A : memref<!tpu.dma_semaphore, #tpu.memory_space<semaphore_mem>>) src(%dma_wait3A_27 : memref<640x128xf32, #tpu.memory_space<vmem_shared>>) dst(%dma_wait3A_25 : memref<640x128xf32, #tpu.memory_space<hbm>>)
      tpu.yield
    }) : () -> ()
    return
  }
}

module attributes {stable_mosaic.version = 14 : i64} {
  func.func @_tc_a_body(%arg0: i32, %arg1: memref<1024x256xf32, #tpu.memory_space<vmem>>, %arg2: memref<256x256xf32, #tpu.memory_space<vmem>>, %arg3: memref<2x1024x128xf32, #tpu.memory_space<vmem>>) attributes {dimension_semantics = [#tpu.dimension_semantics<arbitrary>], iteration_bounds = array<i64: 10>, scalar_prefetch = 0 : i64, scratch_operands = 0 : i64, tpu.core_type = #tpu.core_type<tc>, window_params = [{transform_indices = @transform_0, window_bounds = array<i64: 1024, 256>}, {pipeline_mode = #tpu.pipeline_mode<synchronous>, transform_indices = @transform_1, window_bounds = array<i64: 256, 256>}, {transform_indices = @transform_2, window_bounds = array<i64: 2, 1024, 128>}]} {
    %get3A = arith.constant 0 : index
    %get3A_0 = arith.constant 0 : index
    %get3A_1 = vector.load %arg1[%get3A, %get3A_0] : memref<1024x256xf32, #tpu.memory_space<vmem>>, vector<1024x256xf32>
    %get3A_2 = arith.constant 0 : index
    %get3A_3 = arith.constant 0 : index
    %get3A_4 = vector.load %arg2[%get3A_2, %get3A_3] : memref<256x256xf32, #tpu.memory_space<vmem>>, vector<256x256xf32>
    %dot_general3A = arith.constant dense<0.000000e+00> : vector<1024x256xf32>
    %dot_general3A_5 = tpu.matmul %get3A_1, %get3A_4, %dot_general3A {dimension_numbers = #tpu.dot_dimension_numbers<[1], [0], [0], [1], [0, 0, 1, 1], [], []>, transpose_lhs_hint = false} : vector<1024x256xf32>, vector<256x256xf32>, vector<1024x256xf32> -> vector<1024x256xf32>
    %slice3A = vector.extract_strided_slice %dot_general3A_5 {offsets = [0, 0], sizes = [1024, 128], strides = [1, 1]} : vector<1024x256xf32> to vector<1024x128xf32>
    %slice3A_6 = vector.extract_strided_slice %dot_general3A_5 {offsets = [0, 128], sizes = [1024, 128], strides = [1, 1]} : vector<1024x256xf32> to vector<1024x128xf32>
    %stack3A = vector.shape_cast %slice3A : vector<1024x128xf32> to vector<1x1024x128xf32>
    %stack3A_7 = vector.shape_cast %slice3A_6 : vector<1024x128xf32> to vector<1x1024x128xf32>
    %stack3A_8 = tpu.concatenate %stack3A, %stack3A_7 in 0 : vector<1x1024x128xf32>, vector<1x1024x128xf32> -> vector<2x1024x128xf32>
    %swap3A = arith.constant 0 : index
    %swap3A_9 = arith.constant 0 : index
    %swap3A_10 = arith.constant 0 : index
    %swap3A_11 = vector.load %arg3[%swap3A, %swap3A_9, %swap3A_10] : memref<2x1024x128xf32, #tpu.memory_space<vmem>>, vector<2x1024x128xf32>
    tpu.vector_store %arg3[%swap3A, %swap3A_9, %swap3A_10], %stack3A_8 {strides = array<i32>} : memref<2x1024x128xf32, #tpu.memory_space<vmem>>, vector<2x1024x128xf32>,
    return
  }
  func.func @transform_0(%arg0: i32) -> (i32, i32) {
    %c0_i32 = arith.constant 0 : i32
    %c0_i32_0 = arith.constant 0 : i32
    return %arg0, %c0_i32 : i32, i32
  }
  func.func @transform_1(%arg0: i32) -> (i32, i32) {
    %c0_i32 = arith.constant 0 : i32
    %c0_i32_0 = arith.constant 0 : i32
    %c0_i32_1 = arith.constant 0 : i32
    return %c0_i32, %c0_i32_0 : i32, i32
  }
  func.func @transform_2(%arg0: i32) -> (i32, i32, i32) {
    %c0_i32 = arith.constant 0 : i32
    %c0_i32_0 = arith.constant 0 : i32
    %c0_i32_1 = arith.constant 0 : i32
    return %c0_i32, %arg0, %c0_i32_0 : i32, i32, i32
  }
}

module attributes {stable_mosaic.version = 14 : i64} {
  func.func @_tc_s_body(%arg0: i32, %arg1: memref<2048x128xf32, #tpu.memory_space<vmem>>, %arg2: memref<2048x1xf32, #tpu.memory_space<vmem>>, %arg3: memref<2048x1xf32, #tpu.memory_space<vmem>>, %arg4: memref<2048x128xf32, #tpu.memory_space<vmem>>) attributes {dimension_semantics = [#tpu.dimension_semantics<arbitrary>], iteration_bounds = array<i64: 10>, scalar_prefetch = 0 : i64, scratch_operands = 0 : i64, tpu.core_type = #tpu.core_type<tc>, window_params = [{transform_indices = @transform_0, window_bounds = array<i64: 2048, 128>}, {transform_indices = @transform_1, window_bounds = array<i64: 2048, 1>}, {transform_indices = @transform_2, window_bounds = array<i64: 2048, 1>}, {transform_indices = @transform_3, window_bounds = array<i64: 2048, 128>}]} {
    %get3A = arith.constant 0 : index
    %get3A_0 = arith.constant 0 : index
    %get3A_1 = vector.load %arg2[%get3A, %get3A_0] : memref<2048x1xf32, #tpu.memory_space<vmem>>, vector<2048x1xf32>
    %get3A_2 = arith.constant 0 : index
    %get3A_3 = arith.constant 0 : index
    %get3A_4 = vector.load %arg3[%get3A_2, %get3A_3] : memref<2048x1xf32, #tpu.memory_space<vmem>>, vector<2048x1xf32>
    %add3A = arith.addf %get3A_1, %get3A_4 : vector<2048x1xf32>
    %add3A_5 = arith.constant 1.000000e+00 : f32
    %add3A_6 = vector.broadcast %add3A_5 : f32 to vector<2048x1xf32>
    %add3A_7 = arith.addf %add3A, %add3A_6 : vector<2048x1xf32>
    %rsqrt3A = math.rsqrt %add3A_7 : vector<2048x1xf32>
    %get3A_8 = arith.constant 0 : index
    %get3A_9 = arith.constant 0 : index
    %get3A_10 = vector.load %arg1[%get3A_8, %get3A_9] : memref<2048x128xf32, #tpu.memory_space<vmem>>, vector<2048x128xf32>
    %mul3A = vector.broadcast %rsqrt3A : vector<2048x1xf32> to vector<2048x128xf32>
    %mul3A_11 = arith.mulf %get3A_10, %mul3A : vector<2048x128xf32>
    %swap3A = arith.constant 0 : index
    %swap3A_12 = arith.constant 0 : index
    %swap3A_13 = vector.load %arg4[%swap3A, %swap3A_12] : memref<2048x128xf32, #tpu.memory_space<vmem>>, vector<2048x128xf32>
    tpu.vector_store %arg4[%swap3A, %swap3A_12], %mul3A_11 {strides = array<i32>} : memref<2048x128xf32, #tpu.memory_space<vmem>>, vector<2048x128xf32>,
    return
  }
  func.func @transform_0(%arg0: i32) -> (i32, i32) {
    %c0_i32 = arith.constant 0 : i32
    %c0_i32_0 = arith.constant 0 : i32
    return %arg0, %c0_i32 : i32, i32
  }
  func.func @transform_1(%arg0: i32) -> (i32, i32) {
    %rem3A = arith.constant 5 : i32
    %rem3A_0 = arith.remsi %arg0, %rem3A : i32
    %c0_i32 = arith.constant 0 : i32
    %c0_i32_1 = arith.constant 0 : i32
    return %rem3A_0, %c0_i32 : i32, i32
  }
  func.func @transform_2(%arg0: i32) -> (i32, i32) {
    %rem3A = arith.constant 5 : i32
    %rem3A_0 = arith.remsi %arg0, %rem3A : i32
    %add3A = arith.constant 5 : i32
    %add3A_1 = arith.addi %rem3A_0, %add3A : i32
    %c0_i32 = arith.constant 0 : i32
    %c0_i32_2 = arith.constant 0 : i32
    return %add3A_1, %c0_i32 : i32, i32
  }
  func.func @transform_3(%arg0: i32) -> (i32, i32) {
    %c0_i32 = arith.constant 0 : i32
    %c0_i32_0 = arith.constant 0 : i32
    return %arg0, %c0_i32 : i32, i32
  }
}

module attributes {stable_mosaic.version = 14 : i64} {
  func.func @_tc_b_body(%arg0: i32, %arg1: memref<1024x128xf32, #tpu.memory_space<vmem>>, %arg2: memref<1024x128xf32, #tpu.memory_space<vmem>>, %arg3: memref<1024x1xf32, #tpu.memory_space<vmem>>, %arg4: memref<1024x1xf32, #tpu.memory_space<vmem>>, %arg5: memref<256x128xf32, #tpu.memory_space<vmem>>, %arg6: memref<1x256xf32, #tpu.memory_space<vmem>>, %arg7: memref<2x1024x128xf32, #tpu.memory_space<vmem>>) attributes {dimension_semantics = [#tpu.dimension_semantics<arbitrary>], iteration_bounds = array<i64: 10>, scalar_prefetch = 0 : i64, scratch_operands = 0 : i64, tpu.core_type = #tpu.core_type<tc>, window_params = [{transform_indices = @transform_0, window_bounds = array<i64: 1024, 128>}, {transform_indices = @transform_1, window_bounds = array<i64: 1024, 128>}, {transform_indices = @transform_2, window_bounds = array<i64: 1024, 1>}, {transform_indices = @transform_3, window_bounds = array<i64: 1024, 1>}, {pipeline_mode = #tpu.pipeline_mode<synchronous>, transform_indices = @transform_4, window_bounds = array<i64: 256, 128>}, {pipeline_mode = #tpu.pipeline_mode<synchronous>, transform_indices = @transform_5, window_bounds = array<i64: 1, 256>}, {transform_indices = @transform_6, window_bounds = array<i64: 2, 1024, 128>}]} {
    %get3A = arith.constant 0 : index
    %get3A_0 = arith.constant 0 : index
    %get3A_1 = vector.load %arg3[%get3A, %get3A_0] : memref<1024x1xf32, #tpu.memory_space<vmem>>, vector<1024x1xf32>
    %get3A_2 = arith.constant 0 : index
    %get3A_3 = arith.constant 0 : index
    %get3A_4 = vector.load %arg4[%get3A_2, %get3A_3] : memref<1024x1xf32, #tpu.memory_space<vmem>>, vector<1024x1xf32>
    %add3A = arith.addf %get3A_1, %get3A_4 : vector<1024x1xf32>
    %add3A_5 = arith.constant 1.000000e+00 : f32
    %add3A_6 = vector.broadcast %add3A_5 : f32 to vector<1024x1xf32>
    %add3A_7 = arith.addf %add3A, %add3A_6 : vector<1024x1xf32>
    %rsqrt3A = math.rsqrt %add3A_7 : vector<1024x1xf32>
    %get3A_8 = arith.constant 0 : index
    %get3A_9 = arith.constant 0 : index
    %get3A_10 = vector.load %arg1[%get3A_8, %get3A_9] : memref<1024x128xf32, #tpu.memory_space<vmem>>, vector<1024x128xf32>
    %get3A_11 = arith.constant 0 : index
    %get3A_12 = arith.constant 0 : index
    %get3A_13 = vector.load %arg2[%get3A_11, %get3A_12] : memref<1024x128xf32, #tpu.memory_space<vmem>>, vector<1024x128xf32>
    %concatenate3A = tpu.concatenate %get3A_10, %get3A_13 in 1 : vector<1024x128xf32>, vector<1024x128xf32> -> vector<1024x256xf32>
    %mul3A = vector.broadcast %rsqrt3A : vector<1024x1xf32> to vector<1024x256xf32>
    %mul3A_14 = arith.mulf %concatenate3A, %mul3A : vector<1024x256xf32>
    %get3A_15 = arith.constant 0 : index
    %get3A_16 = arith.constant 0 : index
    %get3A_17 = vector.load %arg6[%get3A_15, %get3A_16] : memref<1x256xf32, #tpu.memory_space<vmem>>, vector<1x256xf32>
    %add3A_18 = vector.broadcast %get3A_17 : vector<1x256xf32> to vector<1024x256xf32>
    %add3A_19 = arith.addf %mul3A_14, %add3A_18 : vector<1024x256xf32>
    %max3A = arith.constant 0.000000e+00 : f32
    %max3A_20 = vector.broadcast %max3A : f32 to vector<1024x256xf32>
    %max3A_21 = arith.maximumf %add3A_19, %max3A_20 : vector<1024x256xf32>
    %get3A_22 = arith.constant 0 : index
    %get3A_23 = arith.constant 0 : index
    %get3A_24 = vector.load %arg5[%get3A_22, %get3A_23] : memref<256x128xf32, #tpu.memory_space<vmem>>, vector<256x128xf32>
    %dot_general3A = arith.constant dense<0.000000e+00> : vector<1024x128xf32>
    %dot_general3A_25 = tpu.matmul %max3A_21, %get3A_24, %dot_general3A {dimension_numbers = #tpu.dot_dimension_numbers<[1], [0], [0], [1], [0, 0, 1, 1], [], []>, transpose_lhs_hint = false} : vector<1024x256xf32>, vector<256x128xf32>, vector<1024x128xf32> -> vector<1024x128xf32>
    %mul3A_26 = vector.broadcast %rsqrt3A : vector<1024x1xf32> to vector<1024x128xf32>
    %mul3A_27 = arith.mulf %dot_general3A_25, %mul3A_26 : vector<1024x128xf32>
    %broadcast_in_dim3A = vector.shape_cast %mul3A_27 : vector<1024x128xf32> to vector<1x1024x128xf32>
    %broadcast_in_dim3A_28 = vector.shape_cast %broadcast_in_dim3A : vector<1x1024x128xf32> to vector<1x1024x128xf32>
    %broadcast_in_dim3A_29 = vector.broadcast %broadcast_in_dim3A_28 : vector<1x1024x128xf32> to vector<2x1024x128xf32>
    %swap3A = arith.constant 0 : index
    %swap3A_30 = arith.constant 0 : index
    %swap3A_31 = arith.constant 0 : index
    %swap3A_32 = vector.load %arg7[%swap3A, %swap3A_30, %swap3A_31] : memref<2x1024x128xf32, #tpu.memory_space<vmem>>, vector<2x1024x128xf32>
    tpu.vector_store %arg7[%swap3A, %swap3A_30, %swap3A_31], %broadcast_in_dim3A_29 {strides = array<i32>} : memref<2x1024x128xf32, #tpu.memory_space<vmem>>, vector<2x1024x128xf32>,
    return
  }
  func.func @transform_0(%arg0: i32) -> (i32, i32) {
    %c0_i32 = arith.constant 0 : i32
    %c0_i32_0 = arith.constant 0 : i32
    return %arg0, %c0_i32 : i32, i32
  }
  func.func @transform_1(%arg0: i32) -> (i32, i32) {
    %add3A = arith.constant 10 : i32
    %add3A_0 = arith.addi %arg0, %add3A : i32
    %c0_i32 = arith.constant 0 : i32
    %c0_i32_1 = arith.constant 0 : i32
    return %add3A_0, %c0_i32 : i32, i32
  }
  func.func @transform_2(%arg0: i32) -> (i32, i32) {
    %c0_i32 = arith.constant 0 : i32
    %c0_i32_0 = arith.constant 0 : i32
    return %arg0, %c0_i32 : i32, i32
  }
  func.func @transform_3(%arg0: i32) -> (i32, i32) {
    %add3A = arith.constant 10 : i32
    %add3A_0 = arith.addi %arg0, %add3A : i32
    %c0_i32 = arith.constant 0 : i32
    %c0_i32_1 = arith.constant 0 : i32
    return %add3A_0, %c0_i32 : i32, i32
  }
  func.func @transform_4(%arg0: i32) -> (i32, i32) {
    %c0_i32 = arith.constant 0 : i32
    %c0_i32_0 = arith.constant 0 : i32
    %c0_i32_1 = arith.constant 0 : i32
    return %c0_i32, %c0_i32_0 : i32, i32
  }
  func.func @transform_5(%arg0: i32) -> (i32, i32) {
    %c0_i32 = arith.constant 0 : i32
    %c0_i32_0 = arith.constant 0 : i32
    %c0_i32_1 = arith.constant 0 : i32
    return %c0_i32, %c0_i32_0 : i32, i32
  }
  func.func @transform_6(%arg0: i32) -> (i32, i32, i32) {
    %c0_i32 = arith.constant 0 : i32
    %c0_i32_0 = arith.constant 0 : i32
    %c0_i32_1 = arith.constant 0 : i32
    return %c0_i32, %arg0, %c0_i32_0 : i32, i32, i32
  }
}

module attributes {stable_mosaic.version = 14 : i64} {
  func.func @_tc_c_body(%arg0: i32, %arg1: memref<1024x128xf32, #tpu.memory_space<vmem>>, %arg2: memref<1024x128xf32, #tpu.memory_space<vmem>>, %arg3: memref<1024x128xf32, #tpu.memory_space<vmem>>, %arg4: memref<1024x1xf32, #tpu.memory_space<vmem>>, %arg5: memref<1024x1xf32, #tpu.memory_space<vmem>>, %arg6: memref<1x128xf32, #tpu.memory_space<vmem>>, %arg7: memref<1024x128xf32, #tpu.memory_space<vmem>>) attributes {dimension_semantics = [#tpu.dimension_semantics<arbitrary>], iteration_bounds = array<i64: 10>, scalar_prefetch = 0 : i64, scratch_operands = 0 : i64, tpu.core_type = #tpu.core_type<tc>, window_params = [{transform_indices = @transform_0, window_bounds = array<i64: 1024, 128>}, {transform_indices = @transform_1, window_bounds = array<i64: 1024, 128>}, {transform_indices = @transform_2, window_bounds = array<i64: 1024, 128>}, {transform_indices = @transform_3, window_bounds = array<i64: 1024, 1>}, {transform_indices = @transform_4, window_bounds = array<i64: 1024, 1>}, {pipeline_mode = #tpu.pipeline_mode<synchronous>, transform_indices = @transform_5, window_bounds = array<i64: 1, 128>}, {transform_indices = @transform_6, window_bounds = array<i64: 1024, 128>}]} {
    %get3A = arith.constant 0 : index
    %get3A_0 = arith.constant 0 : index
    %get3A_1 = vector.load %arg4[%get3A, %get3A_0] : memref<1024x1xf32, #tpu.memory_space<vmem>>, vector<1024x1xf32>
    %get3A_2 = arith.constant 0 : index
    %get3A_3 = arith.constant 0 : index
    %get3A_4 = vector.load %arg5[%get3A_2, %get3A_3] : memref<1024x1xf32, #tpu.memory_space<vmem>>, vector<1024x1xf32>
    %add3A = arith.addf %get3A_1, %get3A_4 : vector<1024x1xf32>
    %add3A_5 = arith.constant 1.000000e+00 : f32
    %add3A_6 = vector.broadcast %add3A_5 : f32 to vector<1024x1xf32>
    %add3A_7 = arith.addf %add3A, %add3A_6 : vector<1024x1xf32>
    %rsqrt3A = math.rsqrt %add3A_7 : vector<1024x1xf32>
    %get3A_8 = arith.constant 0 : index
    %get3A_9 = arith.constant 0 : index
    %get3A_10 = vector.load %arg1[%get3A_8, %get3A_9] : memref<1024x128xf32, #tpu.memory_space<vmem>>, vector<1024x128xf32>
    %get3A_11 = arith.constant 0 : index
    %get3A_12 = arith.constant 0 : index
    %get3A_13 = vector.load %arg2[%get3A_11, %get3A_12] : memref<1024x128xf32, #tpu.memory_space<vmem>>, vector<1024x128xf32>
    %add3A_14 = arith.addf %get3A_10, %get3A_13 : vector<1024x128xf32>
    %get3A_15 = arith.constant 0 : index
    %get3A_16 = arith.constant 0 : index
    %get3A_17 = vector.load %arg3[%get3A_15, %get3A_16] : memref<1024x128xf32, #tpu.memory_space<vmem>>, vector<1024x128xf32>
    %add3A_18 = arith.addf %add3A_14, %get3A_17 : vector<1024x128xf32>
    %mul3A = vector.broadcast %rsqrt3A : vector<1024x1xf32> to vector<1024x128xf32>
    %mul3A_19 = arith.mulf %add3A_18, %mul3A : vector<1024x128xf32>
    %get3A_20 = arith.constant 0 : index
    %get3A_21 = arith.constant 0 : index
    %get3A_22 = vector.load %arg6[%get3A_20, %get3A_21] : memref<1x128xf32, #tpu.memory_space<vmem>>, vector<1x128xf32>
    %add3A_23 = vector.broadcast %get3A_22 : vector<1x128xf32> to vector<1024x128xf32>
    %add3A_24 = arith.addf %mul3A_19, %add3A_23 : vector<1024x128xf32>
    %swap3A = arith.constant 0 : index
    %swap3A_25 = arith.constant 0 : index
    %swap3A_26 = vector.load %arg7[%swap3A, %swap3A_25] : memref<1024x128xf32, #tpu.memory_space<vmem>>, vector<1024x128xf32>
    tpu.vector_store %arg7[%swap3A, %swap3A_25], %add3A_24 {strides = array<i32>} : memref<1024x128xf32, #tpu.memory_space<vmem>>, vector<1024x128xf32>,
    return
  }
  func.func @transform_0(%arg0: i32) -> (i32, i32) {
    %c0_i32 = arith.constant 0 : i32
    %c0_i32_0 = arith.constant 0 : i32
    return %arg0, %c0_i32 : i32, i32
  }
  func.func @transform_1(%arg0: i32) -> (i32, i32) {
    %add3A = arith.constant 10 : i32
    %add3A_0 = arith.addi %arg0, %add3A : i32
    %c0_i32 = arith.constant 0 : i32
    %c0_i32_1 = arith.constant 0 : i32
    return %add3A_0, %c0_i32 : i32, i32
  }
  func.func @transform_2(%arg0: i32) -> (i32, i32) {
    %c0_i32 = arith.constant 0 : i32
    %c0_i32_0 = arith.constant 0 : i32
    return %arg0, %c0_i32 : i32, i32
  }
  func.func @transform_3(%arg0: i32) -> (i32, i32) {
    %c0_i32 = arith.constant 0 : i32
    %c0_i32_0 = arith.constant 0 : i32
    return %arg0, %c0_i32 : i32, i32
  }
  func.func @transform_4(%arg0: i32) -> (i32, i32) {
    %add3A = arith.constant 10 : i32
    %add3A_0 = arith.addi %arg0, %add3A : i32
    %c0_i32 = arith.constant 0 : i32
    %c0_i32_1 = arith.constant 0 : i32
    return %add3A_0, %c0_i32 : i32, i32
  }
  func.func @transform_5(%arg0: i32) -> (i32, i32) {
    %c0_i32 = arith.constant 0 : i32
    %c0_i32_0 = arith.constant 0 : i32
    %c0_i32_1 = arith.constant 0 : i32
    return %c0_i32, %c0_i32_0 : i32, i32
  }
  func.func @transform_6(%arg0: i32) -> (i32, i32) {
    %c0_i32 = arith.constant 0 : i32
    %c0_i32_0 = arith.constant 0 : i32
    return %arg0, %c0_i32 : i32, i32
  }
}

</mosaic_0001>

<sc_bundles>
// kernel: kernel.12.cloned.1.call-start
scs
__scs_entry_jumppad:
0x0: {  	(pc) =	sbr.rel $0x88, $3  }
0x1: {  	(tag) =	ssettag $0x0;
	lr =	simm.s32 $0x1  }
0x2: {  	[smem:$0x3F9B] =	sst lr;
	_ =	strace $0xD0000000  }
0x3: {  	_ = 	snop  }
0x4: {  	_ = 	snop  }
0x5: {  	_ = 	snop  }
0x6: {  	_ = 	snop  }
0x7: {  	_ = 	snop  }
__scs_overlays_trampoline_lowered:
0x8: {  	[smem:$0x3FAA] =	sst s0  }
0x9: {  	[smem:$0x3FAB] =	sst s1  }
0xa: {  	[smem:$0x3FAC] =	sst s2  }
0xb: {  	[smem:$0x3FAD] =	sst s3  }
0xc: {  	[smem:$0x3FAE] =	sst s4  }
0xd: {  	[smem:$0x3FAF] =	sst s5  }
0xe: {  	[smem:$0x3FB0] =	sst s6  }
0xf: {  	[smem:$0x3FB1] =	sst s7  }
0x10: {  	[smem:$0x3FB2] =	sst s8  }
0x11: {  	[smem:$0x3FB3] =	sst s9;
	s0 =	simm.s32 @!p0 $0x0  }
0x12: {  	s1 =	sld [smem:$0x3F99];
	s0 =	simm.s32 @p0 $0x1  }
0x13: {  	[smem:$0x3FB4] =	sst s0;
	s0 =	simm.s32 @!p1 $0x0  }
0x14: {  	s2 =	sld [smem:$0x3F98];
	s0 =	simm.s32 @p1 $0x1  }
0x15: {  	[smem:$0x3FB5] =	sst s0;
	s0 =	simm.s32 @!p2 $0x0  }
0x16: {  	s3 =	sld [smem:$0x3FDB];
	s0 =	simm.s32 @p2 $0x1  }
0x17: {  	s4 =	simm.s32 $0x1BF5;
	[smem:$0x3FB7] =	sst s0  }
0x18: {  	s0 =	sld [smem:$0x3F9A];
	_ =	swait.ge [sflag:s4], $0x0  }
0x19: {  	s7 =	sld [smem:$0x3F9B]  }
0x1a: {  	s8 =	sadd.s32 $0xFFFFE003, lr  }
0x1b: {  	s9 =	sadd.s32 $0xFFFFFEF7, lr;
	s5 =	simm.s32 $0xFFFFFFFF;
	p2 =	slt.u32 s8, $0xFFFFF086  }
0x1c: {  	p1 =	slt.u32 s9, $0xF7A;
	s5 =	simm.s32 @!p2 $0x0  }
0x1d: {  	s5 =	simm.s32 @p1 $0x1;
	p0 =	seq.s32 s7, s2  }
0x1e: {  	s7 =	smul.u32 @!p0 $0xF7A, s2;
	p2 =	seq.s32 @!p0 s5, $0x0  }
0x1f: {  	s9 =	smul.u32 $0xF7A, s1;
	s8 =	simm.s32 @!p0 $0x1BF5;
	p2 =	por !p2, p0  }
0x20: {  	[sflag:s8] =	ssyncset.s32 @!p0 $0xFFFFF086;
	s6 =	sadd.s32 @!p0 s3, s7;
	s7 =	simm.s32 @!p0 $0x108  }
0x21: {  	s3 =	sadd.s32 s3, s9;
	s6 =	sadd.s32 @!p0 $0x88, s6;
	s7 =	simm.s32 @p2 $0x1082  }
0x22: {  	[simem:s7], [sflag:s8] =	dma.local @!p0 [hbm:s6], $0xF7A  }
0x23: {  	s9 =	sor.u32 $0xD0000000, s2;
	s6 =	simm.s32 $0x108;
	_ =	swait.ge @!p0 [sflag:s8], $0x0  }
0x24: {  	s3 =	sadd.s32 $0x88, s3;
	s6 =	simm.s32 @!p1 $0x1082;
	[sflag:s4] =	ssyncset.s32 $0xFFFFF086  }
0x25: {  	[simem:s6], [sflag:s4] =	dma.local [hbm:s3], $0xF7A  }
0x26: {  	[smem:$0x3F9B] =	sst s1;
	(tag) =	ssettag s2;
	_ =	strace s9  }
0x27: {  	s1 =	sld [smem:$0x3FAB]  }
0x28: {  	s2 =	sld [smem:$0x3FAC]  }
0x29: {  	s4 =	sld [smem:$0x3FAE]  }
0x2a: {  	p0 =	seq.s32 s5, $0x0;
	s5 =	sld [smem:$0x3FAF]  }
0x2b: {  	s6 =	sld [smem:$0x3FB0]  }
0x2c: {  	s7 =	sld [smem:$0x3FB1]  }
0x2d: {  	s3 =	simm.s32 $0x108;
	s8 =	sld [smem:$0x3FB2]  }
0x2e: {  	s3 =	simm.s32 @!p0 $0x1082;
	s9 =	sld [smem:$0x3FB3]  }
0x2f: {  	lr =	sadd.s32 s0, s3;
	s0 =	sld [smem:$0x3FAA]  }
0x30: {  	s3 =	sld [smem:$0x3FAD]  }
0x31: {  	[smem:$0x3FB6] =	sst s10  }
0x32: {  	s10 =	sld [smem:$0x3FB4];
	_ =	sdelay $0x3  }
0x33: {  	p0 =	seq.s32 s10, $0x1;
	s10 =	sld [smem:$0x3FB6];
	_ =	sdelay $0x3  }
0x34: {  	[smem:$0x3FB6] =	sst s10  }
0x35: {  	s10 =	sld [smem:$0x3FB5];
	_ =	sdelay $0x3  }
0x36: {  	p1 =	seq.s32 s10, $0x1;
	s10 =	sld [smem:$0x3FB6];
	_ =	sdelay $0x3  }
0x37: {  	[smem:$0x3FB6] =	sst s10  }
0x38: {  	s10 =	sld [smem:$0x3FB7]  }
0x39: {  	_ = 	snop;
	(pc) =	sbr.ind lr, $3  }
0x3a: {  	_ = 	snop  }
0x3b: {  	_ = 	snop  }
0x3c: {  	p2 =	seq.s32 s10, $0x1;
	s10 =	sld [smem:$0x3FB6]  }
0x3d: {  	_ =	shalt  }
0x3e: {  	_ =	shalt  }
0x3f: {  	_ =	shalt  }
0x40: {  	_ =	shalt  }
0x41: {  	_ =	shalt  }
0x42: {  	_ =	shalt  }
0x43: {  	_ =	shalt  }
0x44: {  	_ =	shalt  }
0x45: {  	_ =	shalt  }
0x46: {  	_ =	shalt  }
0x47: {  	_ =	shalt  }
0x48: {  	_ =	shalt  }
0x49: {  	_ =	shalt  }
0x4a: {  	_ =	shalt  }
0x4b: {  	_ =	shalt  }
0x4c: {  	_ =	shalt  }
0x4d: {  	_ =	shalt  }
0x4e: {  	_ =	shalt  }
0x4f: {  	_ =	shalt  }
0x50: {  	_ =	shalt  }
0x51: {  	_ =	shalt  }
0x52: {  	_ =	shalt  }
0x53: {  	_ =	shalt  }
0x54: {  	_ =	shalt  }
0x55: {  	_ =	shalt  }
0x56: {  	_ =	shalt  }
0x57: {  	_ =	shalt  }
0x58: {  	_ =	shalt  }
0x59: {  	_ =	shalt  }
0x5a: {  	_ =	shalt  }
0x5b: {  	_ =	shalt  }
0x5c: {  	_ =	shalt  }
0x5d: {  	_ =	shalt  }
0x5e: {  	_ =	shalt  }
0x5f: {  	_ =	shalt  }
0x60: {  	_ =	shalt  }
0x61: {  	_ =	shalt  }
0x62: {  	_ =	shalt  }
0x63: {  	_ =	shalt  }
0x64: {  	_ =	shalt  }
0x65: {  	_ =	shalt  }
0x66: {  	_ =	shalt  }
0x67: {  	_ =	shalt  }
0x68: {  	_ =	shalt  }
0x69: {  	_ =	shalt  }
0x6a: {  	_ =	shalt  }
0x6b: {  	_ =	shalt  }
0x6c: {  	_ =	shalt  }
0x6d: {  	_ =	shalt  }
0x6e: {  	_ =	shalt  }
0x6f: {  	_ =	shalt  }
0x70: {  	_ =	shalt  }
0x71: {  	_ =	shalt  }
0x72: {  	_ =	shalt  }
0x73: {  	_ =	shalt  }
0x74: {  	_ =	shalt  }
0x75: {  	_ =	shalt  }
0x76: {  	_ =	shalt  }
0x77: {  	_ =	shalt  }
0x78: {  	_ =	shalt  }
0x79: {  	_ =	shalt  }
0x7a: {  	_ =	shalt  }
0x7b: {  	_ =	shalt  }
0x7c: {  	_ =	shalt  }
0x7d: {  	_ =	shalt  }
0x7e: {  	_ =	shalt  }
0x7f: {  	_ =	shalt  }
0x80: {  	_ =	shalt  }
0x81: {  	_ =	shalt  }
0x82: {  	_ =	shalt  }
0x83: {  	_ =	shalt  }
0x84: {  	_ =	shalt  }
0x85: {  	_ =	shalt  }
0x86: {  	_ =	shalt  }
0x87: {  	_ =	shalt  }
.Lfunc_end0:
.L_simem_size_0:
called_computation.1_lowered:
.L_overlay_start_0:
0x88: {  	s2 =	sld [smem:$0x3FD9]  }
0x89: {  	s3 =	sld [smem:$0x3FFE];
	_ =	sdelay $0x1  }
0x8a: {  	s1 =	srdreg.scid  }
0x8b: {  	s0 =	sand.u32 $0x1, s1  }
0x8c: {  	s17 =	sshll.u32 s0, $0xA;
	s2 =	sadd.s32 s3, s2  }
0x8d: {  	s2 =	sadd.s32 s2, s17  }
0x8e: {  	[smem:$0x3FC2] =	sst s2  }
0x8f: {  	_ = 	snop  }
0x90: {  	s2 =	sld [smem:$0x3FD0];
	(tm) =	ssettm $0x1  }
0x91: {  	s18 =	sld [smem:$0x3FFB];
	_ =	sdelay $0x3  }
0x92: {  	_ =	strace s18  }
0x93: {  	s3 =	sld [smem:$0x3FFC];
	_ =	sdelay $0x3  }
0x94: {  	_ =	strace s3  }
0x95: {  	s3 =	sld [smem:$0x3FFD];
	_ =	sdelay $0x3  }
0x96: {  	_ =	strace s3  }
0x97: {  	_ =	strace $0x8FFFFFFF  }
0x98: {  	s19 =	sld [smem:$0x3FDB];
	_ =	sdelay $0x1  }
0x99: {  	s4 =	simm.s32 $_scs_section_size  }
0x9a: {  	s5 =	simm.s32 $_size__tile_overlayer_lowered;
	s6 =	simm.s32 $_tile_overlayer_lowered  }
0x9b: {  	s22 =	simm.s32 $0x1BFF;
	s21 =	sshll.u32 s6, $0x1;
	s3 =	sadd.s32 s4, s19  }
0x9c: {  	s7 =	simm.s32 $0x0;
	s20 =	sshll.u32 s5, $0x1;
	s5 =	sadd.s32 s21, s3  }
0x9d: {  	[timem:s7], [sflag:s22] =	dma.local [hbm:s5], s20  }
0x9e: {  	_ =	swait.ge [sflag:s22], s20  }
0x9f: {  	s4 =	ssub.s32 $0x0, s20;
	[sflag:s22] =	ssyncset.done $0x0  }
0xa0: {  	[sflag:s22] =	ssyncadd.s32 s4;
	_ =	sdelay $0x1  }
0xa1: {  	s23 =	simm.s32 $0x1B8B  }
0xa2: {  	_ =	swait.ge [sflag:s23], $0x1  }
0xa3: {  	[sflag:s23] =	ssyncset.done $0x0  }
0xa4: {  	s25 =	simm.s32 $0x1B8E;
	s24 =	sld [smem:$0x3FFE];
	[sflag:s23] =	ssyncadd.s32 $0xFFFFFFFF  }
0xa5: {  	s26 =	simm.s32 $execute0_lowered;
	[smem:$0x3FD2] =	sst s25  }
0xa6: {  	s5 =	sshll.u32 s26, $0x1;
	_ =	strace $0x80000049;
	[dreg:$0x1] =	wrdreg $0xFFFFFFFF  }
0xa7: {  	s28 =	simm.s32 $_size_execute0_lowered;
	s3 =	sadd.s32 s3, s5;
	[dreg:$0x0] =	wrdreg $0x0  }
0xa8: {  	s5 =	sshll.u32 s28, $0x1;
	[dreg:$0x2] =	wrdreg s3  }
0xa9: {  	[dreg:$0x3] =	wrdreg s5  }
0xaa: {  	[dreg:$0x4] =	wrdreg $0xC0  }
0xab: {  	_ =	task [dreg:s7], $0x5FFFF  }
0xac: {  	[dreg:$0x1] =	wrdreg $0xFFFFFFFF  }
0xad: {  	[dreg:$0x0] =	wrdreg $0x60  }
0xae: {  	[dreg:$0x2] =	wrdreg s2  }
0xaf: {  	[dreg:$0x3] =	wrdreg s24  }
0xb0: {  	[dreg:$0x4] =	wrdreg $0xA0000  }
0xb1: {  	[dreg:$0x5] =	wrdreg $0x9  }
0xb2: {  	_ =	task.clear_ibuf [dreg:s7], $0x6FFFF;
	_ =	strace $0x90000049  }
0xb3: {  	s29 =	simm.s32 $0x9;
	_ =	strace $0x8000004B  }
0xb4: {  	_ =	swait.ge [sflag:s29], $0x1  }
0xb5: {  	[sflag:s29] =	ssyncadd.s32 $0xFFFFFFFF  }
0xb6: {  	_ =	strace $0x9000004B  }
0xb7: {  	_ =	sfence  }
0xb8: {  	s30 =	sld [smem:$0x0];
	_ =	sdelay $0x2  }
0xb9: {  	s31 =	sshll.u32 s1, $0xD;
	s1 =	sshrl.u32 s1, $0x2  }
0xba: {  	s3 =	sand.u32 $0x4000, s31;
	s1 =	sadd.s32 s1, s30  }
0xbb: {  	s0 =	sor.u32 s3, s0;
	s1 =	sshll.u32 s1, $0x11  }
0xbc: {  	s0 =	sor.u32 s1, s0  }
0xbd: {  	s0 =	sadd.s32 $0x8F2B, s0  }
0xbe: {  	[sflag:s0] =	ssyncadd.remote.s32 $0x1  }
0xbf: {  	_ =	sfence.sel $0xFFFF  }
0xc0: {  	[dreg:$0x0] =	wrdreg $0xFFFFFFFF;
	(pc) =	sbr.abs _section_cstart, $3  }
0xc1: {  	[dreg:$0x1] =	wrdreg $0xFFFFFFFF  }
0xc2: {  	_ =	task.clear_ibuf [dreg:s7], $0x2FFFF;
	_ =	strace $0x9FFFFFFF  }
0xc3: {  	(tm) =	ssettm $0x7FFFFFFF  }
tec
execute0_lowered:
.L_overlay_start_1:
0x0: {  	(tag) =	ssettag $0x1  }
0x1: {  	s1 =	rddreg [dreg:$0x0]  }
0x2: {  	s0 =	rddreg [dreg:$0x1]  }
0x3: {  	s3 =	rddreg [dreg:$0x2]  }
0x4: {  	s2 =	srdreg.scid;
	s4 =	stileid.u32;
	s5 =	simm.s32 $0x0  }
0x5: {  	s17 =	simm.s32 $0x7;
	s18 =	simm.s32 $0x80;
	s19 =	simm.s32 $0x2000  }
0x6: {  	s20 =	simm.s32 $0x6000;
	s21 =	simm.s32 $0x3;
	s22 =	simm.s32 $0x4  }
0x7: {  	s23 =	simm.s32 $0x6;
	s24 =	simm.s32 $0x0;
	s6 =	smul.u32 $0x280, s4  }
0x8: {  	s2 =	sand.u32 $0x1, s2;
	[smem:$0x7FF] =	sst s5;
	s12 =	smul.u32 $0x50000, s4  }
0x9: {  	s5 =	sadd.s32 $0x58200, s0;
	s13 =	sshll.u32 s4, $0x6;
	s7 =	smul.u32 $0x2800, s2  }
0xa: {  	_ =	strace $0x8000004A;
	s8 =	sshll.u32 s2, $0x4;
	s2 =	ssub.s32 $0x2, s2  }
0xb: {  	s8 =	sor.u32 s4, s8;
	s9 =	sshrl.u32 s2, $0x1;
	s12 =	sshrl.u32 s12, $0x2  }
0xc: {  	s7 =	sadd.s32 s6, s7;
	s6 =	sadd.s32 $0x5D200, s0;
	s2 =	ssub.s32 s2, s9  }
0xd: {  	s15 =	sadd.s32 s12, s3;
	s11 =	sshll.u32 s7, $0x4;
	s7 =	smul.u32 $0x2800, s8  }
0xe: {  	s12 =	sor.u32 $0x1C07, s13;
	s8 =	smul.u32 $0x2800, s4;
	s14 =	smax.u32 s2, $0x1  }
0xf: {  	s16 =	sshrl.u32 s15, $0x3;
	s0 =	sadd.s32 s11, s0;
	s10 =	sshrl.u32 s7, $0x3  }
0x10: {  	s11 =	sadd.s32 s6, s11;
	s31 =	sshrl.u32 s8, $0x3;
	s30 =	sadd.s32 s1, s10  }
0x11: {  	s13 =	sadd.s32 $0xAD200, s0;
	s10 =	sadd.s32 s5, s31;
	[dreg:$0x4] =	wrdreg s30  }
.LBB2_1:
0x12: {  	s0 =	simm.s32 $0x0;
	s2 =	rddreg [dreg:$0x4]  }
0x13: {  	[tilespmem:s0], [sflag:$0x1] =	stream.linear.gather [hbm4b:s2+s0], $0x800, $0x38;
	[tilespmem:$0x1E000] =	vst v63  }
0x14: {  	s31 =	simm.s32 $0x1000  }
0x15: {  	[tilespmem:s31], [sflag:$0x1] =	stream.linear.gather [hbm4b:s10+s0], $0x800, $0x38;
	[tilespmem:$0x1E000] =	vst v63  }
0x16: {  	[spmem:s16], [sflag:s12] =	dma.local [hbm:s11], $0x2800  }
0x17: {  	_ =	swait.ge [sflag:s17], $0x2800  }
0x18: {  	[sflag:s17] =	ssyncset.done $0x0  }
0x19: {  	[sflag:s17] =	ssyncadd.s32 $0xFFFFD800  }
0x1a: {  	p0 =	por $0x0, $0x0;
	s25 =	simm.s32 $0x0;
	[bflag:$0x0] =	sbarrier.arrive $0xFFFF  }
.LBB2_2:
0x1b: {  	s2 =	sand.u32 $0x1, s25  }
0x1c: {  	s0 =	smov.u32 s25;
	s15 =	sadd.s32 $0x1, s2  }
0x1d: {  	s25 =	sadd.s32 $0x1, s25;
	p1 =	seq.s32 s0, $0x4;
	_ =	swait.ge [sflag:s15], $0x800  }
0x1e: {  	s0 =	sshll.u32 @!p1 s25, $0xB;
	s26 =	sand.u32 @!p1 $0x1, s25;
	[sflag:s15] =	ssyncset.done $0x0  }
0x1f: {  	s29 =	simm.s32 @!p1 $0x0;
	s28 =	sadd.s32 @!p1 s7, s0;
	[sflag:s15] =	ssyncadd.s32 $0xFFFFF800  }
0x20: {  	s0 =	sadd.s32 @!p1 s8, s0;
	s28 =	sshrl.u32 @!p1 s28, $0x3;
	_ =	swait.ge [sflag:s15], $0x800  }
0x21: {  	s0 =	sshrl.u32 @!p1 s0, $0x3;
	s28 =	sadd.s32 @!p1 s1, s28;
	[sflag:s15] =	ssyncset.done $0x0  }
0x22: {  	[sflag:s15] =	ssyncadd.s32 $0xFFFFF800;
	s15 =	sadd.s32 @!p1 $0x1, s26;
	s26 =	sshll.u32 @!p1 s26, $0xB  }
0x23: {  	[tilespmem:s26], [sflag:s15] =	stream.linear.gather @!p1 [hbm4b:s28+s29], $0x800, $0x38;
	[tilespmem:$0x1E000] =	vst v63  }
0x24: {  	s30 =	simm.s32 $0x1;
	s0 =	sadd.s32 @!p1 s5, s0;
	s26 =	sor.u32 @!p1 $0x1000, s26  }
0x25: {  	[tilespmem:s26], [sflag:s15] =	stream.linear.gather @!p1 [hbm4b:s0+s29], $0x800, $0x38;
	[tilespmem:$0x1E000] =	vst v63  }
0x26: {  	s31 =	sand.u32 $0x1, s30;
	s26 =	sshll.u32 s2, $0xB  }
0x27: {  	[tilespmem:s19], [sflag:$0x3] =	stream.indirect.gather [hbm4b:s6+s18], $0x80, s26, s18, $0xb8;
	[tilespmem:$0x1E000] =	vst v63  }
0x28: {  	s0 =	simm.s32 $0x1;
	s15 =	simm.s32 $0x2;
	s4 =	sor.u32 $0x80, s26  }
0x29: {  	[tilespmem:s20], [sflag:$0x4] =	stream.indirect.gather [hbm4b:s6+s18], $0x80, s4, s18, $0xb8;
	[tilespmem:$0x1E000] =	vst v63  }
0x2a: {  	s9 =	sor.u32 $0x1000, s26;
	s0 =	simm.s32 @!p0 $0x0;
	_ =	swait.ge [sflag:s21], $0x4000  }
0x2b: {  	s2 =	sand.u32 $0x1, s15;
	s15 =	sshll.u32 s31, $0xE;
	[sflag:s21] =	ssyncset.done $0x0  }
0x2c: {  	s0 =	sshll.u32 s0, $0xB;
	s4 =	sadd.s32 $0x5, s2;
	[sflag:s21] =	ssyncadd.s32 $0xFFFFC000  }
0x2d: {  	[spmem:s3] =	stream.indirect.scatter.add.f32 [tilespmem:s19], [sflag:$0x5], $0x80, s9, s18, $0xb8;
	[tilespmem:$0x1E000] =	vst v63  }
0x2e: {  	s29 =	sshll.u32 s2, $0xE;
	s28 =	sor.u32 $0x100, s0;
	_ =	swait.ge [sflag:s4], $0x4000  }
0x2f: {  	s2 =	sadd.s32 $0x3, s2;
	s9 =	sor.u32 $0x2000, s29;
	[sflag:s4] =	ssyncset.done $0x0  }
0x30: {  	s29 =	sor.u32 $0x1080, s0;
	s0 =	sadd.s32 $0x3, s31;
	[sflag:s4] =	ssyncadd.s32 $0xFFFFC000  }
0x31: {  	[tilespmem:s9], [sflag:s2] =	stream.indirect.gather [hbm4b:s6+s18], $0x80, s28, s18, $0xb8;
	[tilespmem:$0x1E000] =	vst v63  }
0x32: {  	s30 =	simm.s32 $0x3;
	s2 =	sor.u32 $0x2000, s15;
	_ =	swait.ge [sflag:s0], $0x4000  }
0x33: {  	s15 =	sadd.s32 $0x5, s31;
	s31 =	smov.u32 s29;
	[sflag:s0] =	ssyncset.done $0x0  }
.LBB2_3:
0x34: {  	[sflag:s0] =	ssyncadd.s32 $0xFFFFC000  }
0x35: {  	s29 =	sadd.s32 $0x80, s29;
	s28 =	sadd.s32 $0x80, s28;
	s0 =	smov.u32 s30  }
0x36: {  	[spmem:s3] =	stream.indirect.scatter.add.f32 [tilespmem:s2], [sflag:s15], $0x80, s31, s18, $0xb8;
	[tilespmem:$0x1E000] =	vst v63  }
0x37: {  	p1 =	sne.s32 s30, $0xF;
	s30 =	sadd.s32 $0x1, s30;
	s2 =	sand.u32 $0x1, s0  }
0x38: {  	s31 =	smov.u32 s29;
	s15 =	sadd.s32 $0x5, s2;
	s4 =	sshll.u32 s2, $0xE  }
0x39: {  	s0 =	sadd.s32 $0xFFFFFFFF, s0;
	_ =	swait.ge [sflag:s15], $0x4000  }
0x3a: {  	s2 =	sadd.s32 $0x3, s2;
	s9 =	sand.u32 $0x1, s0;
	[sflag:s15] =	ssyncset.done $0x0  }
.Ltmp0:
0x3b: {  	s0 =	sor.u32 $0x2000, s4;
	[sflag:s15] =	ssyncadd.s32 $0xFFFFC000;
	(pc) =	sbr.rel @p1 .LBB2_3-.Ltmp0, $4  }
0x3c: {  	[tilespmem:s0], [sflag:s2] =	stream.indirect.gather [hbm4b:s6+s18], $0x80, s28, s18, $0xb8;
	[tilespmem:$0x1E000] =	vst v63  }
0x3d: {  	s2 =	sshll.u32 s9, $0xE;
	s0 =	sadd.s32 $0x3, s9  }
0x3e: {  	_ =	swait.ge [sflag:s0], $0x4000  }
0x3f: {  	s15 =	sadd.s32 $0x5, s9;
	s2 =	sor.u32 $0x2000, s2;
	[sflag:s0] =	ssyncset.done $0x0  }
0x40: {  	[sflag:s0] =	ssyncadd.s32 $0xFFFFC000  }
0x41: {  	[spmem:s3] =	stream.indirect.scatter.add.f32 [tilespmem:s2], [sflag:s15], $0x80, s31, s18, $0xb8;
	[tilespmem:$0x1E000] =	vst v63  }
0x42: {  	_ =	swait.ge [sflag:s15], $0x4000  }
0x43: {  	[sflag:s15] =	ssyncset.done $0x0  }
0x44: {  	[sflag:s15] =	ssyncadd.s32 $0xFFFFC000  }
0x45: {  	_ =	swait.ge [sflag:s22], $0x4000  }
0x46: {  	p1 =	sne.s32 s25, $0x5;
	[sflag:s22] =	ssyncset.done $0x0  }
.Ltmp1:
0x47: {  	s31 =	sadd.s32 $0x1780, s26;
	[sflag:s22] =	ssyncadd.s32 $0xFFFFC000;
	(pc) =	sbr.rel @p1 .LBB2_2-.Ltmp1, $4  }
0x48: {  	[spmem:s3] =	stream.indirect.scatter.add.f32 [tilespmem:s20], [sflag:$0x6], $0x80, s31, s18, $0xb8;
	[tilespmem:$0x1E000] =	vst v63  }
0x49: {  	_ =	swait.ge [sflag:s23], $0x4000  }
0x4a: {  	[sflag:s23] =	ssyncset.done $0x0  }
0x4b: {  	p0 =	por !p0, !p0;
	[sflag:s23] =	ssyncadd.s32 $0xFFFFC000  }
0x4c: {  	s24 =	sadd.s32 $0x1, s24  }
0x4d: {  	p0 =	sne.s32 s24, s14  }
.Ltmp2:
0x4e: {  	[bflag:$0x0] =	sbarrier.arrive $0xFFFF;
	(pc) =	sbr.rel @p0 .LBB2_1-.Ltmp2, $4  }
0x4f: {  	[hbm:s13], [sflag:s12] =	dma.local [spmem:s16], $0x2800  }
0x50: {  	_ =	swait.ge [sflag:s17], $0x2800  }
0x51: {  	[sflag:s17] =	ssyncset.done $0x0  }
0x52: {  	[sflag:s17] =	ssyncadd.s32 $0xFFFFD800  }
0x53: {  	_ =	sfence.sel $0x180000  }
0x54: {  	[bflag:$0x0] =	sbarrier.arrive $0xFFFF  }
0x55: {  	_ =	strace $0x9000004A  }
0x56: {  	s0 =	stileid.u32;
	[bflag:$0x2] =	sbarrier.arrive $0xFFFF  }
0x57: {  	p0 =	sne.s32 s0, $0x0;
	s0 =	rddreg [dreg:$0x3]  }
0x58: {  	s0 =	sadd.s32 @!p0 $0x100000, s0  }
0x59: {  	[sflag:s0] =	ssyncadd.tile.s32 @!p0 $0x1;
	_ =	shalt  }
.Lfunc_end2:
_tile_overlayer_lowered:
.L_overlay_start_2:
0x5a: {  	(tag) =	ssettag $0x2  }
0x5b: {  	s0 =	rddreg [dreg:$0x0];
	s2 =	stileid.u32  }
0x5c: {  	s1 =	rddreg [dreg:$0x1];
	p0 =	sne.s32 s2, $0x0  }
0x5d: {  	s3 =	rddreg [dreg:$0x2];
	[bflag:$0x3] =	sbarrier.arrive $0xFFFF;
	s2 =	simm.s32 @!p0 $0x1C07  }
0x5e: {  	[timem:s3], [sflag:s2] =	dma.local @!p0 [hbm:s0], s1  }
0x5f: {  	s0 =	simm.s32 @!p0 $0x7  }
0x60: {  	_ =	swait.ge @!p0 [sflag:s0], s1  }
0x61: {  	s1 =	ssub.s32 @!p0 $0x0, s1;
	[sflag:s0] =	ssyncset.done @!p0 $0x0  }
0x62: {  	[sflag:s0] =	ssyncadd.s32 @!p0 s1  }
0x63: {  	[bflag:$0x3] =	sbarrier.arrive $0xFFFF  }
0x64: {  	_ =	shalt  }

// kernel: kernel.15.cloned.1.call-start
scs
__scs_entry_jumppad:
0x0: {  	(pc) =	sbr.rel $0x88, $3  }
0x1: {  	(tag) =	ssettag $0x0;
	lr =	simm.s32 $0x1  }
0x2: {  	[smem:$0x3F9B] =	sst lr;
	_ =	strace $0xD0000000  }
0x3: {  	_ = 	snop  }
0x4: {  	_ = 	snop  }
0x5: {  	_ = 	snop  }
0x6: {  	_ = 	snop  }
0x7: {  	_ = 	snop  }
__scs_overlays_trampoline_lowered:
0x8: {  	[smem:$0x3FAA] =	sst s0  }
0x9: {  	[smem:$0x3FAB] =	sst s1  }
0xa: {  	[smem:$0x3FAC] =	sst s2  }
0xb: {  	[smem:$0x3FAD] =	sst s3  }
0xc: {  	[smem:$0x3FAE] =	sst s4  }
0xd: {  	[smem:$0x3FAF] =	sst s5  }
0xe: {  	[smem:$0x3FB0] =	sst s6  }
0xf: {  	[smem:$0x3FB1] =	sst s7  }
0x10: {  	[smem:$0x3FB2] =	sst s8  }
0x11: {  	[smem:$0x3FB3] =	sst s9;
	s0 =	simm.s32 @!p0 $0x0  }
0x12: {  	s1 =	sld [smem:$0x3F99];
	s0 =	simm.s32 @p0 $0x1  }
0x13: {  	[smem:$0x3FB4] =	sst s0;
	s0 =	simm.s32 @!p1 $0x0  }
0x14: {  	s2 =	sld [smem:$0x3F98];
	s0 =	simm.s32 @p1 $0x1  }
0x15: {  	[smem:$0x3FB5] =	sst s0;
	s0 =	simm.s32 @!p2 $0x0  }
0x16: {  	s3 =	sld [smem:$0x3FDB];
	s0 =	simm.s32 @p2 $0x1  }
0x17: {  	s4 =	simm.s32 $0x1BF5;
	[smem:$0x3FB7] =	sst s0  }
0x18: {  	s0 =	sld [smem:$0x3F9A];
	_ =	swait.ge [sflag:s4], $0x0  }
0x19: {  	s7 =	sld [smem:$0x3F9B]  }
0x1a: {  	s8 =	sadd.s32 $0xFFFFE003, lr  }
0x1b: {  	s9 =	sadd.s32 $0xFFFFFEF7, lr;
	s5 =	simm.s32 $0xFFFFFFFF;
	p2 =	slt.u32 s8, $0xFFFFF086  }
0x1c: {  	p1 =	slt.u32 s9, $0xF7A;
	s5 =	simm.s32 @!p2 $0x0  }
0x1d: {  	s5 =	simm.s32 @p1 $0x1;
	p0 =	seq.s32 s7, s2  }
0x1e: {  	s7 =	smul.u32 @!p0 $0xF7A, s2;
	p2 =	seq.s32 @!p0 s5, $0x0  }
0x1f: {  	s9 =	smul.u32 $0xF7A, s1;
	s8 =	simm.s32 @!p0 $0x1BF5;
	p2 =	por !p2, p0  }
0x20: {  	[sflag:s8] =	ssyncset.s32 @!p0 $0xFFFFF086;
	s6 =	sadd.s32 @!p0 s3, s7;
	s7 =	simm.s32 @!p0 $0x108  }
0x21: {  	s3 =	sadd.s32 s3, s9;
	s6 =	sadd.s32 @!p0 $0x88, s6;
	s7 =	simm.s32 @p2 $0x1082  }
0x22: {  	[simem:s7], [sflag:s8] =	dma.local @!p0 [hbm:s6], $0xF7A  }
0x23: {  	s9 =	sor.u32 $0xD0000000, s2;
	s6 =	simm.s32 $0x108;
	_ =	swait.ge @!p0 [sflag:s8], $0x0  }
0x24: {  	s3 =	sadd.s32 $0x88, s3;
	s6 =	simm.s32 @!p1 $0x1082;
	[sflag:s4] =	ssyncset.s32 $0xFFFFF086  }
0x25: {  	[simem:s6], [sflag:s4] =	dma.local [hbm:s3], $0xF7A  }
0x26: {  	[smem:$0x3F9B] =	sst s1;
	(tag) =	ssettag s2;
	_ =	strace s9  }
0x27: {  	s1 =	sld [smem:$0x3FAB]  }
0x28: {  	s2 =	sld [smem:$0x3FAC]  }
0x29: {  	s4 =	sld [smem:$0x3FAE]  }
0x2a: {  	p0 =	seq.s32 s5, $0x0;
	s5 =	sld [smem:$0x3FAF]  }
0x2b: {  	s6 =	sld [smem:$0x3FB0]  }
0x2c: {  	s7 =	sld [smem:$0x3FB1]  }
0x2d: {  	s3 =	simm.s32 $0x108;
	s8 =	sld [smem:$0x3FB2]  }
0x2e: {  	s3 =	simm.s32 @!p0 $0x1082;
	s9 =	sld [smem:$0x3FB3]  }
0x2f: {  	lr =	sadd.s32 s0, s3;
	s0 =	sld [smem:$0x3FAA]  }
0x30: {  	s3 =	sld [smem:$0x3FAD]  }
0x31: {  	[smem:$0x3FB6] =	sst s10  }
0x32: {  	s10 =	sld [smem:$0x3FB4];
	_ =	sdelay $0x3  }
0x33: {  	p0 =	seq.s32 s10, $0x1;
	s10 =	sld [smem:$0x3FB6];
	_ =	sdelay $0x3  }
0x34: {  	[smem:$0x3FB6] =	sst s10  }
0x35: {  	s10 =	sld [smem:$0x3FB5];
	_ =	sdelay $0x3  }
0x36: {  	p1 =	seq.s32 s10, $0x1;
	s10 =	sld [smem:$0x3FB6];
	_ =	sdelay $0x3  }
0x37: {  	[smem:$0x3FB6] =	sst s10  }
0x38: {  	s10 =	sld [smem:$0x3FB7]  }
0x39: {  	_ = 	snop;
	(pc) =	sbr.ind lr, $3  }
0x3a: {  	_ = 	snop  }
0x3b: {  	_ = 	snop  }
0x3c: {  	p2 =	seq.s32 s10, $0x1;
	s10 =	sld [smem:$0x3FB6]  }
0x3d: {  	_ =	shalt  }
0x3e: {  	_ =	shalt  }
0x3f: {  	_ =	shalt  }
0x40: {  	_ =	shalt  }
0x41: {  	_ =	shalt  }
0x42: {  	_ =	shalt  }
0x43: {  	_ =	shalt  }
0x44: {  	_ =	shalt  }
0x45: {  	_ =	shalt  }
0x46: {  	_ =	shalt  }
0x47: {  	_ =	shalt  }
0x48: {  	_ =	shalt  }
0x49: {  	_ =	shalt  }
0x4a: {  	_ =	shalt  }
0x4b: {  	_ =	shalt  }
0x4c: {  	_ =	shalt  }
0x4d: {  	_ =	shalt  }
0x4e: {  	_ =	shalt  }
0x4f: {  	_ =	shalt  }
0x50: {  	_ =	shalt  }
0x51: {  	_ =	shalt  }
0x52: {  	_ =	shalt  }
0x53: {  	_ =	shalt  }
0x54: {  	_ =	shalt  }
0x55: {  	_ =	shalt  }
0x56: {  	_ =	shalt  }
0x57: {  	_ =	shalt  }
0x58: {  	_ =	shalt  }
0x59: {  	_ =	shalt  }
0x5a: {  	_ =	shalt  }
0x5b: {  	_ =	shalt  }
0x5c: {  	_ =	shalt  }
0x5d: {  	_ =	shalt  }
0x5e: {  	_ =	shalt  }
0x5f: {  	_ =	shalt  }
0x60: {  	_ =	shalt  }
0x61: {  	_ =	shalt  }
0x62: {  	_ =	shalt  }
0x63: {  	_ =	shalt  }
0x64: {  	_ =	shalt  }
0x65: {  	_ =	shalt  }
0x66: {  	_ =	shalt  }
0x67: {  	_ =	shalt  }
0x68: {  	_ =	shalt  }
0x69: {  	_ =	shalt  }
0x6a: {  	_ =	shalt  }
0x6b: {  	_ =	shalt  }
0x6c: {  	_ =	shalt  }
0x6d: {  	_ =	shalt  }
0x6e: {  	_ =	shalt  }
0x6f: {  	_ =	shalt  }
0x70: {  	_ =	shalt  }
0x71: {  	_ =	shalt  }
0x72: {  	_ =	shalt  }
0x73: {  	_ =	shalt  }
0x74: {  	_ =	shalt  }
0x75: {  	_ =	shalt  }
0x76: {  	_ =	shalt  }
0x77: {  	_ =	shalt  }
0x78: {  	_ =	shalt  }
0x79: {  	_ =	shalt  }
0x7a: {  	_ =	shalt  }
0x7b: {  	_ =	shalt  }
0x7c: {  	_ =	shalt  }
0x7d: {  	_ =	shalt  }
0x7e: {  	_ =	shalt  }
0x7f: {  	_ =	shalt  }
0x80: {  	_ =	shalt  }
0x81: {  	_ =	shalt  }
0x82: {  	_ =	shalt  }
0x83: {  	_ =	shalt  }
0x84: {  	_ =	shalt  }
0x85: {  	_ =	shalt  }
0x86: {  	_ =	shalt  }
0x87: {  	_ =	shalt  }
.Lfunc_end0:
.L_simem_size_0:
called_computation.2_lowered:
.L_overlay_start_0:
0x88: {  	s2 =	sld [smem:$0x3FD9]  }
0x89: {  	s3 =	sld [smem:$0x3FFE];
	_ =	sdelay $0x1  }
0x8a: {  	s1 =	srdreg.scid  }
0x8b: {  	s0 =	sand.u32 $0x1, s1  }
0x8c: {  	s16 =	sshll.u32 s0, $0xA;
	s2 =	sadd.s32 s3, s2  }
0x8d: {  	s2 =	sadd.s32 s2, s16  }
0x8e: {  	[smem:$0x3FC2] =	sst s2  }
0x8f: {  	_ = 	snop  }
0x90: {  	(tm) =	ssettm $0x1  }
0x91: {  	s17 =	sld [smem:$0x3FFB];
	_ =	sdelay $0x3  }
0x92: {  	_ =	strace s17  }
0x93: {  	s2 =	sld [smem:$0x3FFC];
	_ =	sdelay $0x3  }
0x94: {  	_ =	strace s2  }
0x95: {  	s2 =	sld [smem:$0x3FFD];
	_ =	sdelay $0x3  }
0x96: {  	_ =	strace s2  }
0x97: {  	_ =	strace $0x8FFFFFFF  }
0x98: {  	s18 =	sld [smem:$0x3FDB];
	_ =	sdelay $0x1  }
0x99: {  	s19 =	simm.s32 $_scs_section_size  }
0x9a: {  	s4 =	simm.s32 $_size__tile_overlayer_lowered;
	s5 =	simm.s32 $_tile_overlayer_lowered  }
0x9b: {  	s22 =	simm.s32 $0x1BFF;
	s21 =	sshll.u32 s5, $0x1;
	s2 =	sadd.s32 s19, s18  }
0x9c: {  	s6 =	simm.s32 $0x0;
	s20 =	sshll.u32 s4, $0x1;
	s4 =	sadd.s32 s21, s2  }
0x9d: {  	[timem:s6], [sflag:s22] =	dma.local [hbm:s4], s20  }
0x9e: {  	_ =	swait.ge [sflag:s22], s20  }
0x9f: {  	s3 =	ssub.s32 $0x0, s20;
	[sflag:s22] =	ssyncset.done $0x0  }
0xa0: {  	[sflag:s22] =	ssyncadd.s32 s3;
	_ =	sdelay $0x1  }
0xa1: {  	s23 =	simm.s32 $0x1B8B  }
0xa2: {  	_ =	swait.ge [sflag:s23], $0x1  }
0xa3: {  	[sflag:s23] =	ssyncset.done $0x0  }
0xa4: {  	s25 =	simm.s32 $0x1B8E;
	s24 =	sld [smem:$0x3FFE];
	[sflag:s23] =	ssyncadd.s32 $0xFFFFFFFF  }
0xa5: {  	s26 =	simm.s32 $execute0_lowered;
	[smem:$0x3FD2] =	sst s25  }
0xa6: {  	s4 =	sshll.u32 s26, $0x1;
	_ =	strace $0x8000004C;
	[dreg:$0x1] =	wrdreg $0xFFFFFFFF  }
0xa7: {  	s28 =	simm.s32 $_size_execute0_lowered;
	s2 =	sadd.s32 s2, s4;
	[dreg:$0x0] =	wrdreg $0x0  }
0xa8: {  	s4 =	sshll.u32 s28, $0x1;
	[dreg:$0x2] =	wrdreg s2  }
0xa9: {  	[dreg:$0x3] =	wrdreg s4  }
0xaa: {  	[dreg:$0x4] =	wrdreg $0xC0  }
0xab: {  	_ =	task [dreg:s6], $0x5FFFF  }
0xac: {  	[dreg:$0x1] =	wrdreg $0xFFFFFFFF  }
0xad: {  	[dreg:$0x0] =	wrdreg $0x60  }
0xae: {  	[dreg:$0x2] =	wrdreg s24  }
0xaf: {  	[dreg:$0x3] =	wrdreg $0x90000  }
0xb0: {  	[dreg:$0x4] =	wrdreg $0x9  }
0xb1: {  	_ =	task.clear_ibuf [dreg:s6], $0x5FFFF;
	_ =	strace $0x9000004C  }
0xb2: {  	s29 =	simm.s32 $0x9;
	_ =	strace $0x8000004E  }
0xb3: {  	_ =	swait.ge [sflag:s29], $0x1  }
0xb4: {  	[sflag:s29] =	ssyncadd.s32 $0xFFFFFFFF  }
0xb5: {  	_ =	strace $0x9000004E  }
0xb6: {  	_ =	sfence  }
0xb7: {  	s30 =	sld [smem:$0x0];
	_ =	sdelay $0x2  }
0xb8: {  	s31 =	sshll.u32 s1, $0xD;
	s1 =	sshrl.u32 s1, $0x2  }
0xb9: {  	s3 =	sand.u32 $0x4000, s31;
	s1 =	sadd.s32 s1, s30  }
0xba: {  	s0 =	sor.u32 s3, s0;
	s1 =	sshll.u32 s1, $0x11  }
0xbb: {  	s0 =	sor.u32 s1, s0  }
0xbc: {  	s0 =	sadd.s32 $0x8F2B, s0  }
0xbd: {  	[sflag:s0] =	ssyncadd.remote.s32 $0x1  }
0xbe: {  	_ =	sfence.sel $0xFFFF  }
0xbf: {  	[dreg:$0x0] =	wrdreg $0xFFFFFFFF;
	(pc) =	sbr.abs _section_cstart, $3  }
0xc0: {  	[dreg:$0x1] =	wrdreg $0xFFFFFFFF  }
0xc1: {  	_ =	task.clear_ibuf [dreg:s6], $0x2FFFF;
	_ =	strace $0x9FFFFFFF  }
0xc2: {  	(tm) =	ssettm $0x7FFFFFFF  }
0xc3: {  	_ =	shalt  }
tec
execute0_lowered:
.L_overlay_start_1:
0x0: {  	(tag) =	ssettag $0x1  }
0x1: {  	s0 =	rddreg [dreg:$0x0]  }
0x2: {  	s1 =	rddreg [dreg:$0x1]  }
0x3: {  	s3 =	simm.s32 $0x0;
	s2 =	srdreg.scid;
	s15 =	stileid.u32  }
0x4: {  	s16 =	simm.s32 $0x7;
	s28 =	simm.s32 $0x6;
	s29 =	simm.s32 $0x0  }
0x5: {  	[smem:$0x7FF] =	sst s3;
	s2 =	sand.u32 $0x1, s2;
	s8 =	smul.u32 $0x2800, s15  }
0x6: {  	s4 =	sadd.s32 $0xFD200, s0;
	s6 =	sadd.s32 $0x58200, s0;
	s12 =	smul.u32 $0x50000, s15  }
0x7: {  	s25 =	sshll.u32 s15, $0x6;
	s26 =	smul.u32 $0x1400, s15;
	_ =	strace $0x8000004D  }
0x8: {  	s5 =	sshll.u32 s2, $0x4;
	s9 =	smul.u32 $0x28000, s2;
	s21 =	ssub.s32 $0x2, s2  }
0x9: {  	s2 =	smul.u32 $0x14000, s2;
	s7 =	sor.u32 s15, s5;
	s5 =	sadd.s32 $0x2200, s0  }
0xa: {  	s11 =	sshrl.u32 s21, $0x1;
	s24 =	sshrl.u32 s12, $0x2;
	s10 =	smul.u32 $0x1400, s7  }
0xb: {  	s7 =	sadd.s32 $0x7200, s0;
	s8 =	sadd.s32 s8, s9;
	s13 =	ssub.s32 s21, s11  }
0xc: {  	s14 =	sadd.s32 s24, s1;
	s2 =	sadd.s32 s26, s2;
	s21 =	simm.s32 $0x80  }
0xd: {  	s24 =	simm.s32 $0x3;
	s26 =	simm.s32 $0x4;
	s0 =	sadd.s32 s8, s0  }
0xe: {  	s17 =	sadd.s32 $0x4000, s14;
	s18 =	sadd.s32 $0x8000, s14;
	s19 =	sadd.s32 $0xC000, s14  }
0xf: {  	s20 =	sadd.s32 $0x10000, s14;
	s30 =	smax.u32 s13, $0x1;
	s13 =	sadd.s32 $0x400, s2  }
0x10: {  	s15 =	sshrl.u32 s14, $0x3;
	s10 =	sshrl.u32 s10, $0x3;
	s0 =	sadd.s32 $0xA8200, s0  }
0x11: {  	[dreg:$0x6] =	wrdreg s30;
	s31 =	sshrl.u32 s17, $0x3;
	s18 =	sshrl.u32 s18, $0x3  }
0x12: {  	s19 =	sshrl.u32 s19, $0x3;
	s20 =	sshrl.u32 s20, $0x3;
	[dreg:$0x5] =	wrdreg s0  }
0x13: {  	s22 =	sadd.s32 s4, s10;
	s23 =	sadd.s32 s5, s10;
	[dreg:$0x7] =	wrdreg s31  }
0x14: {  	s10 =	sor.u32 $0x1C07, s25;
	s25 =	simm.s32 $0x5;
	[dreg:$0x3] =	wrdreg s22  }
0x15: {  	[dreg:$0x4] =	wrdreg s23;
	s22 =	simm.s32 $0x1000;
	s23 =	simm.s32 $0x5000  }
.LBB2_1:
0x16: {  	s0 =	rddreg [dreg:$0x3]  }
0x17: {  	[tilespmem:s3], [sflag:$0x1] =	stream.linear.gather [hbm4b:s0+s3], $0x400, $0x38;
	[tilespmem:$0x1D000] =	vst v63  }
0x18: {  	s8 =	rddreg [dreg:$0x4];
	s2 =	simm.s32 $0x800  }
0x19: {  	[tilespmem:s2], [sflag:$0x1] =	stream.linear.gather [hbm4b:s8+s3], $0x400, $0x38;
	[tilespmem:$0x1D000] =	vst v63  }
0x1a: {  	[spmem:s15], [sflag:s10] =	dma.local [hbm:s7], $0x800  }
0x1b: {  	_ =	swait.ge [sflag:s16], $0x800  }
0x1c: {  	[sflag:s16] =	ssyncset.done $0x0  }
0x1d: {  	s9 =	rddreg [dreg:$0x7];
	[sflag:s16] =	ssyncadd.s32 $0xFFFFF800  }
0x1e: {  	[spmem:s9], [sflag:s10] =	dma.local [hbm:s7], $0x800  }
0x1f: {  	_ =	swait.ge [sflag:s16], $0x800  }
0x20: {  	[sflag:s16] =	ssyncset.done $0x0  }
0x21: {  	[sflag:s16] =	ssyncadd.s32 $0xFFFFF800  }
0x22: {  	[spmem:s18], [sflag:s10] =	dma.local [hbm:s7], $0x800  }
0x23: {  	_ =	swait.ge [sflag:s16], $0x800  }
0x24: {  	[sflag:s16] =	ssyncset.done $0x0  }
0x25: {  	[sflag:s16] =	ssyncadd.s32 $0xFFFFF800  }
0x26: {  	[spmem:s19], [sflag:s10] =	dma.local [hbm:s7], $0x800  }
0x27: {  	_ =	swait.ge [sflag:s16], $0x800  }
0x28: {  	[sflag:s16] =	ssyncset.done $0x0  }
0x29: {  	[sflag:s16] =	ssyncadd.s32 $0xFFFFF800  }
0x2a: {  	[spmem:s20], [sflag:s10] =	dma.local [hbm:s7], $0x800  }
0x2b: {  	_ =	swait.ge [sflag:s16], $0x800  }
0x2c: {  	[sflag:s16] =	ssyncset.done $0x0  }
0x2d: {  	s11 =	sand.u32 $0x1, s3;
	[sflag:s16] =	ssyncadd.s32 $0xFFFFF800  }
0x2e: {  	s12 =	sadd.s32 $0x1, s11;
	[bflag:$0x0] =	sbarrier.arrive $0xFFFF  }
0x2f: {  	_ =	swait.ge [sflag:s12], $0x400  }
0x30: {  	[sflag:s12] =	ssyncset.done $0x0  }
0x31: {  	s30 =	simm.s32 $0x1;
	p0 =	por $0x0, $0x0;
	[sflag:s12] =	ssyncadd.s32 $0xFFFFFC00  }
0x32: {  	s14 =	sand.u32 @!p0 $0x1, s30;
	s31 =	sshrl.u32 @!p0 s13, $0x3;
	_ =	swait.ge [sflag:s12], $0x400  }
0x33: {  	s8 =	sadd.s32 @!p0 $0x1, s14;
	s14 =	sshll.u32 @!p0 s14, $0xA;
	[sflag:s12] =	ssyncset.done $0x0  }
0x34: {  	s2 =	simm.s32 @!p0 $0x0;
	s9 =	sadd.s32 @!p0 s4, s31;
	[sflag:s12] =	ssyncadd.s32 $0xFFFFFC00  }
0x35: {  	[tilespmem:s14], [sflag:s8] =	stream.linear.gather @!p0 [hbm4b:s9+s2], $0x400, $0x38;
	[tilespmem:$0x1D000] =	vst v63  }
0x36: {  	s9 =	sor.u32 @!p0 $0x800, s14;
	s14 =	sadd.s32 @!p0 s5, s31  }
0x37: {  	[tilespmem:s9], [sflag:s8] =	stream.linear.gather @!p0 [hbm4b:s14+s2], $0x400, $0x38;
	[tilespmem:$0x1D000] =	vst v63  }
0x38: {  	s0 =	sshll.u32 s11, $0xA  }
0x39: {  	[tilespmem:s22], [sflag:$0x3] =	stream.indirect.gather [hbm4b:s6+s21], $0x80, s0, s21, $0xb8;
	[tilespmem:$0x1D000] =	vst v63  }
0x3a: {  	s14 =	sor.u32 $0x80, s0  }
0x3b: {  	[tilespmem:s23], [sflag:$0x4] =	stream.indirect.gather [hbm4b:s6+s21], $0x80, s14, s21, $0xb8;
	[tilespmem:$0x1D000] =	vst v63  }
0x3c: {  	_ =	swait.ge [sflag:s24], $0x4000  }
0x3d: {  	[sflag:s24] =	ssyncset.done $0x0  }
0x3e: {  	s17 =	sor.u32 $0x800, s0;
	[sflag:s24] =	ssyncadd.s32 $0xFFFFC000  }
0x3f: {  	[spmem:s1] =	stream.indirect.scatter.add.f32 [tilespmem:s22], [sflag:$0x5], $0x80, s17, s21, $0xb8;
	[tilespmem:$0x1D000] =	vst v63  }
0x40: {  	_ =	swait.ge [sflag:s25], $0x4000  }
0x41: {  	[sflag:s25] =	ssyncset.done $0x0  }
0x42: {  	s8 =	sor.u32 $0x100, s0;
	[sflag:s25] =	ssyncadd.s32 $0xFFFFC000  }
0x43: {  	[tilespmem:s22], [sflag:$0x3] =	stream.indirect.gather [hbm4b:s6+s21], $0x80, s8, s21, $0xb8;
	[tilespmem:$0x1D000] =	vst v63  }
0x44: {  	_ =	swait.ge [sflag:s26], $0x4000  }
0x45: {  	[sflag:s26] =	ssyncset.done $0x0  }
0x46: {  	s9 =	sor.u32 $0x880, s0;
	[sflag:s26] =	ssyncadd.s32 $0xFFFFC000  }
0x47: {  	[spmem:s1] =	stream.indirect.scatter.add.f32 [tilespmem:s23], [sflag:$0x6], $0x80, s9, s21, $0xb8;
	[tilespmem:$0x1D000] =	vst v63  }
0x48: {  	_ =	swait.ge [sflag:s28], $0x4000  }
0x49: {  	[sflag:s28] =	ssyncset.done $0x0  }
0x4a: {  	s11 =	sor.u32 $0x180, s0;
	[sflag:s28] =	ssyncadd.s32 $0xFFFFC000  }
0x4b: {  	[tilespmem:s23], [sflag:$0x4] =	stream.indirect.gather [hbm4b:s6+s21], $0x80, s11, s21, $0xb8;
	[tilespmem:$0x1D000] =	vst v63  }
0x4c: {  	_ =	swait.ge [sflag:s24], $0x4000  }
0x4d: {  	[sflag:s24] =	ssyncset.done $0x0  }
0x4e: {  	s12 =	sor.u32 $0x900, s0;
	[sflag:s24] =	ssyncadd.s32 $0xFFFFC000  }
0x4f: {  	[spmem:s1] =	stream.indirect.scatter.add.f32 [tilespmem:s22], [sflag:$0x5], $0x80, s12, s21, $0xb8;
	[tilespmem:$0x1D000] =	vst v63  }
0x50: {  	_ =	swait.ge [sflag:s25], $0x4000  }
0x51: {  	[sflag:s25] =	ssyncset.done $0x0  }
0x52: {  	s14 =	sor.u32 $0x200, s0;
	[sflag:s25] =	ssyncadd.s32 $0xFFFFC000  }
0x53: {  	[tilespmem:s22], [sflag:$0x3] =	stream.indirect.gather [hbm4b:s6+s21], $0x80, s14, s21, $0xb8;
	[tilespmem:$0x1D000] =	vst v63  }
0x54: {  	_ =	swait.ge [sflag:s26], $0x4000  }
0x55: {  	[sflag:s26] =	ssyncset.done $0x0  }
0x56: {  	s17 =	sor.u32 $0x980, s0;
	[sflag:s26] =	ssyncadd.s32 $0xFFFFC000  }
0x57: {  	[spmem:s1] =	stream.indirect.scatter.add.f32 [tilespmem:s23], [sflag:$0x6], $0x80, s17, s21, $0xb8;
	[tilespmem:$0x1D000] =	vst v63  }
0x58: {  	_ =	swait.ge [sflag:s28], $0x4000  }
0x59: {  	[sflag:s28] =	ssyncset.done $0x0  }
0x5a: {  	s8 =	sor.u32 $0x280, s0;
	[sflag:s28] =	ssyncadd.s32 $0xFFFFC000  }
0x5b: {  	[tilespmem:s23], [sflag:$0x4] =	stream.indirect.gather [hbm4b:s6+s21], $0x80, s8, s21, $0xb8;
	[tilespmem:$0x1D000] =	vst v63  }
0x5c: {  	_ =	swait.ge [sflag:s24], $0x4000  }
0x5d: {  	[sflag:s24] =	ssyncset.done $0x0  }
0x5e: {  	s9 =	sor.u32 $0xA00, s0;
	[sflag:s24] =	ssyncadd.s32 $0xFFFFC000  }
0x5f: {  	[spmem:s1] =	stream.indirect.scatter.add.f32 [tilespmem:s22], [sflag:$0x5], $0x80, s9, s21, $0xb8;
	[tilespmem:$0x1D000] =	vst v63  }
0x60: {  	_ =	swait.ge [sflag:s25], $0x4000  }
0x61: {  	[sflag:s25] =	ssyncset.done $0x0  }
0x62: {  	s11 =	sor.u32 $0x300, s0;
	[sflag:s25] =	ssyncadd.s32 $0xFFFFC000  }
0x63: {  	[tilespmem:s22], [sflag:$0x3] =	stream.indirect.gather [hbm4b:s6+s21], $0x80, s11, s21, $0xb8;
	[tilespmem:$0x1D000] =	vst v63  }
0x64: {  	_ =	swait.ge [sflag:s26], $0x4000  }
0x65: {  	[sflag:s26] =	ssyncset.done $0x0  }
0x66: {  	s12 =	sor.u32 $0xA80, s0;
	[sflag:s26] =	ssyncadd.s32 $0xFFFFC000  }
0x67: {  	[spmem:s1] =	stream.indirect.scatter.add.f32 [tilespmem:s23], [sflag:$0x6], $0x80, s12, s21, $0xb8;
	[tilespmem:$0x1D000] =	vst v63  }
0x68: {  	_ =	swait.ge [sflag:s28], $0x4000  }
0x69: {  	[sflag:s28] =	ssyncset.done $0x0  }
0x6a: {  	s14 =	sor.u32 $0x380, s0;
	[sflag:s28] =	ssyncadd.s32 $0xFFFFC000  }
0x6b: {  	[tilespmem:s23], [sflag:$0x4] =	stream.indirect.gather [hbm4b:s6+s21], $0x80, s14, s21, $0xb8;
	[tilespmem:$0x1D000] =	vst v63  }
0x6c: {  	_ =	swait.ge [sflag:s24], $0x4000  }
0x6d: {  	[sflag:s24] =	ssyncset.done $0x0  }
0x6e: {  	s17 =	sor.u32 $0xB00, s0;
	[sflag:s24] =	ssyncadd.s32 $0xFFFFC000  }
0x6f: {  	[spmem:s1] =	stream.indirect.scatter.add.f32 [tilespmem:s22], [sflag:$0x5], $0x80, s17, s21, $0xb8;
	[tilespmem:$0x1D000] =	vst v63  }
0x70: {  	_ =	swait.ge [sflag:s25], $0x4000  }
0x71: {  	[sflag:s25] =	ssyncset.done $0x0  }
0x72: {  	[sflag:s25] =	ssyncadd.s32 $0xFFFFC000  }
0x73: {  	_ =	swait.ge [sflag:s26], $0x4000  }
0x74: {  	[sflag:s26] =	ssyncset.done $0x0  }
0x75: {  	s31 =	sadd.s32 $0x400, s13;
	s0 =	sor.u32 $0xB80, s0;
	[sflag:s26] =	ssyncadd.s32 $0xFFFFC000  }
0x76: {  	[spmem:s1] =	stream.indirect.scatter.add.f32 [tilespmem:s23], [sflag:$0x6], $0x80, s0, s21, $0xb8;
	[tilespmem:$0x1D000] =	vst v63  }
0x77: {  	s2 =	simm.s32 $0x2;
	s14 =	sand.u32 $0x1, s30;
	s0 =	simm.s32 $0x2  }
.LBB2_2:
0x78: {  	s8 =	sadd.s32 $0x1, s14  }
0x79: {  	_ =	swait.ge [sflag:s28], $0x4000;
	s9 =	smov.u32 s0;
	s0 =	sadd.s32 $0x1, s0  }
0x7a: {  	p0 =	sne.s32 s0, $0x5;
	[sflag:s28] =	ssyncset.done $0x0  }
0x7b: {  	[sflag:s28] =	ssyncadd.s32 $0xFFFFC000  }
0x7c: {  	_ =	swait.ge [sflag:s8], $0x400  }
0x7d: {  	p1 =	seq.s32 s30, $0x4;
	s30 =	smov.u32 s9;
	[sflag:s8] =	ssyncset.done $0x0  }
0x7e: {  	s2 =	sand.u32 @!p1 $0x1, s2;
	s9 =	sshrl.u32 @!p1 s31, $0x3;
	[sflag:s8] =	ssyncadd.s32 $0xFFFFFC00  }
0x7f: {  	s11 =	sadd.s32 @!p1 $0x1, s2;
	s2 =	sshll.u32 @!p1 s2, $0xA;
	_ =	swait.ge [sflag:s8], $0x400  }
0x80: {  	s17 =	simm.s32 @!p1 $0x0;
	s12 =	sadd.s32 @!p1 s4, s9;
	[sflag:s8] =	ssyncset.done $0x0  }
0x81: {  	s9 =	sadd.s32 @!p1 s5, s9;
	[sflag:s8] =	ssyncadd.s32 $0xFFFFFC00;
	s8 =	sor.u32 @!p1 $0x800, s2  }
0x82: {  	[tilespmem:s2], [sflag:s11] =	stream.linear.gather @!p1 [hbm4b:s12+s17], $0x400, $0x38;
	[tilespmem:$0x1D000] =	vst v63  }
0x83: {  	s14 =	sshll.u32 s14, $0xA;
	s2 =	smov.u32 s0  }
0x84: {  	[tilespmem:s8], [sflag:s11] =	stream.linear.gather @!p1 [hbm4b:s9+s17], $0x400, $0x38;
	[tilespmem:$0x1D000] =	vst v63  }
0x85: {  	s8 =	sor.u32 $0x80, s14  }
0x86: {  	[tilespmem:s22], [sflag:$0x3] =	stream.indirect.gather [hbm4b:s6+s21], $0x80, s14, s21, $0xb8;
	[tilespmem:$0x1D000] =	vst v63  }
0x87: {  	_ = 	snop  }
0x88: {  	[tilespmem:s23], [sflag:$0x4] =	stream.indirect.gather [hbm4b:s6+s21], $0x80, s8, s21, $0xb8;
	[tilespmem:$0x1D000] =	vst v63  }
0x89: {  	s8 =	sor.u32 $0x800, s14;
	_ =	swait.ge [sflag:s24], $0x4000  }
0x8a: {  	[sflag:s24] =	ssyncset.done $0x0  }
0x8b: {  	[sflag:s24] =	ssyncadd.s32 $0xFFFFC000  }
0x8c: {  	[spmem:s1] =	stream.indirect.scatter.add.f32 [tilespmem:s22], [sflag:$0x5], $0x80, s8, s21, $0xb8;
	[tilespmem:$0x1D000] =	vst v63  }
0x8d: {  	s8 =	sor.u32 $0x100, s14;
	_ =	swait.ge [sflag:s25], $0x4000  }
0x8e: {  	[sflag:s25] =	ssyncset.done $0x0  }
0x8f: {  	[sflag:s25] =	ssyncadd.s32 $0xFFFFC000  }
0x90: {  	[tilespmem:s22], [sflag:$0x3] =	stream.indirect.gather [hbm4b:s6+s21], $0x80, s8, s21, $0xb8;
	[tilespmem:$0x1D000] =	vst v63  }
0x91: {  	s8 =	sor.u32 $0x880, s14;
	_ =	swait.ge [sflag:s26], $0x4000  }
0x92: {  	[sflag:s26] =	ssyncset.done $0x0  }
0x93: {  	[sflag:s26] =	ssyncadd.s32 $0xFFFFC000  }
0x94: {  	[spmem:s1] =	stream.indirect.scatter.add.f32 [tilespmem:s23], [sflag:$0x6], $0x80, s8, s21, $0xb8;
	[tilespmem:$0x1D000] =	vst v63  }
0x95: {  	s8 =	sor.u32 $0x180, s14;
	_ =	swait.ge [sflag:s28], $0x4000  }
0x96: {  	[sflag:s28] =	ssyncset.done $0x0  }
0x97: {  	[sflag:s28] =	ssyncadd.s32 $0xFFFFC000  }
0x98: {  	[tilespmem:s23], [sflag:$0x4] =	stream.indirect.gather [hbm4b:s6+s21], $0x80, s8, s21, $0xb8;
	[tilespmem:$0x1D000] =	vst v63  }
0x99: {  	s8 =	sor.u32 $0x900, s14;
	_ =	swait.ge [sflag:s24], $0x4000  }
0x9a: {  	[sflag:s24] =	ssyncset.done $0x0  }
0x9b: {  	[sflag:s24] =	ssyncadd.s32 $0xFFFFC000  }
0x9c: {  	[spmem:s1] =	stream.indirect.scatter.add.f32 [tilespmem:s22], [sflag:$0x5], $0x80, s8, s21, $0xb8;
	[tilespmem:$0x1D000] =	vst v63  }
0x9d: {  	s8 =	sor.u32 $0x200, s14;
	_ =	swait.ge [sflag:s25], $0x4000  }
0x9e: {  	[sflag:s25] =	ssyncset.done $0x0  }
0x9f: {  	[sflag:s25] =	ssyncadd.s32 $0xFFFFC000  }
0xa0: {  	[tilespmem:s22], [sflag:$0x3] =	stream.indirect.gather [hbm4b:s6+s21], $0x80, s8, s21, $0xb8;
	[tilespmem:$0x1D000] =	vst v63  }
0xa1: {  	s8 =	sor.u32 $0x980, s14;
	_ =	swait.ge [sflag:s26], $0x4000  }
0xa2: {  	[sflag:s26] =	ssyncset.done $0x0  }
0xa3: {  	[sflag:s26] =	ssyncadd.s32 $0xFFFFC000  }
0xa4: {  	[spmem:s1] =	stream.indirect.scatter.add.f32 [tilespmem:s23], [sflag:$0x6], $0x80, s8, s21, $0xb8;
	[tilespmem:$0x1D000] =	vst v63  }
0xa5: {  	s8 =	sor.u32 $0x280, s14;
	_ =	swait.ge [sflag:s28], $0x4000  }
0xa6: {  	[sflag:s28] =	ssyncset.done $0x0  }
0xa7: {  	[sflag:s28] =	ssyncadd.s32 $0xFFFFC000  }
0xa8: {  	[tilespmem:s23], [sflag:$0x4] =	stream.indirect.gather [hbm4b:s6+s21], $0x80, s8, s21, $0xb8;
	[tilespmem:$0x1D000] =	vst v63  }
0xa9: {  	s8 =	sor.u32 $0xA00, s14;
	_ =	swait.ge [sflag:s24], $0x4000  }
0xaa: {  	[sflag:s24] =	ssyncset.done $0x0  }
0xab: {  	[sflag:s24] =	ssyncadd.s32 $0xFFFFC000  }
0xac: {  	[spmem:s1] =	stream.indirect.scatter.add.f32 [tilespmem:s22], [sflag:$0x5], $0x80, s8, s21, $0xb8;
	[tilespmem:$0x1D000] =	vst v63  }
0xad: {  	s8 =	sor.u32 $0x300, s14;
	_ =	swait.ge [sflag:s25], $0x4000  }
0xae: {  	[sflag:s25] =	ssyncset.done $0x0  }
0xaf: {  	[sflag:s25] =	ssyncadd.s32 $0xFFFFC000  }
0xb0: {  	[tilespmem:s22], [sflag:$0x3] =	stream.indirect.gather [hbm4b:s6+s21], $0x80, s8, s21, $0xb8;
	[tilespmem:$0x1D000] =	vst v63  }
0xb1: {  	s8 =	sor.u32 $0xA80, s14;
	_ =	swait.ge [sflag:s26], $0x4000  }
0xb2: {  	[sflag:s26] =	ssyncset.done $0x0  }
0xb3: {  	[sflag:s26] =	ssyncadd.s32 $0xFFFFC000  }
0xb4: {  	[spmem:s1] =	stream.indirect.scatter.add.f32 [tilespmem:s23], [sflag:$0x6], $0x80, s8, s21, $0xb8;
	[tilespmem:$0x1D000] =	vst v63  }
0xb5: {  	s8 =	sor.u32 $0x380, s14;
	_ =	swait.ge [sflag:s28], $0x4000  }
0xb6: {  	[sflag:s28] =	ssyncset.done $0x0  }
0xb7: {  	[sflag:s28] =	ssyncadd.s32 $0xFFFFC000  }
0xb8: {  	[tilespmem:s23], [sflag:$0x4] =	stream.indirect.gather [hbm4b:s6+s21], $0x80, s8, s21, $0xb8;
	[tilespmem:$0x1D000] =	vst v63  }
0xb9: {  	s8 =	sor.u32 $0xB00, s14;
	_ =	swait.ge [sflag:s24], $0x4000  }
0xba: {  	[sflag:s24] =	ssyncset.done $0x0  }
0xbb: {  	[sflag:s24] =	ssyncadd.s32 $0xFFFFC000  }
0xbc: {  	[spmem:s1] =	stream.indirect.scatter.add.f32 [tilespmem:s22], [sflag:$0x5], $0x80, s8, s21, $0xb8;
	[tilespmem:$0x1D000] =	vst v63  }
0xbd: {  	_ =	swait.ge [sflag:s25], $0x4000  }
0xbe: {  	[sflag:s25] =	ssyncset.done $0x0  }
.Ltmp0:
0xbf: {  	[sflag:s25] =	ssyncadd.s32 $0xFFFFC000;
	(pc) =	sbr.rel @p0 .LBB2_2-.Ltmp0, $4  }
0xc0: {  	s8 =	sor.u32 $0xB80, s14;
	_ =	swait.ge [sflag:s26], $0x4000  }
0xc1: {  	[sflag:s26] =	ssyncset.done $0x0  }
0xc2: {  	s31 =	sadd.s32 $0x400, s31;
	s14 =	sand.u32 $0x1, s30;
	[sflag:s26] =	ssyncadd.s32 $0xFFFFC000  }
0xc3: {  	[spmem:s1] =	stream.indirect.scatter.add.f32 [tilespmem:s23], [sflag:$0x6], $0x80, s8, s21, $0xb8;
	[tilespmem:$0x1D000] =	vst v63  }
0xc4: {  	_ =	swait.ge [sflag:s28], $0x4000  }
0xc5: {  	[sflag:s28] =	ssyncset.done $0x0  }
0xc6: {  	s0 =	sadd.s32 $0x1, s14;
	[sflag:s28] =	ssyncadd.s32 $0xFFFFC000  }
0xc7: {  	_ =	swait.ge [sflag:s0], $0x400  }
0xc8: {  	[sflag:s0] =	ssyncset.done $0x0  }
0xc9: {  	p0 =	seq.s32 s30, $0x4;
	[sflag:s0] =	ssyncadd.s32 $0xFFFFFC00  }
0xca: {  	s2 =	sand.u32 @!p0 $0x1, s2;
	s8 =	sshrl.u32 @!p0 s31, $0x3;
	_ =	swait.ge [sflag:s0], $0x400  }
0xcb: {  	s12 =	simm.s32 @!p0 $0x0;
	s9 =	sadd.s32 @!p0 $0x1, s2;
	[sflag:s0] =	ssyncset.done $0x0  }
0xcc: {  	s2 =	sshll.u32 @!p0 s2, $0xA;
	s11 =	sadd.s32 @!p0 s4, s8;
	[sflag:s0] =	ssyncadd.s32 $0xFFFFFC00  }
0xcd: {  	[tilespmem:s2], [sflag:s9] =	stream.linear.gather @!p0 [hbm4b:s11+s12], $0x400, $0x38;
	[tilespmem:$0x1D000] =	vst v63  }
0xce: {  	s0 =	sor.u32 @!p0 $0x800, s2;
	s2 =	sadd.s32 @!p0 s5, s8  }
0xcf: {  	[tilespmem:s0], [sflag:s9] =	stream.linear.gather @!p0 [hbm4b:s2+s12], $0x400, $0x38;
	[tilespmem:$0x1D000] =	vst v63  }
0xd0: {  	s0 =	sshll.u32 s14, $0xA  }
0xd1: {  	[tilespmem:s22], [sflag:$0x3] =	stream.indirect.gather [hbm4b:s6+s21], $0x80, s0, s21, $0xb8;
	[tilespmem:$0x1D000] =	vst v63  }
0xd2: {  	s8 =	sor.u32 $0x80, s0  }
0xd3: {  	[tilespmem:s23], [sflag:$0x4] =	stream.indirect.gather [hbm4b:s6+s21], $0x80, s8, s21, $0xb8;
	[tilespmem:$0x1D000] =	vst v63  }
0xd4: {  	_ =	swait.ge [sflag:s24], $0x4000  }
0xd5: {  	[sflag:s24] =	ssyncset.done $0x0  }
0xd6: {  	s9 =	sor.u32 $0x800, s0;
	[sflag:s24] =	ssyncadd.s32 $0xFFFFC000  }
0xd7: {  	[spmem:s1] =	stream.indirect.scatter.add.f32 [tilespmem:s22], [sflag:$0x5], $0x80, s9, s21, $0xb8;
	[tilespmem:$0x1D000] =	vst v63  }
0xd8: {  	_ =	swait.ge [sflag:s25], $0x4000  }
0xd9: {  	[sflag:s25] =	ssyncset.done $0x0  }
0xda: {  	s11 =	sor.u32 $0x100, s0;
	[sflag:s25] =	ssyncadd.s32 $0xFFFFC000  }
0xdb: {  	[tilespmem:s22], [sflag:$0x3] =	stream.indirect.gather [hbm4b:s6+s21], $0x80, s11, s21, $0xb8;
	[tilespmem:$0x1D000] =	vst v63  }
0xdc: {  	_ =	swait.ge [sflag:s26], $0x4000  }
0xdd: {  	[sflag:s26] =	ssyncset.done $0x0  }
0xde: {  	s12 =	sor.u32 $0x880, s0;
	[sflag:s26] =	ssyncadd.s32 $0xFFFFC000  }
0xdf: {  	[spmem:s1] =	stream.indirect.scatter.add.f32 [tilespmem:s23], [sflag:$0x6], $0x80, s12, s21, $0xb8;
	[tilespmem:$0x1D000] =	vst v63  }
0xe0: {  	_ =	swait.ge [sflag:s28], $0x4000  }
0xe1: {  	[sflag:s28] =	ssyncset.done $0x0  }
0xe2: {  	s14 =	sor.u32 $0x180, s0;
	[sflag:s28] =	ssyncadd.s32 $0xFFFFC000  }
0xe3: {  	[tilespmem:s23], [sflag:$0x4] =	stream.indirect.gather [hbm4b:s6+s21], $0x80, s14, s21, $0xb8;
	[tilespmem:$0x1D000] =	vst v63  }
0xe4: {  	_ =	swait.ge [sflag:s24], $0x4000  }
0xe5: {  	[sflag:s24] =	ssyncset.done $0x0  }
0xe6: {  	s17 =	sor.u32 $0x900, s0;
	[sflag:s24] =	ssyncadd.s32 $0xFFFFC000  }
0xe7: {  	[spmem:s1] =	stream.indirect.scatter.add.f32 [tilespmem:s22], [sflag:$0x5], $0x80, s17, s21, $0xb8;
	[tilespmem:$0x1D000] =	vst v63  }
0xe8: {  	_ =	swait.ge [sflag:s25], $0x4000  }
0xe9: {  	[sflag:s25] =	ssyncset.done $0x0  }
0xea: {  	s30 =	sor.u32 $0x200, s0;
	[sflag:s25] =	ssyncadd.s32 $0xFFFFC000  }
0xeb: {  	[tilespmem:s22], [sflag:$0x3] =	stream.indirect.gather [hbm4b:s6+s21], $0x80, s30, s21, $0xb8;
	[tilespmem:$0x1D000] =	vst v63  }
0xec: {  	_ =	swait.ge [sflag:s26], $0x4000  }
0xed: {  	[sflag:s26] =	ssyncset.done $0x0  }
0xee: {  	s31 =	sor.u32 $0x980, s0;
	[sflag:s26] =	ssyncadd.s32 $0xFFFFC000  }
0xef: {  	[spmem:s1] =	stream.indirect.scatter.add.f32 [tilespmem:s23], [sflag:$0x6], $0x80, s31, s21, $0xb8;
	[tilespmem:$0x1D000] =	vst v63  }
0xf0: {  	_ =	swait.ge [sflag:s28], $0x4000  }
0xf1: {  	[sflag:s28] =	ssyncset.done $0x0  }
0xf2: {  	s8 =	sor.u32 $0x280, s0;
	[sflag:s28] =	ssyncadd.s32 $0xFFFFC000  }
0xf3: {  	[tilespmem:s23], [sflag:$0x4] =	stream.indirect.gather [hbm4b:s6+s21], $0x80, s8, s21, $0xb8;
	[tilespmem:$0x1D000] =	vst v63  }
0xf4: {  	_ =	swait.ge [sflag:s24], $0x4000  }
0xf5: {  	[sflag:s24] =	ssyncset.done $0x0  }
0xf6: {  	s9 =	sor.u32 $0xA00, s0;
	[sflag:s24] =	ssyncadd.s32 $0xFFFFC000  }
0xf7: {  	[spmem:s1] =	stream.indirect.scatter.add.f32 [tilespmem:s22], [sflag:$0x5], $0x80, s9, s21, $0xb8;
	[tilespmem:$0x1D000] =	vst v63  }
0xf8: {  	_ =	swait.ge [sflag:s25], $0x4000  }
0xf9: {  	[sflag:s25] =	ssyncset.done $0x0  }
0xfa: {  	s11 =	sor.u32 $0x300, s0;
	[sflag:s25] =	ssyncadd.s32 $0xFFFFC000  }
0xfb: {  	[tilespmem:s22], [sflag:$0x3] =	stream.indirect.gather [hbm4b:s6+s21], $0x80, s11, s21, $0xb8;
	[tilespmem:$0x1D000] =	vst v63  }
0xfc: {  	_ =	swait.ge [sflag:s26], $0x4000  }
0xfd: {  	[sflag:s26] =	ssyncset.done $0x0  }
0xfe: {  	s12 =	sor.u32 $0xA80, s0;
	[sflag:s26] =	ssyncadd.s32 $0xFFFFC000  }
0xff: {  	[spmem:s1] =	stream.indirect.scatter.add.f32 [tilespmem:s23], [sflag:$0x6], $0x80, s12, s21, $0xb8;
	[tilespmem:$0x1D000] =	vst v63  }
0x100: {  	_ =	swait.ge [sflag:s28], $0x4000  }
0x101: {  	[sflag:s28] =	ssyncset.done $0x0  }
0x102: {  	s14 =	sor.u32 $0x380, s0;
	[sflag:s28] =	ssyncadd.s32 $0xFFFFC000  }
0x103: {  	[tilespmem:s23], [sflag:$0x4] =	stream.indirect.gather [hbm4b:s6+s21], $0x80, s14, s21, $0xb8;
	[tilespmem:$0x1D000] =	vst v63  }
0x104: {  	_ =	swait.ge [sflag:s24], $0x4000  }
0x105: {  	[sflag:s24] =	ssyncset.done $0x0  }
0x106: {  	s17 =	sor.u32 $0xB00, s0;
	[sflag:s24] =	ssyncadd.s32 $0xFFFFC000  }
0x107: {  	[spmem:s1] =	stream.indirect.scatter.add.f32 [tilespmem:s22], [sflag:$0x5], $0x80, s17, s21, $0xb8;
	[tilespmem:$0x1D000] =	vst v63  }
0x108: {  	_ =	swait.ge [sflag:s25], $0x4000  }
0x109: {  	[sflag:s25] =	ssyncset.done $0x0  }
0x10a: {  	[sflag:s25] =	ssyncadd.s32 $0xFFFFC000  }
0x10b: {  	_ =	swait.ge [sflag:s26], $0x4000  }
0x10c: {  	[sflag:s26] =	ssyncset.done $0x0  }
0x10d: {  	s0 =	sor.u32 $0xB80, s0;
	[sflag:s26] =	ssyncadd.s32 $0xFFFFC000  }
0x10e: {  	[spmem:s1] =	stream.indirect.scatter.add.f32 [tilespmem:s23], [sflag:$0x6], $0x80, s0, s21, $0xb8;
	[tilespmem:$0x1D000] =	vst v63  }
0x10f: {  	_ =	swait.ge [sflag:s28], $0x4000  }
0x110: {  	[sflag:s28] =	ssyncset.done $0x0  }
0x111: {  	[sflag:s28] =	ssyncadd.s32 $0xFFFFC000  }
0x112: {  	[bflag:$0x0] =	sbarrier.arrive $0xFFFF  }
0x113: {  	s30 =	rddreg [dreg:$0x5]  }
0x114: {  	[hbm:s30], [sflag:s10] =	dma.local [spmem:s15], $0x2800  }
0x115: {  	_ =	swait.ge [sflag:s16], $0x2800  }
0x116: {  	s29 =	sadd.s32 $0x1, s29;
	s31 =	rddreg [dreg:$0x6]  }
0x117: {  	p0 =	sne.s32 s29, s31  }
.Ltmp1:
0x118: {  	_ = 	snop;
	(pc) =	sbr.rel @p0 .LBB2_1-.Ltmp1, $3  }
0x119: {  	_ =	sdelay $0x1  }
0x11a: {  	[sflag:s16] =	ssyncset.done $0x0  }
0x11b: {  	[sflag:s16] =	ssyncadd.s32 $0xFFFFD800  }
0x11c: {  	_ =	sfence.sel $0x180000  }
0x11d: {  	[bflag:$0x0] =	sbarrier.arrive $0xFFFF  }
0x11e: {  	_ =	strace $0x9000004D  }
0x11f: {  	s0 =	stileid.u32;
	[bflag:$0x2] =	sbarrier.arrive $0xFFFF  }
0x120: {  	p0 =	sne.s32 s0, $0x0;
	s0 =	rddreg [dreg:$0x2]  }
0x121: {  	s0 =	sadd.s32 @!p0 $0x100000, s0  }
0x122: {  	[sflag:s0] =	ssyncadd.tile.s32 @!p0 $0x1;
	_ =	shalt  }
.Lfunc_end2:
_tile_overlayer_lowered:
.L_overlay_start_2:
0x123: {  	(tag) =	ssettag $0x2  }
0x124: {  	s0 =	rddreg [dreg:$0x0];
	s2 =	stileid.u32  }
0x125: {  	s1 =	rddreg [dreg:$0x1];
	p0 =	sne.s32 s2, $0x0  }
0x126: {  	s3 =	rddreg [dreg:$0x2];
	[bflag:$0x3] =	sbarrier.arrive $0xFFFF;
	s2 =	simm.s32 @!p0 $0x1C07  }
0x127: {  	[timem:s3], [sflag:s2] =	dma.local @!p0 [hbm:s0], s1  }
0x128: {  	s0 =	simm.s32 @!p0 $0x7  }
0x129: {  	_ =	swait.ge @!p0 [sflag:s0], s1  }
0x12a: {  	s1 =	ssub.s32 @!p0 $0x0, s1;
	[sflag:s0] =	ssyncset.done @!p0 $0x0  }
0x12b: {  	[sflag:s0] =	ssyncadd.s32 @!p0 s1  }
0x12c: {  	[bflag:$0x3] =	sbarrier.arrive $0xFFFF  }
0x12d: {  	_ =	shalt  }

// kernel: kernel.9.cloned.1.call-start
scs
__scs_entry_jumppad:
0x0: {  	(pc) =	sbr.rel $0x88, $3  }
0x1: {  	(tag) =	ssettag $0x0;
	lr =	simm.s32 $0x1  }
0x2: {  	[smem:$0x3F9B] =	sst lr;
	_ =	strace $0xD0000000  }
0x3: {  	_ = 	snop  }
0x4: {  	_ = 	snop  }
0x5: {  	_ = 	snop  }
0x6: {  	_ = 	snop  }
0x7: {  	_ = 	snop  }
__scs_overlays_trampoline_lowered:
0x8: {  	[smem:$0x3FAA] =	sst s0  }
0x9: {  	[smem:$0x3FAB] =	sst s1  }
0xa: {  	[smem:$0x3FAC] =	sst s2  }
0xb: {  	[smem:$0x3FAD] =	sst s3  }
0xc: {  	[smem:$0x3FAE] =	sst s4  }
0xd: {  	[smem:$0x3FAF] =	sst s5  }
0xe: {  	[smem:$0x3FB0] =	sst s6  }
0xf: {  	[smem:$0x3FB1] =	sst s7  }
0x10: {  	[smem:$0x3FB2] =	sst s8  }
0x11: {  	[smem:$0x3FB3] =	sst s9;
	s0 =	simm.s32 @!p0 $0x0  }
0x12: {  	s1 =	sld [smem:$0x3F99];
	s0 =	simm.s32 @p0 $0x1  }
0x13: {  	[smem:$0x3FB4] =	sst s0;
	s0 =	simm.s32 @!p1 $0x0  }
0x14: {  	s2 =	sld [smem:$0x3F98];
	s0 =	simm.s32 @p1 $0x1  }
0x15: {  	[smem:$0x3FB5] =	sst s0;
	s0 =	simm.s32 @!p2 $0x0  }
0x16: {  	s3 =	sld [smem:$0x3FDB];
	s0 =	simm.s32 @p2 $0x1  }
0x17: {  	s4 =	simm.s32 $0x1BF5;
	[smem:$0x3FB7] =	sst s0  }
0x18: {  	s0 =	sld [smem:$0x3F9A];
	_ =	swait.ge [sflag:s4], $0x0  }
0x19: {  	s7 =	sld [smem:$0x3F9B]  }
0x1a: {  	s8 =	sadd.s32 $0xFFFFE003, lr  }
0x1b: {  	s9 =	sadd.s32 $0xFFFFFEF7, lr;
	s5 =	simm.s32 $0xFFFFFFFF;
	p2 =	slt.u32 s8, $0xFFFFF086  }
0x1c: {  	p1 =	slt.u32 s9, $0xF7A;
	s5 =	simm.s32 @!p2 $0x0  }
0x1d: {  	s5 =	simm.s32 @p1 $0x1;
	p0 =	seq.s32 s7, s2  }
0x1e: {  	s7 =	smul.u32 @!p0 $0xF7A, s2;
	p2 =	seq.s32 @!p0 s5, $0x0  }
0x1f: {  	s9 =	smul.u32 $0xF7A, s1;
	s8 =	simm.s32 @!p0 $0x1BF5;
	p2 =	por !p2, p0  }
0x20: {  	[sflag:s8] =	ssyncset.s32 @!p0 $0xFFFFF086;
	s6 =	sadd.s32 @!p0 s3, s7;
	s7 =	simm.s32 @!p0 $0x108  }
0x21: {  	s3 =	sadd.s32 s3, s9;
	s6 =	sadd.s32 @!p0 $0x88, s6;
	s7 =	simm.s32 @p2 $0x1082  }
0x22: {  	[simem:s7], [sflag:s8] =	dma.local @!p0 [hbm:s6], $0xF7A  }
0x23: {  	s9 =	sor.u32 $0xD0000000, s2;
	s6 =	simm.s32 $0x108;
	_ =	swait.ge @!p0 [sflag:s8], $0x0  }
0x24: {  	s3 =	sadd.s32 $0x88, s3;
	s6 =	simm.s32 @!p1 $0x1082;
	[sflag:s4] =	ssyncset.s32 $0xFFFFF086  }
0x25: {  	[simem:s6], [sflag:s4] =	dma.local [hbm:s3], $0xF7A  }
0x26: {  	[smem:$0x3F9B] =	sst s1;
	(tag) =	ssettag s2;
	_ =	strace s9  }
0x27: {  	s1 =	sld [smem:$0x3FAB]  }
0x28: {  	s2 =	sld [smem:$0x3FAC]  }
0x29: {  	s4 =	sld [smem:$0x3FAE]  }
0x2a: {  	p0 =	seq.s32 s5, $0x0;
	s5 =	sld [smem:$0x3FAF]  }
0x2b: {  	s6 =	sld [smem:$0x3FB0]  }
0x2c: {  	s7 =	sld [smem:$0x3FB1]  }
0x2d: {  	s3 =	simm.s32 $0x108;
	s8 =	sld [smem:$0x3FB2]  }
0x2e: {  	s3 =	simm.s32 @!p0 $0x1082;
	s9 =	sld [smem:$0x3FB3]  }
0x2f: {  	lr =	sadd.s32 s0, s3;
	s0 =	sld [smem:$0x3FAA]  }
0x30: {  	s3 =	sld [smem:$0x3FAD]  }
0x31: {  	[smem:$0x3FB6] =	sst s10  }
0x32: {  	s10 =	sld [smem:$0x3FB4];
	_ =	sdelay $0x3  }
0x33: {  	p0 =	seq.s32 s10, $0x1;
	s10 =	sld [smem:$0x3FB6];
	_ =	sdelay $0x3  }
0x34: {  	[smem:$0x3FB6] =	sst s10  }
0x35: {  	s10 =	sld [smem:$0x3FB5];
	_ =	sdelay $0x3  }
0x36: {  	p1 =	seq.s32 s10, $0x1;
	s10 =	sld [smem:$0x3FB6];
	_ =	sdelay $0x3  }
0x37: {  	[smem:$0x3FB6] =	sst s10  }
0x38: {  	s10 =	sld [smem:$0x3FB7]  }
0x39: {  	_ = 	snop;
	(pc) =	sbr.ind lr, $3  }
0x3a: {  	_ = 	snop  }
0x3b: {  	_ = 	snop  }
0x3c: {  	p2 =	seq.s32 s10, $0x1;
	s10 =	sld [smem:$0x3FB6]  }
0x3d: {  	_ =	shalt  }
0x3e: {  	_ =	shalt  }
0x3f: {  	_ =	shalt  }
0x40: {  	_ =	shalt  }
0x41: {  	_ =	shalt  }
0x42: {  	_ =	shalt  }
0x43: {  	_ =	shalt  }
0x44: {  	_ =	shalt  }
0x45: {  	_ =	shalt  }
0x46: {  	_ =	shalt  }
0x47: {  	_ =	shalt  }
0x48: {  	_ =	shalt  }
0x49: {  	_ =	shalt  }
0x4a: {  	_ =	shalt  }
0x4b: {  	_ =	shalt  }
0x4c: {  	_ =	shalt  }
0x4d: {  	_ =	shalt  }
0x4e: {  	_ =	shalt  }
0x4f: {  	_ =	shalt  }
0x50: {  	_ =	shalt  }
0x51: {  	_ =	shalt  }
0x52: {  	_ =	shalt  }
0x53: {  	_ =	shalt  }
0x54: {  	_ =	shalt  }
0x55: {  	_ =	shalt  }
0x56: {  	_ =	shalt  }
0x57: {  	_ =	shalt  }
0x58: {  	_ =	shalt  }
0x59: {  	_ =	shalt  }
0x5a: {  	_ =	shalt  }
0x5b: {  	_ =	shalt  }
0x5c: {  	_ =	shalt  }
0x5d: {  	_ =	shalt  }
0x5e: {  	_ =	shalt  }
0x5f: {  	_ =	shalt  }
0x60: {  	_ =	shalt  }
0x61: {  	_ =	shalt  }
0x62: {  	_ =	shalt  }
0x63: {  	_ =	shalt  }
0x64: {  	_ =	shalt  }
0x65: {  	_ =	shalt  }
0x66: {  	_ =	shalt  }
0x67: {  	_ =	shalt  }
0x68: {  	_ =	shalt  }
0x69: {  	_ =	shalt  }
0x6a: {  	_ =	shalt  }
0x6b: {  	_ =	shalt  }
0x6c: {  	_ =	shalt  }
0x6d: {  	_ =	shalt  }
0x6e: {  	_ =	shalt  }
0x6f: {  	_ =	shalt  }
0x70: {  	_ =	shalt  }
0x71: {  	_ =	shalt  }
0x72: {  	_ =	shalt  }
0x73: {  	_ =	shalt  }
0x74: {  	_ =	shalt  }
0x75: {  	_ =	shalt  }
0x76: {  	_ =	shalt  }
0x77: {  	_ =	shalt  }
0x78: {  	_ =	shalt  }
0x79: {  	_ =	shalt  }
0x7a: {  	_ =	shalt  }
0x7b: {  	_ =	shalt  }
0x7c: {  	_ =	shalt  }
0x7d: {  	_ =	shalt  }
0x7e: {  	_ =	shalt  }
0x7f: {  	_ =	shalt  }
0x80: {  	_ =	shalt  }
0x81: {  	_ =	shalt  }
0x82: {  	_ =	shalt  }
0x83: {  	_ =	shalt  }
0x84: {  	_ =	shalt  }
0x85: {  	_ =	shalt  }
0x86: {  	_ =	shalt  }
0x87: {  	_ =	shalt  }
.Lfunc_end0:
.L_simem_size_0:
called_computation_lowered:
.L_overlay_start_0:
0x88: {  	s2 =	sld [smem:$0x3FD9]  }
0x89: {  	s3 =	sld [smem:$0x3FFE];
	_ =	sdelay $0x1  }
0x8a: {  	s1 =	srdreg.scid  }
0x8b: {  	s0 =	sand.u32 $0x1, s1  }
0x8c: {  	s16 =	sshll.u32 s0, $0xA;
	s2 =	sadd.s32 s3, s2  }
0x8d: {  	s2 =	sadd.s32 s2, s16  }
0x8e: {  	[smem:$0x3FC2] =	sst s2  }
0x8f: {  	_ = 	snop  }
0x90: {  	(tm) =	ssettm $0x1  }
0x91: {  	s17 =	sld [smem:$0x3FFB];
	_ =	sdelay $0x3  }
0x92: {  	_ =	strace s17  }
0x93: {  	s2 =	sld [smem:$0x3FFC];
	_ =	sdelay $0x3  }
0x94: {  	_ =	strace s2  }
0x95: {  	s2 =	sld [smem:$0x3FFD];
	_ =	sdelay $0x3  }
0x96: {  	_ =	strace s2  }
0x97: {  	_ =	strace $0x8FFFFFFF  }
0x98: {  	s18 =	sld [smem:$0x3FDB];
	_ =	sdelay $0x1  }
0x99: {  	s19 =	simm.s32 $_scs_section_size  }
0x9a: {  	s4 =	simm.s32 $_size__tile_overlayer_lowered;
	s5 =	simm.s32 $_tile_overlayer_lowered  }
0x9b: {  	s22 =	simm.s32 $0x1BFF;
	s21 =	sshll.u32 s5, $0x1;
	s2 =	sadd.s32 s19, s18  }
0x9c: {  	s6 =	simm.s32 $0x0;
	s20 =	sshll.u32 s4, $0x1;
	s4 =	sadd.s32 s21, s2  }
0x9d: {  	[timem:s6], [sflag:s22] =	dma.local [hbm:s4], s20  }
0x9e: {  	_ =	swait.ge [sflag:s22], s20  }
0x9f: {  	s3 =	ssub.s32 $0x0, s20;
	[sflag:s22] =	ssyncset.done $0x0  }
0xa0: {  	[sflag:s22] =	ssyncadd.s32 s3;
	_ =	sdelay $0x1  }
0xa1: {  	s23 =	simm.s32 $0x1B8B  }
0xa2: {  	_ =	swait.ge [sflag:s23], $0x1  }
0xa3: {  	[sflag:s23] =	ssyncset.done $0x0  }
0xa4: {  	s25 =	simm.s32 $0x1B8E;
	s24 =	sld [smem:$0x3FFE];
	[sflag:s23] =	ssyncadd.s32 $0xFFFFFFFF  }
0xa5: {  	s26 =	simm.s32 $execute0_lowered;
	[smem:$0x3FD2] =	sst s25  }
0xa6: {  	s4 =	sshll.u32 s26, $0x1;
	_ =	strace $0x80000046;
	[dreg:$0x1] =	wrdreg $0xFFFFFFFF  }
0xa7: {  	s28 =	simm.s32 $_size_execute0_lowered;
	s2 =	sadd.s32 s2, s4;
	[dreg:$0x0] =	wrdreg $0x0  }
0xa8: {  	s4 =	sshll.u32 s28, $0x1;
	[dreg:$0x2] =	wrdreg s2  }
0xa9: {  	[dreg:$0x3] =	wrdreg s4  }
0xaa: {  	[dreg:$0x4] =	wrdreg $0xC0  }
0xab: {  	_ =	task [dreg:s6], $0x5FFFF  }
0xac: {  	[dreg:$0x1] =	wrdreg $0xFFFFFFFF  }
0xad: {  	[dreg:$0x0] =	wrdreg $0x60  }
0xae: {  	[dreg:$0x2] =	wrdreg s24  }
0xaf: {  	[dreg:$0x3] =	wrdreg $0x54000  }
0xb0: {  	[dreg:$0x4] =	wrdreg $0x9  }
0xb1: {  	_ =	task.clear_ibuf [dreg:s6], $0x5FFFF;
	_ =	strace $0x90000046  }
0xb2: {  	s29 =	simm.s32 $0x9;
	_ =	strace $0x80000048  }
0xb3: {  	_ =	swait.ge [sflag:s29], $0x1  }
0xb4: {  	[sflag:s29] =	ssyncadd.s32 $0xFFFFFFFF  }
0xb5: {  	_ =	strace $0x90000048  }
0xb6: {  	_ =	sfence  }
0xb7: {  	s30 =	sld [smem:$0x0];
	_ =	sdelay $0x2  }
0xb8: {  	s31 =	sshll.u32 s1, $0xD;
	s1 =	sshrl.u32 s1, $0x2  }
0xb9: {  	s3 =	sand.u32 $0x4000, s31;
	s1 =	sadd.s32 s1, s30  }
0xba: {  	s0 =	sor.u32 s3, s0;
	s1 =	sshll.u32 s1, $0x11  }
0xbb: {  	s0 =	sor.u32 s1, s0  }
0xbc: {  	s0 =	sadd.s32 $0x8F2B, s0  }
0xbd: {  	[sflag:s0] =	ssyncadd.remote.s32 $0x1  }
0xbe: {  	_ =	sfence.sel $0xFFFF  }
0xbf: {  	[dreg:$0x0] =	wrdreg $0xFFFFFFFF;
	(pc) =	sbr.abs _section_cstart, $3  }
0xc0: {  	[dreg:$0x1] =	wrdreg $0xFFFFFFFF  }
0xc1: {  	_ =	task.clear_ibuf [dreg:s6], $0x2FFFF;
	_ =	strace $0x9FFFFFFF  }
0xc2: {  	(tm) =	ssettm $0x7FFFFFFF  }
0xc3: {  	_ =	shalt  }
tec
execute0_lowered:
.L_overlay_start_1:
0x0: {  	(tag) =	ssettag $0x1  }
0x1: {  	s0 =	srdreg.scid;
	s3 =	rddreg [dreg:$0x0]  }
0x2: {  	s12 =	stileid.u32;
	s2 =	rddreg [dreg:$0x1]  }
0x3: {  	s30 =	simm.s32 $0x0;
	s25 =	simm.s32 $0x100;
	s26 =	simm.s32 $0x180  }
0x4: {  	s8 =	simm.s32 $0x380;
	[smem:$0x7FF] =	sst s30;
	s7 =	sadd.s32 $0x7A00, s3  }
0x5: {  	s9 =	simm.s32 $0x400;
	_ =	strace $0x80000047;
	[dreg:$0x3] =	wrdreg s7  }
0x6: {  	s10 =	simm.s32 $0x480;
	s11 =	simm.s32 $0x500;
	[dreg:$0xa] =	wrdreg s25  }
0x7: {  	s13 =	simm.s32 $0x580;
	s15 =	simm.s32 $0x600;
	[dreg:$0xb] =	wrdreg s26  }
0x8: {  	s16 =	simm.s32 $0x680;
	s28 =	simm.s32 $0xD00;
	[dreg:$0xf] =	wrdreg s8  }
0x9: {  	s29 =	simm.s32 $0xD80;
	p0 =	por $0x0, $0x0;
	[dreg:$0x10] =	wrdreg s9  }
0xa: {  	s0 =	sand.u32 $0x1, s0;
	s4 =	smul.u32 $0x2800, s12;
	[dreg:$0x11] =	wrdreg s10  }
0xb: {  	s6 =	smul.u32 $0x50000, s12;
	s31 =	sadd.s32 $0x7200, s3;
	[dreg:$0x12] =	wrdreg s11  }
0xc: {  	s1 =	sshll.u32 s0, $0x4;
	s5 =	smul.u32 $0x28000, s0;
	[dreg:$0x13] =	wrdreg s13  }
0xd: {  	s7 =	simm.s32 $0x300;
	s0 =	ssub.s32 $0x2, s0;
	[dreg:$0x14] =	wrdreg s15  }
0xe: {  	[dreg:$0x15] =	wrdreg s16;
	s8 =	simm.s32 $0x80;
	s9 =	simm.s32 $0x1  }
0xf: {  	s25 =	simm.s32 $0xA80;
	s10 =	simm.s32 $0x2;
	s26 =	simm.s32 $0xB00  }
0x10: {  	s11 =	simm.s32 $0x3;
	s13 =	simm.s32 $0x1200;
	s15 =	simm.s32 $0x1300  }
0x11: {  	s16 =	simm.s32 $0x1380;
	s1 =	sor.u32 s12, s1;
	[dreg:$0xe] =	wrdreg s7  }
0x12: {  	s17 =	sshrl.u32 s6, $0x2;
	s6 =	simm.s32 $0x280;
	[dreg:$0x1d] =	wrdreg s25  }
0x13: {  	s14 =	sshrl.u32 s0, $0x1;
	s7 =	simm.s32 $0x4;
	[dreg:$0x1e] =	wrdreg s26  }
0x14: {  	s25 =	simm.s32 $0xC00;
	s26 =	simm.s32 $0xC80;
	s1 =	smul.u32 $0x280, s1  }
0x15: {  	s4 =	sadd.s32 s4, s5;
	s5 =	sadd.s32 s17, s2;
	[dreg:$0xd] =	wrdreg s6  }
0x16: {  	s0 =	ssub.s32 s0, s14;
	s17 =	simm.s32 $0x700;
	s6 =	simm.s32 $0x1400  }
0x17: {  	s14 =	simm.s32 $0x1280;
	s4 =	sadd.s32 s4, s3;
	s18 =	sadd.s32 $0x4000, s5  }
0x18: {  	s19 =	sadd.s32 $0x8000, s5;
	s20 =	sadd.s32 $0xC000, s5;
	s22 =	sadd.s32 $0x10000, s5  }
0x19: {  	s0 =	smax.u32 s0, $0x1;
	[dreg:$0x16] =	wrdreg s17;
	s4 =	sadd.s32 $0x8200, s4  }
0x1a: {  	s5 =	sshrl.u32 s5, $0x3;
	s21 =	sshrl.u32 s19, $0x3;
	[dreg:$0x5] =	wrdreg s4  }
0x1b: {  	s17 =	simm.s32 $0xB80;
	s23 =	sshrl.u32 s20, $0x3;
	[dreg:$0x7] =	wrdreg s21  }
0x1c: {  	s1 =	sadd.s32 s1, s3;
	s24 =	sshrl.u32 s22, $0x3;
	[dreg:$0x8] =	wrdreg s23  }
0x1d: {  	s3 =	simm.s32 $0x5;
	s19 =	simm.s32 $0x800;
	[dreg:$0x9] =	wrdreg s24  }
0x1e: {  	s20 =	sshll.u32 s12, $0x6;
	s22 =	simm.s32 $0x900;
	[dreg:$0x18] =	wrdreg s19  }
0x1f: {  	p1 =	sne.s32 s0, $0x1;
	s1 =	sadd.s32 $0x2200, s1;
	[dreg:$0x1a] =	wrdreg s22  }
0x20: {  	s4 =	simm.s32 $0x200;
	s21 =	simm.s32 $0x880;
	[dreg:$0x4] =	wrdreg s1  }
0x21: {  	s23 =	simm.s32 $0x980;
	s24 =	simm.s32 $0xA00;
	[dreg:$0xc] =	wrdreg s4  }
0x22: {  	s22 =	simm.s32 $0xE80;
	s19 =	simm.s32 $0x1100;
	[dreg:$0x19] =	wrdreg s21  }
.Ltmp0:
0x23: {  	s1 =	sshrl.u32 s18, $0x3;
	[dreg:$0x1b] =	wrdreg s23;
	(pc) =	sbr.rel @!p1 .LBB2_1-.Ltmp0, $4  }
0x24: {  	s18 =	simm.s32 $0x780;
	s4 =	sor.u32 $0x1C05, s20;
	[dreg:$0x1c] =	wrdreg s24  }
0x25: {  	s21 =	simm.s32 $0xE00;
	s23 =	simm.s32 $0xF00;
	[dreg:$0x6] =	wrdreg s1  }
0x26: {  	s24 =	simm.s32 $0xF80;
	s20 =	simm.s32 $0x1180;
	[dreg:$0x17] =	wrdreg s18  }
0x27: {  	s18 =	simm.s32 $0x1080;
	s1 =	sadd.s32 $0xFFFFFFFF, s0;
	s0 =	rddreg [dreg:$0x4]  }
0x28: {  	[tilespmem:s30], [sflag:$0x5] =	stream.linear.gather [hbm4b:s0+s30], $0x1400, $0x38;
	[tilespmem:$0x19400] =	vst v63  }
0x29: {  	_ =	swait.ge [sflag:s3], $0x1400  }
0x2a: {  	[sflag:s3] =	ssyncset.done $0x0  }
0x2b: {  	s12 =	rddreg [dreg:$0x3];
	[sflag:s3] =	ssyncadd.s32 $0xFFFFEC00  }
0x2c: {  	[tilespmem:s6], [sflag:$0x5] =	stream.linear.gather [hbm4b:s12+s30], $0x4000, $0x38;
	[tilespmem:$0x19400] =	vst v63  }
0x2d: {  	_ =	swait.ge [sflag:s3], $0x4000  }
0x2e: {  	[sflag:s3] =	ssyncset.done $0x0  }
0x2f: {  	[sflag:s3] =	ssyncadd.s32 $0xFFFFC000  }
0x30: {  	[spmem:s5], [sflag:s4] =	dma.local [hbm:s31], $0x800  }
0x31: {  	_ =	swait.ge [sflag:s3], $0x800  }
0x32: {  	[sflag:s3] =	ssyncset.done $0x0  }
0x33: {  	s12 =	rddreg [dreg:$0x6];
	[sflag:s3] =	ssyncadd.s32 $0xFFFFF800  }
0x34: {  	[spmem:s12], [sflag:s4] =	dma.local [hbm:s31], $0x800  }
0x35: {  	_ =	swait.ge [sflag:s3], $0x800  }
0x36: {  	[sflag:s3] =	ssyncset.done $0x0  }
0x37: {  	s12 =	rddreg [dreg:$0x7];
	[sflag:s3] =	ssyncadd.s32 $0xFFFFF800  }
0x38: {  	[spmem:s12], [sflag:s4] =	dma.local [hbm:s31], $0x800  }
0x39: {  	_ =	swait.ge [sflag:s3], $0x800  }
0x3a: {  	[sflag:s3] =	ssyncset.done $0x0  }
0x3b: {  	s12 =	rddreg [dreg:$0x8];
	[sflag:s3] =	ssyncadd.s32 $0xFFFFF800  }
0x3c: {  	[spmem:s12], [sflag:s4] =	dma.local [hbm:s31], $0x800  }
0x3d: {  	_ =	swait.ge [sflag:s3], $0x800  }
0x3e: {  	[sflag:s3] =	ssyncset.done $0x0  }
0x3f: {  	s12 =	rddreg [dreg:$0x9];
	[sflag:s3] =	ssyncadd.s32 $0xFFFFF800  }
0x40: {  	[spmem:s12], [sflag:s4] =	dma.local [hbm:s31], $0x800  }
0x41: {  	_ =	swait.ge [sflag:s3], $0x800  }
0x42: {  	[sflag:s3] =	ssyncset.done $0x0  }
0x43: {  	[sflag:s3] =	ssyncadd.s32 $0xFFFFF800  }
0x44: {  	[bflag:$0x0] =	sbarrier.arrive $0xFFFF  }
0x45: {  	[spmem:s2] =	stream.indirect.scatter.add.f32 [tilespmem:s6], [sflag:$0x1], $0x80, s30, s8, $0xb8;
	[tilespmem:$0x19400] =	vst v63  }
0x46: {  	_ = 	snop  }
0x47: {  	[spmem:s2] =	stream.indirect.scatter.add.f32 [tilespmem:s6], [sflag:$0x2], $0x80, s8, s8, $0xb8;
	[tilespmem:$0x19400] =	vst v63  }
0x48: {  	s0 =	rddreg [dreg:$0xa]  }
0x49: {  	[spmem:s2] =	stream.indirect.scatter.add.f32 [tilespmem:s6], [sflag:$0x3], $0x80, s0, s8, $0xb8;
	[tilespmem:$0x19400] =	vst v63  }
0x4a: {  	s12 =	smov.u32 s1;
	s1 =	rddreg [dreg:$0xb]  }
0x4b: {  	[spmem:s2] =	stream.indirect.scatter.add.f32 [tilespmem:s6], [sflag:$0x4], $0x80, s1, s8, $0xb8;
	[tilespmem:$0x19400] =	vst v63  }
0x4c: {  	_ =	swait.ge [sflag:s9], $0x4000  }
0x4d: {  	[sflag:s9] =	ssyncset.done $0x0  }
0x4e: {  	[sflag:s9] =	ssyncadd.s32 $0xFFFFC000  }
0x4f: {  	_ =	swait.ge [sflag:s10], $0x4000  }
0x50: {  	[sflag:s10] =	ssyncset.done $0x0  }
0x51: {  	[sflag:s10] =	ssyncadd.s32 $0xFFFFC000  }
0x52: {  	_ =	swait.ge [sflag:s11], $0x4000  }
0x53: {  	[sflag:s11] =	ssyncset.done $0x0  }
0x54: {  	[sflag:s11] =	ssyncadd.s32 $0xFFFFC000  }
0x55: {  	_ =	swait.ge [sflag:s7], $0x4000  }
0x56: {  	[sflag:s7] =	ssyncset.done $0x0  }
0x57: {  	s0 =	rddreg [dreg:$0xc];
	[sflag:s7] =	ssyncadd.s32 $0xFFFFC000  }
0x58: {  	[spmem:s2] =	stream.indirect.scatter.add.f32 [tilespmem:s6], [sflag:$0x1], $0x80, s0, s8, $0xb8;
	[tilespmem:$0x19400] =	vst v63  }
0x59: {  	s1 =	rddreg [dreg:$0xd]  }
0x5a: {  	[spmem:s2] =	stream.indirect.scatter.add.f32 [tilespmem:s6], [sflag:$0x2], $0x80, s1, s8, $0xb8;
	[tilespmem:$0x19400] =	vst v63  }
0x5b: {  	s0 =	rddreg [dreg:$0xe]  }
0x5c: {  	[spmem:s2] =	stream.indirect.scatter.add.f32 [tilespmem:s6], [sflag:$0x3], $0x80, s0, s8, $0xb8;
	[tilespmem:$0x19400] =	vst v63  }
0x5d: {  	s1 =	rddreg [dreg:$0xf]  }
0x5e: {  	[spmem:s2] =	stream.indirect.scatter.add.f32 [tilespmem:s6], [sflag:$0x4], $0x80, s1, s8, $0xb8;
	[tilespmem:$0x19400] =	vst v63  }
0x5f: {  	_ =	swait.ge [sflag:s9], $0x4000  }
0x60: {  	[sflag:s9] =	ssyncset.done $0x0  }
0x61: {  	[sflag:s9] =	ssyncadd.s32 $0xFFFFC000  }
0x62: {  	_ =	swait.ge [sflag:s10], $0x4000  }
0x63: {  	[sflag:s10] =	ssyncset.done $0x0  }
0x64: {  	[sflag:s10] =	ssyncadd.s32 $0xFFFFC000  }
0x65: {  	_ =	swait.ge [sflag:s11], $0x4000  }
0x66: {  	[sflag:s11] =	ssyncset.done $0x0  }
0x67: {  	[sflag:s11] =	ssyncadd.s32 $0xFFFFC000  }
0x68: {  	_ =	swait.ge [sflag:s7], $0x4000  }
0x69: {  	[sflag:s7] =	ssyncset.done $0x0  }
0x6a: {  	s0 =	rddreg [dreg:$0x10];
	[sflag:s7] =	ssyncadd.s32 $0xFFFFC000  }
0x6b: {  	[spmem:s2] =	stream.indirect.scatter.add.f32 [tilespmem:s6], [sflag:$0x1], $0x80, s0, s8, $0xb8;
	[tilespmem:$0x19400] =	vst v63  }
0x6c: {  	s1 =	rddreg [dreg:$0x11]  }
0x6d: {  	[spmem:s2] =	stream.indirect.scatter.add.f32 [tilespmem:s6], [sflag:$0x2], $0x80, s1, s8, $0xb8;
	[tilespmem:$0x19400] =	vst v63  }
0x6e: {  	s0 =	rddreg [dreg:$0x12]  }
0x6f: {  	[spmem:s2] =	stream.indirect.scatter.add.f32 [tilespmem:s6], [sflag:$0x3], $0x80, s0, s8, $0xb8;
	[tilespmem:$0x19400] =	vst v63  }
0x70: {  	s1 =	rddreg [dreg:$0x13]  }
0x71: {  	[spmem:s2] =	stream.indirect.scatter.add.f32 [tilespmem:s6], [sflag:$0x4], $0x80, s1, s8, $0xb8;
	[tilespmem:$0x19400] =	vst v63  }
0x72: {  	_ =	swait.ge [sflag:s9], $0x4000  }
0x73: {  	[sflag:s9] =	ssyncset.done $0x0  }
0x74: {  	[sflag:s9] =	ssyncadd.s32 $0xFFFFC000  }
0x75: {  	_ =	swait.ge [sflag:s10], $0x4000  }
0x76: {  	[sflag:s10] =	ssyncset.done $0x0  }
0x77: {  	[sflag:s10] =	ssyncadd.s32 $0xFFFFC000  }
0x78: {  	_ =	swait.ge [sflag:s11], $0x4000  }
0x79: {  	[sflag:s11] =	ssyncset.done $0x0  }
0x7a: {  	[sflag:s11] =	ssyncadd.s32 $0xFFFFC000  }
0x7b: {  	_ =	swait.ge [sflag:s7], $0x4000  }
0x7c: {  	[sflag:s7] =	ssyncset.done $0x0  }
0x7d: {  	s0 =	rddreg [dreg:$0x14];
	[sflag:s7] =	ssyncadd.s32 $0xFFFFC000  }
0x7e: {  	[spmem:s2] =	stream.indirect.scatter.add.f32 [tilespmem:s6], [sflag:$0x1], $0x80, s0, s8, $0xb8;
	[tilespmem:$0x19400] =	vst v63  }
0x7f: {  	s1 =	rddreg [dreg:$0x15]  }
0x80: {  	[spmem:s2] =	stream.indirect.scatter.add.f32 [tilespmem:s6], [sflag:$0x2], $0x80, s1, s8, $0xb8;
	[tilespmem:$0x19400] =	vst v63  }
0x81: {  	s0 =	rddreg [dreg:$0x16]  }
0x82: {  	[spmem:s2] =	stream.indirect.scatter.add.f32 [tilespmem:s6], [sflag:$0x3], $0x80, s0, s8, $0xb8;
	[tilespmem:$0x19400] =	vst v63  }
0x83: {  	s1 =	rddreg [dreg:$0x17]  }
0x84: {  	[spmem:s2] =	stream.indirect.scatter.add.f32 [tilespmem:s6], [sflag:$0x4], $0x80, s1, s8, $0xb8;
	[tilespmem:$0x19400] =	vst v63  }
0x85: {  	_ =	swait.ge [sflag:s9], $0x4000  }
0x86: {  	[sflag:s9] =	ssyncset.done $0x0  }
0x87: {  	[sflag:s9] =	ssyncadd.s32 $0xFFFFC000  }
0x88: {  	_ =	swait.ge [sflag:s10], $0x4000  }
0x89: {  	[sflag:s10] =	ssyncset.done $0x0  }
0x8a: {  	[sflag:s10] =	ssyncadd.s32 $0xFFFFC000  }
0x8b: {  	_ =	swait.ge [sflag:s11], $0x4000  }
0x8c: {  	[sflag:s11] =	ssyncset.done $0x0  }
0x8d: {  	[sflag:s11] =	ssyncadd.s32 $0xFFFFC000  }
0x8e: {  	_ =	swait.ge [sflag:s7], $0x4000  }
0x8f: {  	[sflag:s7] =	ssyncset.done $0x0  }
0x90: {  	s0 =	rddreg [dreg:$0x18];
	[sflag:s7] =	ssyncadd.s32 $0xFFFFC000  }
0x91: {  	[spmem:s2] =	stream.indirect.scatter.add.f32 [tilespmem:s6], [sflag:$0x1], $0x80, s0, s8, $0xb8;
	[tilespmem:$0x19400] =	vst v63  }
0x92: {  	s1 =	rddreg [dreg:$0x19]  }
0x93: {  	[spmem:s2] =	stream.indirect.scatter.add.f32 [tilespmem:s6], [sflag:$0x2], $0x80, s1, s8, $0xb8;
	[tilespmem:$0x19400] =	vst v63  }
0x94: {  	s0 =	rddreg [dreg:$0x1a]  }
0x95: {  	[spmem:s2] =	stream.indirect.scatter.add.f32 [tilespmem:s6], [sflag:$0x3], $0x80, s0, s8, $0xb8;
	[tilespmem:$0x19400] =	vst v63  }
0x96: {  	s1 =	rddreg [dreg:$0x1b]  }
0x97: {  	[spmem:s2] =	stream.indirect.scatter.add.f32 [tilespmem:s6], [sflag:$0x4], $0x80, s1, s8, $0xb8;
	[tilespmem:$0x19400] =	vst v63  }
0x98: {  	_ =	swait.ge [sflag:s9], $0x4000  }
0x99: {  	[sflag:s9] =	ssyncset.done $0x0  }
0x9a: {  	[sflag:s9] =	ssyncadd.s32 $0xFFFFC000  }
0x9b: {  	_ =	swait.ge [sflag:s10], $0x4000  }
0x9c: {  	[sflag:s10] =	ssyncset.done $0x0  }
0x9d: {  	[sflag:s10] =	ssyncadd.s32 $0xFFFFC000  }
0x9e: {  	_ =	swait.ge [sflag:s11], $0x4000  }
0x9f: {  	[sflag:s11] =	ssyncset.done $0x0  }
0xa0: {  	[sflag:s11] =	ssyncadd.s32 $0xFFFFC000  }
0xa1: {  	_ =	swait.ge [sflag:s7], $0x4000  }
0xa2: {  	[sflag:s7] =	ssyncset.done $0x0  }
0xa3: {  	s0 =	rddreg [dreg:$0x1c];
	[sflag:s7] =	ssyncadd.s32 $0xFFFFC000  }
0xa4: {  	[spmem:s2] =	stream.indirect.scatter.add.f32 [tilespmem:s6], [sflag:$0x1], $0x80, s0, s8, $0xb8;
	[tilespmem:$0x19400] =	vst v63  }
0xa5: {  	s1 =	rddreg [dreg:$0x1d]  }
0xa6: {  	[spmem:s2] =	stream.indirect.scatter.add.f32 [tilespmem:s6], [sflag:$0x2], $0x80, s1, s8, $0xb8;
	[tilespmem:$0x19400] =	vst v63  }
0xa7: {  	s0 =	rddreg [dreg:$0x1e]  }
0xa8: {  	[spmem:s2] =	stream.indirect.scatter.add.f32 [tilespmem:s6], [sflag:$0x3], $0x80, s0, s8, $0xb8;
	[tilespmem:$0x19400] =	vst v63  }
0xa9: {  	_ = 	snop  }
0xaa: {  	[spmem:s2] =	stream.indirect.scatter.add.f32 [tilespmem:s6], [sflag:$0x4], $0x80, s17, s8, $0xb8;
	[tilespmem:$0x19400] =	vst v63  }
0xab: {  	_ =	swait.ge [sflag:s9], $0x4000  }
0xac: {  	[sflag:s9] =	ssyncset.done $0x0  }
0xad: {  	[sflag:s9] =	ssyncadd.s32 $0xFFFFC000  }
0xae: {  	_ =	swait.ge [sflag:s10], $0x4000  }
0xaf: {  	[sflag:s10] =	ssyncset.done $0x0  }
0xb0: {  	[sflag:s10] =	ssyncadd.s32 $0xFFFFC000  }
0xb1: {  	_ =	swait.ge [sflag:s11], $0x4000  }
0xb2: {  	[sflag:s11] =	ssyncset.done $0x0  }
0xb3: {  	[sflag:s11] =	ssyncadd.s32 $0xFFFFC000  }
0xb4: {  	_ =	swait.ge [sflag:s7], $0x4000  }
0xb5: {  	[sflag:s7] =	ssyncset.done $0x0  }
0xb6: {  	[sflag:s7] =	ssyncadd.s32 $0xFFFFC000  }
0xb7: {  	[spmem:s2] =	stream.indirect.scatter.add.f32 [tilespmem:s6], [sflag:$0x1], $0x80, s25, s8, $0xb8;
	[tilespmem:$0x19400] =	vst v63  }
0xb8: {  	_ = 	snop  }
0xb9: {  	[spmem:s2] =	stream.indirect.scatter.add.f32 [tilespmem:s6], [sflag:$0x2], $0x80, s26, s8, $0xb8;
	[tilespmem:$0x19400] =	vst v63  }
0xba: {  	_ = 	snop  }
0xbb: {  	[spmem:s2] =	stream.indirect.scatter.add.f32 [tilespmem:s6], [sflag:$0x3], $0x80, s28, s8, $0xb8;
	[tilespmem:$0x19400] =	vst v63  }
0xbc: {  	_ = 	snop  }
0xbd: {  	[spmem:s2] =	stream.indirect.scatter.add.f32 [tilespmem:s6], [sflag:$0x4], $0x80, s29, s8, $0xb8;
	[tilespmem:$0x19400] =	vst v63  }
0xbe: {  	_ =	swait.ge [sflag:s9], $0x4000  }
0xbf: {  	[sflag:s9] =	ssyncset.done $0x0  }
0xc0: {  	[sflag:s9] =	ssyncadd.s32 $0xFFFFC000  }
0xc1: {  	_ =	swait.ge [sflag:s10], $0x4000  }
0xc2: {  	[sflag:s10] =	ssyncset.done $0x0  }
0xc3: {  	[sflag:s10] =	ssyncadd.s32 $0xFFFFC000  }
0xc4: {  	_ =	swait.ge [sflag:s11], $0x4000  }
0xc5: {  	[sflag:s11] =	ssyncset.done $0x0  }
0xc6: {  	[sflag:s11] =	ssyncadd.s32 $0xFFFFC000  }
0xc7: {  	_ =	swait.ge [sflag:s7], $0x4000  }
0xc8: {  	[sflag:s7] =	ssyncset.done $0x0  }
0xc9: {  	[sflag:s7] =	ssyncadd.s32 $0xFFFFC000  }
0xca: {  	[spmem:s2] =	stream.indirect.scatter.add.f32 [tilespmem:s6], [sflag:$0x1], $0x80, s21, s8, $0xb8;
	[tilespmem:$0x19400] =	vst v63  }
0xcb: {  	_ = 	snop  }
0xcc: {  	[spmem:s2] =	stream.indirect.scatter.add.f32 [tilespmem:s6], [sflag:$0x2], $0x80, s22, s8, $0xb8;
	[tilespmem:$0x19400] =	vst v63  }
0xcd: {  	_ = 	snop  }
0xce: {  	[spmem:s2] =	stream.indirect.scatter.add.f32 [tilespmem:s6], [sflag:$0x3], $0x80, s23, s8, $0xb8;
	[tilespmem:$0x19400] =	vst v63  }
0xcf: {  	_ = 	snop  }
0xd0: {  	[spmem:s2] =	stream.indirect.scatter.add.f32 [tilespmem:s6], [sflag:$0x4], $0x80, s24, s8, $0xb8;
	[tilespmem:$0x19400] =	vst v63  }
0xd1: {  	_ =	swait.ge [sflag:s9], $0x4000  }
0xd2: {  	[sflag:s9] =	ssyncset.done $0x0  }
0xd3: {  	[sflag:s9] =	ssyncadd.s32 $0xFFFFC000  }
0xd4: {  	_ =	swait.ge [sflag:s10], $0x4000  }
0xd5: {  	[sflag:s10] =	ssyncset.done $0x0  }
0xd6: {  	[sflag:s10] =	ssyncadd.s32 $0xFFFFC000  }
0xd7: {  	_ =	swait.ge [sflag:s11], $0x4000  }
0xd8: {  	[sflag:s11] =	ssyncset.done $0x0  }
0xd9: {  	[sflag:s11] =	ssyncadd.s32 $0xFFFFC000  }
0xda: {  	_ =	swait.ge [sflag:s7], $0x4000  }
0xdb: {  	[sflag:s7] =	ssyncset.done $0x0  }
0xdc: {  	s1 =	simm.s32 $0x1000;
	[sflag:s7] =	ssyncadd.s32 $0xFFFFC000  }
0xdd: {  	[spmem:s2] =	stream.indirect.scatter.add.f32 [tilespmem:s6], [sflag:$0x1], $0x80, s1, s8, $0xb8;
	[tilespmem:$0x19400] =	vst v63  }
0xde: {  	_ = 	snop  }
0xdf: {  	[spmem:s2] =	stream.indirect.scatter.add.f32 [tilespmem:s6], [sflag:$0x2], $0x80, s18, s8, $0xb8;
	[tilespmem:$0x19400] =	vst v63  }
0xe0: {  	_ = 	snop  }
0xe1: {  	[spmem:s2] =	stream.indirect.scatter.add.f32 [tilespmem:s6], [sflag:$0x3], $0x80, s19, s8, $0xb8;
	[tilespmem:$0x19400] =	vst v63  }
0xe2: {  	_ = 	snop  }
0xe3: {  	[spmem:s2] =	stream.indirect.scatter.add.f32 [tilespmem:s6], [sflag:$0x4], $0x80, s20, s8, $0xb8;
	[tilespmem:$0x19400] =	vst v63  }
0xe4: {  	_ =	swait.ge [sflag:s9], $0x4000  }
0xe5: {  	[sflag:s9] =	ssyncset.done $0x0  }
0xe6: {  	[sflag:s9] =	ssyncadd.s32 $0xFFFFC000  }
0xe7: {  	_ =	swait.ge [sflag:s10], $0x4000  }
0xe8: {  	[sflag:s10] =	ssyncset.done $0x0  }
0xe9: {  	[sflag:s10] =	ssyncadd.s32 $0xFFFFC000  }
0xea: {  	_ =	swait.ge [sflag:s11], $0x4000  }
0xeb: {  	[sflag:s11] =	ssyncset.done $0x0  }
0xec: {  	[sflag:s11] =	ssyncadd.s32 $0xFFFFC000  }
0xed: {  	_ =	swait.ge [sflag:s7], $0x4000  }
0xee: {  	[sflag:s7] =	ssyncset.done $0x0  }
0xef: {  	[sflag:s7] =	ssyncadd.s32 $0xFFFFC000  }
0xf0: {  	[spmem:s2] =	stream.indirect.scatter.add.f32 [tilespmem:s6], [sflag:$0x1], $0x80, s13, s8, $0xb8;
	[tilespmem:$0x19400] =	vst v63  }
0xf1: {  	_ = 	snop  }
0xf2: {  	[spmem:s2] =	stream.indirect.scatter.add.f32 [tilespmem:s6], [sflag:$0x2], $0x80, s14, s8, $0xb8;
	[tilespmem:$0x19400] =	vst v63  }
0xf3: {  	_ = 	snop  }
0xf4: {  	[spmem:s2] =	stream.indirect.scatter.add.f32 [tilespmem:s6], [sflag:$0x3], $0x80, s15, s8, $0xb8;
	[tilespmem:$0x19400] =	vst v63  }
0xf5: {  	_ = 	snop  }
0xf6: {  	[spmem:s2] =	stream.indirect.scatter.add.f32 [tilespmem:s6], [sflag:$0x4], $0x80, s16, s8, $0xb8;
	[tilespmem:$0x19400] =	vst v63  }
0xf7: {  	_ =	swait.ge [sflag:s9], $0x4000  }
0xf8: {  	[sflag:s9] =	ssyncset.done $0x0  }
0xf9: {  	[sflag:s9] =	ssyncadd.s32 $0xFFFFC000  }
0xfa: {  	_ =	swait.ge [sflag:s10], $0x4000  }
0xfb: {  	[sflag:s10] =	ssyncset.done $0x0  }
0xfc: {  	[sflag:s10] =	ssyncadd.s32 $0xFFFFC000  }
0xfd: {  	_ =	swait.ge [sflag:s11], $0x4000  }
0xfe: {  	[sflag:s11] =	ssyncset.done $0x0  }
0xff: {  	[sflag:s11] =	ssyncadd.s32 $0xFFFFC000  }
0x100: {  	_ =	swait.ge [sflag:s7], $0x4000  }
0x101: {  	[sflag:s7] =	ssyncset.done $0x0  }
0x102: {  	p1 =	sne.s32 s12, $0x1;
	[sflag:s7] =	ssyncadd.s32 $0xFFFFC000  }
.Ltmp1:
0x103: {  	[bflag:$0x0] =	sbarrier.arrive $0xFFFF;
	(pc) =	sbr.rel @!p1 .LBB2_3-.Ltmp1, $4  }
0x104: {  	s1 =	rddreg [dreg:$0x5]  }
0x105: {  	[hbm:s1], [sflag:s4] =	dma.local [spmem:s5], $0x2800  }
0x106: {  	p0 =	por $0x1, $0x1;
	_ =	swait.ge [sflag:s3], $0x2800  }
0x107: {  	s1 =	sadd.s32 $0xFFFFFFFF, s12;
	s0 =	rddreg [dreg:$0x4];
	[sflag:s3] =	ssyncset.done $0x0  }
.LBB2_4:
0x108: {  	[sflag:s3] =	ssyncadd.s32 $0xFFFFD800  }
0x109: {  	[tilespmem:s30], [sflag:$0x5] =	stream.linear.gather [hbm4b:s0+s30], $0x1400, $0x38;
	[tilespmem:$0x19400] =	vst v63  }
0x10a: {  	_ =	swait.ge [sflag:s3], $0x1400  }
0x10b: {  	[sflag:s3] =	ssyncset.done $0x0  }
0x10c: {  	s12 =	rddreg [dreg:$0x3];
	[sflag:s3] =	ssyncadd.s32 $0xFFFFEC00  }
0x10d: {  	[tilespmem:s6], [sflag:$0x5] =	stream.linear.gather [hbm4b:s12+s30], $0x4000, $0x38;
	[tilespmem:$0x19400] =	vst v63  }
0x10e: {  	_ =	swait.ge [sflag:s3], $0x4000  }
0x10f: {  	[sflag:s3] =	ssyncset.done $0x0  }
0x110: {  	[sflag:s3] =	ssyncadd.s32 $0xFFFFC000  }
0x111: {  	[spmem:s5], [sflag:s4] =	dma.local [hbm:s31], $0x800  }
0x112: {  	_ =	swait.ge [sflag:s3], $0x800  }
0x113: {  	[sflag:s3] =	ssyncset.done $0x0  }
0x114: {  	s12 =	rddreg [dreg:$0x6];
	[sflag:s3] =	ssyncadd.s32 $0xFFFFF800  }
0x115: {  	[spmem:s12], [sflag:s4] =	dma.local [hbm:s31], $0x800  }
0x116: {  	_ =	swait.ge [sflag:s3], $0x800  }
0x117: {  	[sflag:s3] =	ssyncset.done $0x0  }
0x118: {  	s12 =	rddreg [dreg:$0x7];
	[sflag:s3] =	ssyncadd.s32 $0xFFFFF800  }
0x119: {  	[spmem:s12], [sflag:s4] =	dma.local [hbm:s31], $0x800  }
0x11a: {  	_ =	swait.ge [sflag:s3], $0x800  }
0x11b: {  	[sflag:s3] =	ssyncset.done $0x0  }
0x11c: {  	s12 =	rddreg [dreg:$0x8];
	[sflag:s3] =	ssyncadd.s32 $0xFFFFF800  }
0x11d: {  	[spmem:s12], [sflag:s4] =	dma.local [hbm:s31], $0x800  }
0x11e: {  	_ =	swait.ge [sflag:s3], $0x800  }
0x11f: {  	[sflag:s3] =	ssyncset.done $0x0  }
0x120: {  	s12 =	rddreg [dreg:$0x9];
	[sflag:s3] =	ssyncadd.s32 $0xFFFFF800  }
0x121: {  	[spmem:s12], [sflag:s4] =	dma.local [hbm:s31], $0x800  }
0x122: {  	_ =	swait.ge [sflag:s3], $0x800  }
0x123: {  	[sflag:s3] =	ssyncset.done $0x0  }
0x124: {  	[sflag:s3] =	ssyncadd.s32 $0xFFFFF800  }
0x125: {  	[bflag:$0x0] =	sbarrier.arrive $0xFFFF  }
0x126: {  	[spmem:s2] =	stream.indirect.scatter.add.f32 [tilespmem:s6], [sflag:$0x1], $0x80, s30, s8, $0xb8;
	[tilespmem:$0x19400] =	vst v63  }
0x127: {  	_ = 	snop  }
0x128: {  	[spmem:s2] =	stream.indirect.scatter.add.f32 [tilespmem:s6], [sflag:$0x2], $0x80, s8, s8, $0xb8;
	[tilespmem:$0x19400] =	vst v63  }
0x129: {  	s0 =	rddreg [dreg:$0xa]  }
0x12a: {  	[spmem:s2] =	stream.indirect.scatter.add.f32 [tilespmem:s6], [sflag:$0x3], $0x80, s0, s8, $0xb8;
	[tilespmem:$0x19400] =	vst v63  }
0x12b: {  	s12 =	rddreg [dreg:$0xb]  }
0x12c: {  	[spmem:s2] =	stream.indirect.scatter.add.f32 [tilespmem:s6], [sflag:$0x4], $0x80, s12, s8, $0xb8;
	[tilespmem:$0x19400] =	vst v63  }
0x12d: {  	_ =	swait.ge [sflag:s9], $0x4000  }
0x12e: {  	[sflag:s9] =	ssyncset.done $0x0  }
0x12f: {  	[sflag:s9] =	ssyncadd.s32 $0xFFFFC000  }
0x130: {  	_ =	swait.ge [sflag:s10], $0x4000  }
0x131: {  	[sflag:s10] =	ssyncset.done $0x0  }
0x132: {  	[sflag:s10] =	ssyncadd.s32 $0xFFFFC000  }
0x133: {  	_ =	swait.ge [sflag:s11], $0x4000  }
0x134: {  	[sflag:s11] =	ssyncset.done $0x0  }
0x135: {  	[sflag:s11] =	ssyncadd.s32 $0xFFFFC000  }
0x136: {  	_ =	swait.ge [sflag:s7], $0x4000  }
0x137: {  	[sflag:s7] =	ssyncset.done $0x0  }
0x138: {  	s0 =	rddreg [dreg:$0xc];
	[sflag:s7] =	ssyncadd.s32 $0xFFFFC000  }
0x139: {  	[spmem:s2] =	stream.indirect.scatter.add.f32 [tilespmem:s6], [sflag:$0x1], $0x80, s0, s8, $0xb8;
	[tilespmem:$0x19400] =	vst v63  }
0x13a: {  	s12 =	rddreg [dreg:$0xd]  }
0x13b: {  	[spmem:s2] =	stream.indirect.scatter.add.f32 [tilespmem:s6], [sflag:$0x2], $0x80, s12, s8, $0xb8;
	[tilespmem:$0x19400] =	vst v63  }
0x13c: {  	s0 =	rddreg [dreg:$0xe]  }
0x13d: {  	[spmem:s2] =	stream.indirect.scatter.add.f32 [tilespmem:s6], [sflag:$0x3], $0x80, s0, s8, $0xb8;
	[tilespmem:$0x19400] =	vst v63  }
0x13e: {  	s12 =	rddreg [dreg:$0xf]  }
0x13f: {  	[spmem:s2] =	stream.indirect.scatter.add.f32 [tilespmem:s6], [sflag:$0x4], $0x80, s12, s8, $0xb8;
	[tilespmem:$0x19400] =	vst v63  }
0x140: {  	_ =	swait.ge [sflag:s9], $0x4000  }
0x141: {  	[sflag:s9] =	ssyncset.done $0x0  }
0x142: {  	[sflag:s9] =	ssyncadd.s32 $0xFFFFC000  }
0x143: {  	_ =	swait.ge [sflag:s10], $0x4000  }
0x144: {  	[sflag:s10] =	ssyncset.done $0x0  }
0x145: {  	[sflag:s10] =	ssyncadd.s32 $0xFFFFC000  }
0x146: {  	_ =	swait.ge [sflag:s11], $0x4000  }
0x147: {  	[sflag:s11] =	ssyncset.done $0x0  }
0x148: {  	[sflag:s11] =	ssyncadd.s32 $0xFFFFC000  }
0x149: {  	_ =	swait.ge [sflag:s7], $0x4000  }
0x14a: {  	[sflag:s7] =	ssyncset.done $0x0  }
0x14b: {  	s0 =	rddreg [dreg:$0x10];
	[sflag:s7] =	ssyncadd.s32 $0xFFFFC000  }
0x14c: {  	[spmem:s2] =	stream.indirect.scatter.add.f32 [tilespmem:s6], [sflag:$0x1], $0x80, s0, s8, $0xb8;
	[tilespmem:$0x19400] =	vst v63  }
0x14d: {  	s12 =	rddreg [dreg:$0x11]  }
0x14e: {  	[spmem:s2] =	stream.indirect.scatter.add.f32 [tilespmem:s6], [sflag:$0x2], $0x80, s12, s8, $0xb8;
	[tilespmem:$0x19400] =	vst v63  }
0x14f: {  	s0 =	rddreg [dreg:$0x12]  }
0x150: {  	[spmem:s2] =	stream.indirect.scatter.add.f32 [tilespmem:s6], [sflag:$0x3], $0x80, s0, s8, $0xb8;
	[tilespmem:$0x19400] =	vst v63  }
0x151: {  	s12 =	rddreg [dreg:$0x13]  }
0x152: {  	[spmem:s2] =	stream.indirect.scatter.add.f32 [tilespmem:s6], [sflag:$0x4], $0x80, s12, s8, $0xb8;
	[tilespmem:$0x19400] =	vst v63  }
0x153: {  	_ =	swait.ge [sflag:s9], $0x4000  }
0x154: {  	[sflag:s9] =	ssyncset.done $0x0  }
0x155: {  	[sflag:s9] =	ssyncadd.s32 $0xFFFFC000  }
0x156: {  	_ =	swait.ge [sflag:s10], $0x4000  }
0x157: {  	[sflag:s10] =	ssyncset.done $0x0  }
0x158: {  	[sflag:s10] =	ssyncadd.s32 $0xFFFFC000  }
0x159: {  	_ =	swait.ge [sflag:s11], $0x4000  }
0x15a: {  	[sflag:s11] =	ssyncset.done $0x0  }
0x15b: {  	[sflag:s11] =	ssyncadd.s32 $0xFFFFC000  }
0x15c: {  	_ =	swait.ge [sflag:s7], $0x4000  }
0x15d: {  	[sflag:s7] =	ssyncset.done $0x0  }
0x15e: {  	s0 =	rddreg [dreg:$0x14];
	[sflag:s7] =	ssyncadd.s32 $0xFFFFC000  }
0x15f: {  	[spmem:s2] =	stream.indirect.scatter.add.f32 [tilespmem:s6], [sflag:$0x1], $0x80, s0, s8, $0xb8;
	[tilespmem:$0x19400] =	vst v63  }
0x160: {  	s12 =	rddreg [dreg:$0x15]  }
0x161: {  	[spmem:s2] =	stream.indirect.scatter.add.f32 [tilespmem:s6], [sflag:$0x2], $0x80, s12, s8, $0xb8;
	[tilespmem:$0x19400] =	vst v63  }
0x162: {  	s0 =	rddreg [dreg:$0x16]  }
0x163: {  	[spmem:s2] =	stream.indirect.scatter.add.f32 [tilespmem:s6], [sflag:$0x3], $0x80, s0, s8, $0xb8;
	[tilespmem:$0x19400] =	vst v63  }
0x164: {  	s12 =	rddreg [dreg:$0x17]  }
0x165: {  	[spmem:s2] =	stream.indirect.scatter.add.f32 [tilespmem:s6], [sflag:$0x4], $0x80, s12, s8, $0xb8;
	[tilespmem:$0x19400] =	vst v63  }
0x166: {  	_ =	swait.ge [sflag:s9], $0x4000  }
0x167: {  	[sflag:s9] =	ssyncset.done $0x0  }
0x168: {  	[sflag:s9] =	ssyncadd.s32 $0xFFFFC000  }
0x169: {  	_ =	swait.ge [sflag:s10], $0x4000  }
0x16a: {  	[sflag:s10] =	ssyncset.done $0x0  }
0x16b: {  	[sflag:s10] =	ssyncadd.s32 $0xFFFFC000  }
0x16c: {  	_ =	swait.ge [sflag:s11], $0x4000  }
0x16d: {  	[sflag:s11] =	ssyncset.done $0x0  }
0x16e: {  	[sflag:s11] =	ssyncadd.s32 $0xFFFFC000  }
0x16f: {  	_ =	swait.ge [sflag:s7], $0x4000  }
0x170: {  	[sflag:s7] =	ssyncset.done $0x0  }
0x171: {  	s0 =	rddreg [dreg:$0x18];
	[sflag:s7] =	ssyncadd.s32 $0xFFFFC000  }
0x172: {  	[spmem:s2] =	stream.indirect.scatter.add.f32 [tilespmem:s6], [sflag:$0x1], $0x80, s0, s8, $0xb8;
	[tilespmem:$0x19400] =	vst v63  }
0x173: {  	s12 =	rddreg [dreg:$0x19]  }
0x174: {  	[spmem:s2] =	stream.indirect.scatter.add.f32 [tilespmem:s6], [sflag:$0x2], $0x80, s12, s8, $0xb8;
	[tilespmem:$0x19400] =	vst v63  }
0x175: {  	s0 =	rddreg [dreg:$0x1a]  }
0x176: {  	[spmem:s2] =	stream.indirect.scatter.add.f32 [tilespmem:s6], [sflag:$0x3], $0x80, s0, s8, $0xb8;
	[tilespmem:$0x19400] =	vst v63  }
0x177: {  	s12 =	rddreg [dreg:$0x1b]  }
0x178: {  	[spmem:s2] =	stream.indirect.scatter.add.f32 [tilespmem:s6], [sflag:$0x4], $0x80, s12, s8, $0xb8;
	[tilespmem:$0x19400] =	vst v63  }
0x179: {  	_ =	swait.ge [sflag:s9], $0x4000  }
0x17a: {  	[sflag:s9] =	ssyncset.done $0x0  }
0x17b: {  	[sflag:s9] =	ssyncadd.s32 $0xFFFFC000  }
0x17c: {  	_ =	swait.ge [sflag:s10], $0x4000  }
0x17d: {  	[sflag:s10] =	ssyncset.done $0x0  }
0x17e: {  	[sflag:s10] =	ssyncadd.s32 $0xFFFFC000  }
0x17f: {  	_ =	swait.ge [sflag:s11], $0x4000  }
0x180: {  	[sflag:s11] =	ssyncset.done $0x0  }
0x181: {  	[sflag:s11] =	ssyncadd.s32 $0xFFFFC000  }
0x182: {  	_ =	swait.ge [sflag:s7], $0x4000  }
0x183: {  	[sflag:s7] =	ssyncset.done $0x0  }
0x184: {  	s0 =	rddreg [dreg:$0x1c];
	[sflag:s7] =	ssyncadd.s32 $0xFFFFC000  }
0x185: {  	[spmem:s2] =	stream.indirect.scatter.add.f32 [tilespmem:s6], [sflag:$0x1], $0x80, s0, s8, $0xb8;
	[tilespmem:$0x19400] =	vst v63  }
0x186: {  	s12 =	rddreg [dreg:$0x1d]  }
0x187: {  	[spmem:s2] =	stream.indirect.scatter.add.f32 [tilespmem:s6], [sflag:$0x2], $0x80, s12, s8, $0xb8;
	[tilespmem:$0x19400] =	vst v63  }
0x188: {  	s0 =	rddreg [dreg:$0x1e]  }
0x189: {  	[spmem:s2] =	stream.indirect.scatter.add.f32 [tilespmem:s6], [sflag:$0x3], $0x80, s0, s8, $0xb8;
	[tilespmem:$0x19400] =	vst v63  }
0x18a: {  	_ = 	snop  }
0x18b: {  	[spmem:s2] =	stream.indirect.scatter.add.f32 [tilespmem:s6], [sflag:$0x4], $0x80, s17, s8, $0xb8;
	[tilespmem:$0x19400] =	vst v63  }
0x18c: {  	_ =	swait.ge [sflag:s9], $0x4000  }
0x18d: {  	[sflag:s9] =	ssyncset.done $0x0  }
0x18e: {  	[sflag:s9] =	ssyncadd.s32 $0xFFFFC000  }
0x18f: {  	_ =	swait.ge [sflag:s10], $0x4000  }
0x190: {  	[sflag:s10] =	ssyncset.done $0x0  }
0x191: {  	[sflag:s10] =	ssyncadd.s32 $0xFFFFC000  }
0x192: {  	_ =	swait.ge [sflag:s11], $0x4000  }
0x193: {  	[sflag:s11] =	ssyncset.done $0x0  }
0x194: {  	[sflag:s11] =	ssyncadd.s32 $0xFFFFC000  }
0x195: {  	_ =	swait.ge [sflag:s7], $0x4000  }
0x196: {  	[sflag:s7] =	ssyncset.done $0x0  }
0x197: {  	[sflag:s7] =	ssyncadd.s32 $0xFFFFC000  }
0x198: {  	[spmem:s2] =	stream.indirect.scatter.add.f32 [tilespmem:s6], [sflag:$0x1], $0x80, s25, s8, $0xb8;
	[tilespmem:$0x19400] =	vst v63  }
0x199: {  	_ = 	snop  }
0x19a: {  	[spmem:s2] =	stream.indirect.scatter.add.f32 [tilespmem:s6], [sflag:$0x2], $0x80, s26, s8, $0xb8;
	[tilespmem:$0x19400] =	vst v63  }
0x19b: {  	_ = 	snop  }
0x19c: {  	[spmem:s2] =	stream.indirect.scatter.add.f32 [tilespmem:s6], [sflag:$0x3], $0x80, s28, s8, $0xb8;
	[tilespmem:$0x19400] =	vst v63  }
0x19d: {  	_ = 	snop  }
0x19e: {  	[spmem:s2] =	stream.indirect.scatter.add.f32 [tilespmem:s6], [sflag:$0x4], $0x80, s29, s8, $0xb8;
	[tilespmem:$0x19400] =	vst v63  }
0x19f: {  	_ =	swait.ge [sflag:s9], $0x4000  }
0x1a0: {  	[sflag:s9] =	ssyncset.done $0x0  }
0x1a1: {  	[sflag:s9] =	ssyncadd.s32 $0xFFFFC000  }
0x1a2: {  	_ =	swait.ge [sflag:s10], $0x4000  }
0x1a3: {  	[sflag:s10] =	ssyncset.done $0x0  }
0x1a4: {  	[sflag:s10] =	ssyncadd.s32 $0xFFFFC000  }
0x1a5: {  	_ =	swait.ge [sflag:s11], $0x4000  }
0x1a6: {  	[sflag:s11] =	ssyncset.done $0x0  }
0x1a7: {  	[sflag:s11] =	ssyncadd.s32 $0xFFFFC000  }
0x1a8: {  	_ =	swait.ge [sflag:s7], $0x4000  }
0x1a9: {  	[sflag:s7] =	ssyncset.done $0x0  }
0x1aa: {  	[sflag:s7] =	ssyncadd.s32 $0xFFFFC000  }
0x1ab: {  	[spmem:s2] =	stream.indirect.scatter.add.f32 [tilespmem:s6], [sflag:$0x1], $0x80, s21, s8, $0xb8;
	[tilespmem:$0x19400] =	vst v63  }
0x1ac: {  	_ = 	snop  }
0x1ad: {  	[spmem:s2] =	stream.indirect.scatter.add.f32 [tilespmem:s6], [sflag:$0x2], $0x80, s22, s8, $0xb8;
	[tilespmem:$0x19400] =	vst v63  }
0x1ae: {  	_ = 	snop  }
0x1af: {  	[spmem:s2] =	stream.indirect.scatter.add.f32 [tilespmem:s6], [sflag:$0x3], $0x80, s23, s8, $0xb8;
	[tilespmem:$0x19400] =	vst v63  }
0x1b0: {  	_ = 	snop  }
0x1b1: {  	[spmem:s2] =	stream.indirect.scatter.add.f32 [tilespmem:s6], [sflag:$0x4], $0x80, s24, s8, $0xb8;
	[tilespmem:$0x19400] =	vst v63  }
0x1b2: {  	_ =	swait.ge [sflag:s9], $0x4000  }
0x1b3: {  	[sflag:s9] =	ssyncset.done $0x0  }
0x1b4: {  	[sflag:s9] =	ssyncadd.s32 $0xFFFFC000  }
0x1b5: {  	_ =	swait.ge [sflag:s10], $0x4000  }
0x1b6: {  	[sflag:s10] =	ssyncset.done $0x0  }
0x1b7: {  	[sflag:s10] =	ssyncadd.s32 $0xFFFFC000  }
0x1b8: {  	_ =	swait.ge [sflag:s11], $0x4000  }
0x1b9: {  	[sflag:s11] =	ssyncset.done $0x0  }
0x1ba: {  	[sflag:s11] =	ssyncadd.s32 $0xFFFFC000  }
0x1bb: {  	_ =	swait.ge [sflag:s7], $0x4000  }
0x1bc: {  	[sflag:s7] =	ssyncset.done $0x0  }
0x1bd: {  	s12 =	simm.s32 $0x1000;
	[sflag:s7] =	ssyncadd.s32 $0xFFFFC000  }
0x1be: {  	[spmem:s2] =	stream.indirect.scatter.add.f32 [tilespmem:s6], [sflag:$0x1], $0x80, s12, s8, $0xb8;
	[tilespmem:$0x19400] =	vst v63  }
0x1bf: {  	_ = 	snop  }
0x1c0: {  	[spmem:s2] =	stream.indirect.scatter.add.f32 [tilespmem:s6], [sflag:$0x2], $0x80, s18, s8, $0xb8;
	[tilespmem:$0x19400] =	vst v63  }
0x1c1: {  	_ = 	snop  }
0x1c2: {  	[spmem:s2] =	stream.indirect.scatter.add.f32 [tilespmem:s6], [sflag:$0x3], $0x80, s19, s8, $0xb8;
	[tilespmem:$0x19400] =	vst v63  }
0x1c3: {  	_ = 	snop  }
0x1c4: {  	[spmem:s2] =	stream.indirect.scatter.add.f32 [tilespmem:s6], [sflag:$0x4], $0x80, s20, s8, $0xb8;
	[tilespmem:$0x19400] =	vst v63  }
0x1c5: {  	_ =	swait.ge [sflag:s9], $0x4000  }
0x1c6: {  	[sflag:s9] =	ssyncset.done $0x0  }
0x1c7: {  	[sflag:s9] =	ssyncadd.s32 $0xFFFFC000  }
0x1c8: {  	_ =	swait.ge [sflag:s10], $0x4000  }
0x1c9: {  	[sflag:s10] =	ssyncset.done $0x0  }
0x1ca: {  	[sflag:s10] =	ssyncadd.s32 $0xFFFFC000  }
0x1cb: {  	_ =	swait.ge [sflag:s11], $0x4000  }
0x1cc: {  	[sflag:s11] =	ssyncset.done $0x0  }
0x1cd: {  	[sflag:s11] =	ssyncadd.s32 $0xFFFFC000  }
0x1ce: {  	_ =	swait.ge [sflag:s7], $0x4000  }
0x1cf: {  	[sflag:s7] =	ssyncset.done $0x0  }
0x1d0: {  	[sflag:s7] =	ssyncadd.s32 $0xFFFFC000  }
0x1d1: {  	[spmem:s2] =	stream.indirect.scatter.add.f32 [tilespmem:s6], [sflag:$0x1], $0x80, s13, s8, $0xb8;
	[tilespmem:$0x19400] =	vst v63  }
0x1d2: {  	_ = 	snop  }
0x1d3: {  	[spmem:s2] =	stream.indirect.scatter.add.f32 [tilespmem:s6], [sflag:$0x2], $0x80, s14, s8, $0xb8;
	[tilespmem:$0x19400] =	vst v63  }
0x1d4: {  	_ = 	snop  }
0x1d5: {  	[spmem:s2] =	stream.indirect.scatter.add.f32 [tilespmem:s6], [sflag:$0x3], $0x80, s15, s8, $0xb8;
	[tilespmem:$0x19400] =	vst v63  }
0x1d6: {  	_ = 	snop  }
0x1d7: {  	[spmem:s2] =	stream.indirect.scatter.add.f32 [tilespmem:s6], [sflag:$0x4], $0x80, s16, s8, $0xb8;
	[tilespmem:$0x19400] =	vst v63  }
0x1d8: {  	_ =	swait.ge [sflag:s9], $0x4000  }
0x1d9: {  	[sflag:s9] =	ssyncset.done $0x0  }
0x1da: {  	[sflag:s9] =	ssyncadd.s32 $0xFFFFC000  }
0x1db: {  	_ =	swait.ge [sflag:s10], $0x4000  }
0x1dc: {  	[sflag:s10] =	ssyncset.done $0x0  }
0x1dd: {  	[sflag:s10] =	ssyncadd.s32 $0xFFFFC000  }
0x1de: {  	_ =	swait.ge [sflag:s11], $0x4000  }
0x1df: {  	[sflag:s11] =	ssyncset.done $0x0  }
0x1e0: {  	[sflag:s11] =	ssyncadd.s32 $0xFFFFC000  }
0x1e1: {  	_ =	swait.ge [sflag:s7], $0x4000  }
0x1e2: {  	[sflag:s7] =	ssyncset.done $0x0  }
0x1e3: {  	p1 =	sne.s32 s1, $0x1;
	[sflag:s7] =	ssyncadd.s32 $0xFFFFC000  }
.Ltmp2:
0x1e4: {  	[bflag:$0x0] =	sbarrier.arrive $0xFFFF;
	(pc) =	sbr.rel @p1 .LBB2_4-.Ltmp2, $4  }
0x1e5: {  	s12 =	rddreg [dreg:$0x5]  }
0x1e6: {  	[hbm:s12], [sflag:s4] =	dma.local [spmem:s5], $0x2800  }
0x1e7: {  	_ =	swait.ge [sflag:s3], $0x2800  }
0x1e8: {  	s1 =	sadd.s32 $0xFFFFFFFF, s1;
	s0 =	rddreg [dreg:$0x4];
	[sflag:s3] =	ssyncset.done $0x0  }
0x1e9: {  	s16 =	simm.s32 $0xB80;
	s29 =	simm.s32 $0xD80  }
0x1ea: {  	s28 =	simm.s32 $0xD00;
	s26 =	simm.s32 $0xC80;
	s25 =	simm.s32 $0xC00  }
0x1eb: {  	s24 =	simm.s32 $0xF80;
	s23 =	simm.s32 $0xF00;
	s22 =	simm.s32 $0xE80  }
0x1ec: {  	s21 =	simm.s32 $0xE00;
	s20 =	simm.s32 $0x1180;
	s19 =	simm.s32 $0x1100  }
0x1ed: {  	s18 =	simm.s32 $0x1080;
	s17 =	simm.s32 $0x1000;
	s15 =	simm.s32 $0x1300  }
0x1ee: {  	s14 =	simm.s32 $0x1280;
	s13 =	simm.s32 $0x1200;
	s12 =	stileid.u32  }
.LBB2_6:
0x1ef: {  	[sflag:s3] =	ssyncadd.s32 @p0 $0xFFFFD800  }
0x1f0: {  	[tilespmem:s30], [sflag:$0x5] =	stream.linear.gather [hbm4b:s0+s30], $0x1400, $0x38;
	[tilespmem:$0x19400] =	vst v63  }
0x1f1: {  	_ =	swait.ge [sflag:s3], $0x1400  }
0x1f2: {  	[sflag:s3] =	ssyncset.done $0x0  }
0x1f3: {  	s1 =	rddreg [dreg:$0x3];
	[sflag:s3] =	ssyncadd.s32 $0xFFFFEC00  }
0x1f4: {  	[tilespmem:s6], [sflag:$0x5] =	stream.linear.gather [hbm4b:s1+s30], $0x4000, $0x38;
	[tilespmem:$0x19400] =	vst v63  }
0x1f5: {  	_ =	swait.ge [sflag:s3], $0x4000  }
0x1f6: {  	[sflag:s3] =	ssyncset.done $0x0  }
0x1f7: {  	[sflag:s3] =	ssyncadd.s32 $0xFFFFC000  }
0x1f8: {  	[spmem:s5], [sflag:s4] =	dma.local [hbm:s31], $0x800  }
0x1f9: {  	_ =	swait.ge [sflag:s3], $0x800  }
0x1fa: {  	[sflag:s3] =	ssyncset.done $0x0  }
0x1fb: {  	s1 =	rddreg [dreg:$0x6];
	[sflag:s3] =	ssyncadd.s32 $0xFFFFF800  }
0x1fc: {  	[spmem:s1], [sflag:s4] =	dma.local [hbm:s31], $0x800  }
0x1fd: {  	_ =	swait.ge [sflag:s3], $0x800  }
0x1fe: {  	[sflag:s3] =	ssyncset.done $0x0  }
0x1ff: {  	s1 =	rddreg [dreg:$0x7];
	[sflag:s3] =	ssyncadd.s32 $0xFFFFF800  }
0x200: {  	[spmem:s1], [sflag:s4] =	dma.local [hbm:s31], $0x800  }
0x201: {  	_ =	swait.ge [sflag:s3], $0x800  }
0x202: {  	[sflag:s3] =	ssyncset.done $0x0  }
0x203: {  	s1 =	rddreg [dreg:$0x8];
	[sflag:s3] =	ssyncadd.s32 $0xFFFFF800  }
0x204: {  	[spmem:s1], [sflag:s4] =	dma.local [hbm:s31], $0x800  }
0x205: {  	_ =	swait.ge [sflag:s3], $0x800  }
0x206: {  	[sflag:s3] =	ssyncset.done $0x0  }
0x207: {  	s1 =	rddreg [dreg:$0x9];
	[sflag:s3] =	ssyncadd.s32 $0xFFFFF800  }
0x208: {  	[spmem:s1], [sflag:s4] =	dma.local [hbm:s31], $0x800  }
0x209: {  	_ =	swait.ge [sflag:s3], $0x800  }
0x20a: {  	[sflag:s3] =	ssyncset.done $0x0  }
0x20b: {  	[sflag:s3] =	ssyncadd.s32 $0xFFFFF800  }
0x20c: {  	[bflag:$0x0] =	sbarrier.arrive $0xFFFF  }
0x20d: {  	[spmem:s2] =	stream.indirect.scatter.add.f32 [tilespmem:s6], [sflag:$0x1], $0x80, s30, s8, $0xb8;
	[tilespmem:$0x19400] =	vst v63  }
0x20e: {  	_ = 	snop  }
0x20f: {  	[spmem:s2] =	stream.indirect.scatter.add.f32 [tilespmem:s6], [sflag:$0x2], $0x80, s8, s8, $0xb8;
	[tilespmem:$0x19400] =	vst v63  }
0x210: {  	s31 =	rddreg [dreg:$0xa]  }
0x211: {  	[spmem:s2] =	stream.indirect.scatter.add.f32 [tilespmem:s6], [sflag:$0x3], $0x80, s31, s8, $0xb8;
	[tilespmem:$0x19400] =	vst v63  }
0x212: {  	s1 =	rddreg [dreg:$0xb]  }
0x213: {  	[spmem:s2] =	stream.indirect.scatter.add.f32 [tilespmem:s6], [sflag:$0x4], $0x80, s1, s8, $0xb8;
	[tilespmem:$0x19400] =	vst v63  }
0x214: {  	_ =	swait.ge [sflag:s9], $0x4000  }
0x215: {  	[sflag:s9] =	ssyncset.done $0x0  }
0x216: {  	[sflag:s9] =	ssyncadd.s32 $0xFFFFC000  }
0x217: {  	_ =	swait.ge [sflag:s10], $0x4000  }
0x218: {  	[sflag:s10] =	ssyncset.done $0x0  }
0x219: {  	[sflag:s10] =	ssyncadd.s32 $0xFFFFC000  }
0x21a: {  	_ =	swait.ge [sflag:s11], $0x4000  }
0x21b: {  	[sflag:s11] =	ssyncset.done $0x0  }
0x21c: {  	[sflag:s11] =	ssyncadd.s32 $0xFFFFC000  }
0x21d: {  	_ =	swait.ge [sflag:s7], $0x4000  }
0x21e: {  	[sflag:s7] =	ssyncset.done $0x0  }
0x21f: {  	s30 =	rddreg [dreg:$0xc];
	[sflag:s7] =	ssyncadd.s32 $0xFFFFC000  }
0x220: {  	[spmem:s2] =	stream.indirect.scatter.add.f32 [tilespmem:s6], [sflag:$0x1], $0x80, s30, s8, $0xb8;
	[tilespmem:$0x19400] =	vst v63  }
0x221: {  	s31 =	rddreg [dreg:$0xd]  }
0x222: {  	[spmem:s2] =	stream.indirect.scatter.add.f32 [tilespmem:s6], [sflag:$0x2], $0x80, s31, s8, $0xb8;
	[tilespmem:$0x19400] =	vst v63  }
0x223: {  	s30 =	rddreg [dreg:$0xe]  }
0x224: {  	[spmem:s2] =	stream.indirect.scatter.add.f32 [tilespmem:s6], [sflag:$0x3], $0x80, s30, s8, $0xb8;
	[tilespmem:$0x19400] =	vst v63  }
0x225: {  	s31 =	rddreg [dreg:$0xf]  }
0x226: {  	[spmem:s2] =	stream.indirect.scatter.add.f32 [tilespmem:s6], [sflag:$0x4], $0x80, s31, s8, $0xb8;
	[tilespmem:$0x19400] =	vst v63  }
0x227: {  	_ =	swait.ge [sflag:s9], $0x4000  }
0x228: {  	[sflag:s9] =	ssyncset.done $0x0  }
0x229: {  	[sflag:s9] =	ssyncadd.s32 $0xFFFFC000  }
0x22a: {  	_ =	swait.ge [sflag:s10], $0x4000  }
0x22b: {  	[sflag:s10] =	ssyncset.done $0x0  }
0x22c: {  	[sflag:s10] =	ssyncadd.s32 $0xFFFFC000  }
0x22d: {  	_ =	swait.ge [sflag:s11], $0x4000  }
0x22e: {  	[sflag:s11] =	ssyncset.done $0x0  }
0x22f: {  	[sflag:s11] =	ssyncadd.s32 $0xFFFFC000  }
0x230: {  	_ =	swait.ge [sflag:s7], $0x4000  }
0x231: {  	[sflag:s7] =	ssyncset.done $0x0  }
0x232: {  	s30 =	rddreg [dreg:$0x10];
	[sflag:s7] =	ssyncadd.s32 $0xFFFFC000  }
0x233: {  	[spmem:s2] =	stream.indirect.scatter.add.f32 [tilespmem:s6], [sflag:$0x1], $0x80, s30, s8, $0xb8;
	[tilespmem:$0x19400] =	vst v63  }
0x234: {  	s31 =	rddreg [dreg:$0x11]  }
0x235: {  	[spmem:s2] =	stream.indirect.scatter.add.f32 [tilespmem:s6], [sflag:$0x2], $0x80, s31, s8, $0xb8;
	[tilespmem:$0x19400] =	vst v63  }
0x236: {  	s30 =	rddreg [dreg:$0x12]  }
0x237: {  	[spmem:s2] =	stream.indirect.scatter.add.f32 [tilespmem:s6], [sflag:$0x3], $0x80, s30, s8, $0xb8;
	[tilespmem:$0x19400] =	vst v63  }
0x238: {  	s31 =	rddreg [dreg:$0x13]  }
0x239: {  	[spmem:s2] =	stream.indirect.scatter.add.f32 [tilespmem:s6], [sflag:$0x4], $0x80, s31, s8, $0xb8;
	[tilespmem:$0x19400] =	vst v63  }
0x23a: {  	_ =	swait.ge [sflag:s9], $0x4000  }
0x23b: {  	[sflag:s9] =	ssyncset.done $0x0  }
0x23c: {  	[sflag:s9] =	ssyncadd.s32 $0xFFFFC000  }
0x23d: {  	_ =	swait.ge [sflag:s10], $0x4000  }
0x23e: {  	[sflag:s10] =	ssyncset.done $0x0  }
0x23f: {  	[sflag:s10] =	ssyncadd.s32 $0xFFFFC000  }
0x240: {  	_ =	swait.ge [sflag:s11], $0x4000  }
0x241: {  	[sflag:s11] =	ssyncset.done $0x0  }
0x242: {  	[sflag:s11] =	ssyncadd.s32 $0xFFFFC000  }
0x243: {  	_ =	swait.ge [sflag:s7], $0x4000  }
0x244: {  	[sflag:s7] =	ssyncset.done $0x0  }
0x245: {  	s30 =	rddreg [dreg:$0x14];
	[sflag:s7] =	ssyncadd.s32 $0xFFFFC000  }
0x246: {  	[spmem:s2] =	stream.indirect.scatter.add.f32 [tilespmem:s6], [sflag:$0x1], $0x80, s30, s8, $0xb8;
	[tilespmem:$0x19400] =	vst v63  }
0x247: {  	s31 =	rddreg [dreg:$0x15]  }
0x248: {  	[spmem:s2] =	stream.indirect.scatter.add.f32 [tilespmem:s6], [sflag:$0x2], $0x80, s31, s8, $0xb8;
	[tilespmem:$0x19400] =	vst v63  }
0x249: {  	s30 =	rddreg [dreg:$0x16]  }
0x24a: {  	[spmem:s2] =	stream.indirect.scatter.add.f32 [tilespmem:s6], [sflag:$0x3], $0x80, s30, s8, $0xb8;
	[tilespmem:$0x19400] =	vst v63  }
0x24b: {  	s31 =	rddreg [dreg:$0x17]  }
0x24c: {  	[spmem:s2] =	stream.indirect.scatter.add.f32 [tilespmem:s6], [sflag:$0x4], $0x80, s31, s8, $0xb8;
	[tilespmem:$0x19400] =	vst v63  }
0x24d: {  	_ =	swait.ge [sflag:s9], $0x4000  }
0x24e: {  	[sflag:s9] =	ssyncset.done $0x0  }
0x24f: {  	[sflag:s9] =	ssyncadd.s32 $0xFFFFC000  }
0x250: {  	_ =	swait.ge [sflag:s10], $0x4000  }
0x251: {  	[sflag:s10] =	ssyncset.done $0x0  }
0x252: {  	[sflag:s10] =	ssyncadd.s32 $0xFFFFC000  }
0x253: {  	_ =	swait.ge [sflag:s11], $0x4000  }
0x254: {  	[sflag:s11] =	ssyncset.done $0x0  }
0x255: {  	[sflag:s11] =	ssyncadd.s32 $0xFFFFC000  }
0x256: {  	_ =	swait.ge [sflag:s7], $0x4000  }
0x257: {  	[sflag:s7] =	ssyncset.done $0x0  }
0x258: {  	s30 =	rddreg [dreg:$0x18];
	[sflag:s7] =	ssyncadd.s32 $0xFFFFC000  }
0x259: {  	[spmem:s2] =	stream.indirect.scatter.add.f32 [tilespmem:s6], [sflag:$0x1], $0x80, s30, s8, $0xb8;
	[tilespmem:$0x19400] =	vst v63  }
0x25a: {  	s31 =	rddreg [dreg:$0x19]  }
0x25b: {  	[spmem:s2] =	stream.indirect.scatter.add.f32 [tilespmem:s6], [sflag:$0x2], $0x80, s31, s8, $0xb8;
	[tilespmem:$0x19400] =	vst v63  }
0x25c: {  	s30 =	rddreg [dreg:$0x1a]  }
0x25d: {  	[spmem:s2] =	stream.indirect.scatter.add.f32 [tilespmem:s6], [sflag:$0x3], $0x80, s30, s8, $0xb8;
	[tilespmem:$0x19400] =	vst v63  }
0x25e: {  	s31 =	rddreg [dreg:$0x1b]  }
0x25f: {  	[spmem:s2] =	stream.indirect.scatter.add.f32 [tilespmem:s6], [sflag:$0x4], $0x80, s31, s8, $0xb8;
	[tilespmem:$0x19400] =	vst v63  }
0x260: {  	_ =	swait.ge [sflag:s9], $0x4000  }
0x261: {  	[sflag:s9] =	ssyncset.done $0x0  }
0x262: {  	[sflag:s9] =	ssyncadd.s32 $0xFFFFC000  }
0x263: {  	_ =	swait.ge [sflag:s10], $0x4000  }
0x264: {  	[sflag:s10] =	ssyncset.done $0x0  }
0x265: {  	[sflag:s10] =	ssyncadd.s32 $0xFFFFC000  }
0x266: {  	_ =	swait.ge [sflag:s11], $0x4000  }
0x267: {  	[sflag:s11] =	ssyncset.done $0x0  }
0x268: {  	[sflag:s11] =	ssyncadd.s32 $0xFFFFC000  }
0x269: {  	_ =	swait.ge [sflag:s7], $0x4000  }
0x26a: {  	[sflag:s7] =	ssyncset.done $0x0  }
0x26b: {  	s1 =	rddreg [dreg:$0x1c];
	[sflag:s7] =	ssyncadd.s32 $0xFFFFC000  }
0x26c: {  	[spmem:s2] =	stream.indirect.scatter.add.f32 [tilespmem:s6], [sflag:$0x1], $0x80, s1, s8, $0xb8;
	[tilespmem:$0x19400] =	vst v63  }
0x26d: {  	s30 =	rddreg [dreg:$0x1d]  }
0x26e: {  	[spmem:s2] =	stream.indirect.scatter.add.f32 [tilespmem:s6], [sflag:$0x2], $0x80, s30, s8, $0xb8;
	[tilespmem:$0x19400] =	vst v63  }
0x26f: {  	s31 =	rddreg [dreg:$0x1e]  }
0x270: {  	[spmem:s2] =	stream.indirect.scatter.add.f32 [tilespmem:s6], [sflag:$0x3], $0x80, s31, s8, $0xb8;
	[tilespmem:$0x19400] =	vst v63  }
0x271: {  	_ = 	snop  }
0x272: {  	[spmem:s2] =	stream.indirect.scatter.add.f32 [tilespmem:s6], [sflag:$0x4], $0x80, s16, s8, $0xb8;
	[tilespmem:$0x19400] =	vst v63  }
0x273: {  	_ =	swait.ge [sflag:s9], $0x4000  }
0x274: {  	[sflag:s9] =	ssyncset.done $0x0  }
0x275: {  	[sflag:s9] =	ssyncadd.s32 $0xFFFFC000  }
0x276: {  	_ =	swait.ge [sflag:s10], $0x4000  }
0x277: {  	[sflag:s10] =	ssyncset.done $0x0  }
0x278: {  	[sflag:s10] =	ssyncadd.s32 $0xFFFFC000  }
0x279: {  	_ =	swait.ge [sflag:s11], $0x4000  }
0x27a: {  	[sflag:s11] =	ssyncset.done $0x0  }
0x27b: {  	[sflag:s11] =	ssyncadd.s32 $0xFFFFC000  }
0x27c: {  	_ =	swait.ge [sflag:s7], $0x4000  }
0x27d: {  	[sflag:s7] =	ssyncset.done $0x0  }
0x27e: {  	[sflag:s7] =	ssyncadd.s32 $0xFFFFC000  }
0x27f: {  	[spmem:s2] =	stream.indirect.scatter.add.f32 [tilespmem:s6], [sflag:$0x1], $0x80, s25, s8, $0xb8;
	[tilespmem:$0x19400] =	vst v63  }
0x280: {  	_ = 	snop  }
0x281: {  	[spmem:s2] =	stream.indirect.scatter.add.f32 [tilespmem:s6], [sflag:$0x2], $0x80, s26, s8, $0xb8;
	[tilespmem:$0x19400] =	vst v63  }
0x282: {  	_ = 	snop  }
0x283: {  	[spmem:s2] =	stream.indirect.scatter.add.f32 [tilespmem:s6], [sflag:$0x3], $0x80, s28, s8, $0xb8;
	[tilespmem:$0x19400] =	vst v63  }
0x284: {  	_ = 	snop  }
0x285: {  	[spmem:s2] =	stream.indirect.scatter.add.f32 [tilespmem:s6], [sflag:$0x4], $0x80, s29, s8, $0xb8;
	[tilespmem:$0x19400] =	vst v63  }
0x286: {  	_ =	swait.ge [sflag:s9], $0x4000  }
0x287: {  	[sflag:s9] =	ssyncset.done $0x0  }
0x288: {  	[sflag:s9] =	ssyncadd.s32 $0xFFFFC000  }
0x289: {  	_ =	swait.ge [sflag:s10], $0x4000  }
0x28a: {  	[sflag:s10] =	ssyncset.done $0x0  }
0x28b: {  	[sflag:s10] =	ssyncadd.s32 $0xFFFFC000  }
0x28c: {  	_ =	swait.ge [sflag:s11], $0x4000  }
0x28d: {  	[sflag:s11] =	ssyncset.done $0x0  }
0x28e: {  	[sflag:s11] =	ssyncadd.s32 $0xFFFFC000  }
0x28f: {  	_ =	swait.ge [sflag:s7], $0x4000  }
0x290: {  	[sflag:s7] =	ssyncset.done $0x0  }
0x291: {  	[sflag:s7] =	ssyncadd.s32 $0xFFFFC000  }
0x292: {  	[spmem:s2] =	stream.indirect.scatter.add.f32 [tilespmem:s6], [sflag:$0x1], $0x80, s21, s8, $0xb8;
	[tilespmem:$0x19400] =	vst v63  }
0x293: {  	_ = 	snop  }
0x294: {  	[spmem:s2] =	stream.indirect.scatter.add.f32 [tilespmem:s6], [sflag:$0x2], $0x80, s22, s8, $0xb8;
	[tilespmem:$0x19400] =	vst v63  }
0x295: {  	_ = 	snop  }
0x296: {  	[spmem:s2] =	stream.indirect.scatter.add.f32 [tilespmem:s6], [sflag:$0x3], $0x80, s23, s8, $0xb8;
	[tilespmem:$0x19400] =	vst v63  }
0x297: {  	_ = 	snop  }
0x298: {  	[spmem:s2] =	stream.indirect.scatter.add.f32 [tilespmem:s6], [sflag:$0x4], $0x80, s24, s8, $0xb8;
	[tilespmem:$0x19400] =	vst v63  }
0x299: {  	_ =	swait.ge [sflag:s9], $0x4000  }
0x29a: {  	[sflag:s9] =	ssyncset.done $0x0  }
0x29b: {  	[sflag:s9] =	ssyncadd.s32 $0xFFFFC000  }
0x29c: {  	_ =	swait.ge [sflag:s10], $0x4000  }
0x29d: {  	[sflag:s10] =	ssyncset.done $0x0  }
0x29e: {  	[sflag:s10] =	ssyncadd.s32 $0xFFFFC000  }
0x29f: {  	_ =	swait.ge [sflag:s11], $0x4000  }
0x2a0: {  	[sflag:s11] =	ssyncset.done $0x0  }
0x2a1: {  	[sflag:s11] =	ssyncadd.s32 $0xFFFFC000  }
0x2a2: {  	_ =	swait.ge [sflag:s7], $0x4000  }
0x2a3: {  	[sflag:s7] =	ssyncset.done $0x0  }
0x2a4: {  	[sflag:s7] =	ssyncadd.s32 $0xFFFFC000  }
0x2a5: {  	[spmem:s2] =	stream.indirect.scatter.add.f32 [tilespmem:s6], [sflag:$0x1], $0x80, s17, s8, $0xb8;
	[tilespmem:$0x19400] =	vst v63  }
0x2a6: {  	_ = 	snop  }
0x2a7: {  	[spmem:s2] =	stream.indirect.scatter.add.f32 [tilespmem:s6], [sflag:$0x2], $0x80, s18, s8, $0xb8;
	[tilespmem:$0x19400] =	vst v63  }
0x2a8: {  	_ = 	snop  }
0x2a9: {  	[spmem:s2] =	stream.indirect.scatter.add.f32 [tilespmem:s6], [sflag:$0x3], $0x80, s19, s8, $0xb8;
	[tilespmem:$0x19400] =	vst v63  }
0x2aa: {  	_ = 	snop  }
0x2ab: {  	[spmem:s2] =	stream.indirect.scatter.add.f32 [tilespmem:s6], [sflag:$0x4], $0x80, s20, s8, $0xb8;
	[tilespmem:$0x19400] =	vst v63  }
0x2ac: {  	_ =	swait.ge [sflag:s9], $0x4000  }
0x2ad: {  	[sflag:s9] =	ssyncset.done $0x0  }
0x2ae: {  	[sflag:s9] =	ssyncadd.s32 $0xFFFFC000  }
0x2af: {  	_ =	swait.ge [sflag:s10], $0x4000  }
0x2b0: {  	[sflag:s10] =	ssyncset.done $0x0  }
0x2b1: {  	[sflag:s10] =	ssyncadd.s32 $0xFFFFC000  }
0x2b2: {  	_ =	swait.ge [sflag:s11], $0x4000  }
0x2b3: {  	[sflag:s11] =	ssyncset.done $0x0  }
0x2b4: {  	[sflag:s11] =	ssyncadd.s32 $0xFFFFC000  }
0x2b5: {  	_ =	swait.ge [sflag:s7], $0x4000  }
0x2b6: {  	[sflag:s7] =	ssyncset.done $0x0  }
0x2b7: {  	[sflag:s7] =	ssyncadd.s32 $0xFFFFC000  }
0x2b8: {  	[spmem:s2] =	stream.indirect.scatter.add.f32 [tilespmem:s6], [sflag:$0x1], $0x80, s13, s8, $0xb8;
	[tilespmem:$0x19400] =	vst v63  }
0x2b9: {  	_ = 	snop  }
0x2ba: {  	[spmem:s2] =	stream.indirect.scatter.add.f32 [tilespmem:s6], [sflag:$0x2], $0x80, s14, s8, $0xb8;
	[tilespmem:$0x19400] =	vst v63  }
0x2bb: {  	_ = 	snop  }
0x2bc: {  	[spmem:s2] =	stream.indirect.scatter.add.f32 [tilespmem:s6], [sflag:$0x3], $0x80, s15, s8, $0xb8;
	[tilespmem:$0x19400] =	vst v63  }
0x2bd: {  	s30 =	simm.s32 $0x1380  }
0x2be: {  	[spmem:s2] =	stream.indirect.scatter.add.f32 [tilespmem:s6], [sflag:$0x4], $0x80, s30, s8, $0xb8;
	[tilespmem:$0x19400] =	vst v63  }
0x2bf: {  	_ =	swait.ge [sflag:s9], $0x4000  }
0x2c0: {  	[sflag:s9] =	ssyncset.done $0x0  }
0x2c1: {  	[sflag:s9] =	ssyncadd.s32 $0xFFFFC000  }
0x2c2: {  	_ =	swait.ge [sflag:s10], $0x4000  }
0x2c3: {  	[sflag:s10] =	ssyncset.done $0x0  }
0x2c4: {  	[sflag:s10] =	ssyncadd.s32 $0xFFFFC000  }
0x2c5: {  	_ =	swait.ge [sflag:s11], $0x4000  }
0x2c6: {  	[sflag:s11] =	ssyncset.done $0x0  }
0x2c7: {  	[sflag:s11] =	ssyncadd.s32 $0xFFFFC000  }
0x2c8: {  	_ =	swait.ge [sflag:s7], $0x4000  }
0x2c9: {  	[sflag:s7] =	ssyncset.done $0x0  }
0x2ca: {  	[sflag:s7] =	ssyncadd.s32 $0xFFFFC000  }
0x2cb: {  	[bflag:$0x0] =	sbarrier.arrive $0xFFFF  }
0x2cc: {  	s31 =	rddreg [dreg:$0x5]  }
0x2cd: {  	[hbm:s31], [sflag:s4] =	dma.local [spmem:s5], $0x2800  }
0x2ce: {  	_ =	swait.ge [sflag:s3], $0x2800  }
0x2cf: {  	[sflag:s3] =	ssyncset.done $0x0  }
0x2d0: {  	[sflag:s3] =	ssyncadd.s32 $0xFFFFD800  }
0x2d1: {  	_ =	sfence.sel $0x180000  }
0x2d2: {  	[bflag:$0x0] =	sbarrier.arrive $0xFFFF  }
0x2d3: {  	_ =	strace $0x90000047  }
0x2d4: {  	[bflag:$0x2] =	sbarrier.arrive $0xFFFF  }
0x2d5: {  	p0 =	sne.s32 s12, $0x0;
	s0 =	rddreg [dreg:$0x2]  }
0x2d6: {  	s0 =	sadd.s32 @!p0 $0x100000, s0  }
0x2d7: {  	[sflag:s0] =	ssyncadd.tile.s32 @!p0 $0x1;
	_ =	shalt  }
.LBB2_1:
0x2d8: {  	s16 =	simm.s32 $0xB80;
	s29 =	simm.s32 $0xD80  }
.Ltmp3:
0x2d9: {  	s28 =	simm.s32 $0xD00;
	s26 =	simm.s32 $0xC80;
	(pc) =	sbr.rel .LBB2_6-.Ltmp3, $4  }
0x2da: {  	s25 =	simm.s32 $0xC00;
	s24 =	simm.s32 $0xF80;
	s23 =	simm.s32 $0xF00  }
0x2db: {  	s22 =	simm.s32 $0xE80;
	s21 =	simm.s32 $0xE00;
	s20 =	simm.s32 $0x1180  }
0x2dc: {  	s19 =	simm.s32 $0x1100;
	s18 =	simm.s32 $0x1080;
	s17 =	simm.s32 $0x1000  }
0x2dd: {  	s15 =	simm.s32 $0x1300;
	s14 =	simm.s32 $0x1280;
	s13 =	simm.s32 $0x1200  }
.LBB2_3:
0x2de: {  	s16 =	simm.s32 $0xB80;
	s29 =	simm.s32 $0xD80;
	s28 =	simm.s32 $0xD00  }
.Ltmp4:
0x2df: {  	s26 =	simm.s32 $0xC80;
	s25 =	simm.s32 $0xC00;
	(pc) =	sbr.rel .LBB2_6-.Ltmp4, $4  }
0x2e0: {  	s24 =	simm.s32 $0xF80;
	s23 =	simm.s32 $0xF00;
	s22 =	simm.s32 $0xE80  }
0x2e1: {  	s21 =	simm.s32 $0xE00;
	s20 =	simm.s32 $0x1180;
	s19 =	simm.s32 $0x1100  }
0x2e2: {  	s18 =	simm.s32 $0x1080;
	s17 =	simm.s32 $0x1000;
	s15 =	simm.s32 $0x1300  }
0x2e3: {  	s14 =	simm.s32 $0x1280;
	s13 =	simm.s32 $0x1200;
	s12 =	stileid.u32  }
.Lfunc_end2:
_tile_overlayer_lowered:
.L_overlay_start_2:
0x2e4: {  	(tag) =	ssettag $0x2  }
0x2e5: {  	s0 =	rddreg [dreg:$0x0];
	s2 =	stileid.u32  }
0x2e6: {  	s1 =	rddreg [dreg:$0x1];
	p0 =	sne.s32 s2, $0x0  }
0x2e7: {  	s3 =	rddreg [dreg:$0x2];
	[bflag:$0x3] =	sbarrier.arrive $0xFFFF;
	s2 =	simm.s32 @!p0 $0x1C05  }
0x2e8: {  	[timem:s3], [sflag:s2] =	dma.local @!p0 [hbm:s0], s1  }
0x2e9: {  	s0 =	simm.s32 @!p0 $0x5  }
0x2ea: {  	_ =	swait.ge @!p0 [sflag:s0], s1  }
0x2eb: {  	s1 =	ssub.s32 @!p0 $0x0, s1;
	[sflag:s0] =	ssyncset.done @!p0 $0x0  }
0x2ec: {  	[sflag:s0] =	ssyncadd.s32 @!p0 s1  }
0x2ed: {  	[bflag:$0x3] =	sbarrier.arrive $0xFFFF  }
0x2ee: {  	_ =	shalt  }

</sc_bundles>
